<compile_context>
chip_gen: v7x
topology: tpu7x:2x2x1
jax: 0.10.2.dev20260603
libtpu: 0.0.44.dev20260713+nightly
codegen_flags: <defaults>
</compile_context>

<pallas_src>
import jax
import jax.numpy as jnp
from jax import lax
from jax.experimental import pallas as pl
from jax.experimental.pallas import tpu as pltpu
from jax.experimental.pallas import tpu_sc as plsc

NUM_EMB = 1000000
DIM = 64
BATCH = 16384

NUM_CORES = 2
NUM_SUBCORES = 16
NUM_WORKERS = NUM_CORES * NUM_SUBCORES
B_PER_W = BATCH // NUM_WORKERS
NBUF = 7
LPAD = 544
Q_MAX = (NUM_EMB - 1) >> 7


def _fire(tabT_hbm, blocks, sems, s, qval):
    q = lax.max(lax.min(qval, Q_MAX), 0)
    col = pl.multiple_of(lax.shift_left(q, 7), 128)
    pltpu.async_copy(tabT_hbm.at[:, pl.ds(col, 128)], blocks.at[s], sems[s])


def _body(x_hbm, tabT_hbm, out_hbm, xv, qlist, runstart, blocks, rowstage,
          s0, s1, s2, s3, s4, s5, s6):
    sems = (s0, s1, s2, s3, s4, s5, s6)
    wid = lax.axis_index("s") * NUM_CORES + lax.axis_index("c")
    base = wid * B_PER_W

    pltpu.sync_copy(x_hbm.at[pl.ds(base, B_PER_W)], xv.at[pl.ds(0, B_PER_W)])

    lane = lax.iota(jnp.int32, 16)
    endv = lax.broadcast(jnp.int32(B_PER_W), (16,))

    def fill(v, _):
        runstart[pl.ds(v * 16, 16)] = endv
        return _

    lax.fori_loop(0, LPAD // 16, fill, None)

    def scan(g, off):
        il = lane + g * 16
        qv = lax.shift_right_logical(xv[pl.ds(g * 16, 16)], 7)
        xprev = plsc.load_gather(xv, [lax.max(il - 1, 0)])
        qprev = lax.shift_right_logical(xprev, 7)
        isnew = (qv != qprev) | (il == 0)
        plsc.store_compressed(qlist.at[pl.ds(off, 16)], qv, mask=isnew)
        plsc.store_compressed(runstart.at[pl.ds(off, 16)], il, mask=isnew)
        return off + plsc.all_reduce_population_count(isnew)[0]

    nruns = lax.fori_loop(0, B_PER_W // 16, scan, jnp.int32(0))
    rounds = lax.div(nruns + (NBUF - 1), jnp.int32(NBUF))

    q0 = qlist[pl.ds(0, 16)]
    for s in range(NBUF):
        _fire(tabT_hbm, blocks, sems, s, q0[s])

    def round_body(r, _):
        rs = runstart[pl.ds(r * NBUF, 16)]
        qn = qlist[pl.ds((r + 1) * NBUF, 16)]
        for s in range(NBUF):
            pltpu.make_async_copy(
                tabT_hbm.at[:, pl.ds(0, 128)], blocks.at[s], sems[s]).wait()

            def hit(h, _h):
                xh = xv[pl.ds(h, 16)][0]
                mv = lax.broadcast(xh & 127, (16,))
                sv = lax.broadcast(jnp.int32(s), (16,))
                for k in range(DIM // 16):
                    vals = plsc.load_gather(blocks, [sv, lane + k * 16, mv])
                    rowstage[h, pl.ds(k * 16, 16)] = vals
                return _h

            lax.fori_loop(rs[s], rs[s + 1], hit, None)
            _fire(tabT_hbm, blocks, sems, s, qn[s])
        return _

    lax.fori_loop(0, rounds, round_body, None)

    for s in range(NBUF):
        pltpu.make_async_copy(
            tabT_hbm.at[:, pl.ds(0, 128)], blocks.at[s], sems[s]).wait()

    pltpu.sync_copy(rowstage, out_hbm.at[pl.ds(base, B_PER_W)])


@jax.jit
def kernel(x, table):
    xi = x.astype(jnp.int32)
    tab_t = table.T
    mesh = plsc.VectorSubcoreMesh(
        core_axis_name="c", subcore_axis_name="s",
        num_cores=NUM_CORES, num_subcores=NUM_SUBCORES)
    run = pl.kernel(
        _body,
        out_type=jax.ShapeDtypeStruct((BATCH, 2 * DIM), jnp.float32),
        mesh=mesh,
        scratch_types=[
            pltpu.VMEM((B_PER_W + 16,), jnp.int32),
            pltpu.VMEM((LPAD,), jnp.int32),
            pltpu.VMEM((LPAD,), jnp.int32),
            pltpu.VMEM((NBUF, DIM, 2 * DIM), jnp.float32),
            pltpu.VMEM((B_PER_W, 2 * DIM), jnp.float32),
        ] + [pltpu.SemaphoreType.DMA] * NBUF,
        compiler_params=pltpu.CompilerParams(
            needs_layout_passes=False, disable_bounds_checks=True),
    )
    xs, order = lax.sort_key_val(xi, jnp.arange(BATCH, dtype=jnp.int32))
    inv = jnp.zeros((BATCH,), jnp.int32).at[order].set(
        jnp.arange(BATCH, dtype=jnp.int32))
    out2 = run(xs, tab_t)
    return jnp.take(out2, inv, axis=0)[:, :DIM]

# --- scband reference (transcript-rebuilt; emitter-appended) ---
"""Pipeline reference for scband-nan-embedding-2319282339859 (READ-ONLY COPY).

The authoritative reference and input builder live on the scoring server;
editing this copy changes nothing except your own understanding.
"""

import jax, jax.numpy as jnp
import numpy as np

NUM_EMBEDDINGS = 1000000
EMBEDDING_DIM = 64
PADDING_IDX = 0
BATCH = 16384


def setup_inputs(seed: int = 0) -> dict:
    key = jax.random.key(seed)
    k_idx, k_tab = jax.random.split(key)
    # indices (int; nan_to_num is a no-op for integer input, matching torch semantics)
    x = jax.random.randint(k_idx, (BATCH,), 0, NUM_EMBEDDINGS, dtype=jnp.int32)
    # embedding table ~ nn.Embedding default init N(0,1); padding_idx row zeroed
    table = jax.random.normal(k_tab, (NUM_EMBEDDINGS, EMBEDDING_DIM), dtype=jnp.float32)
    table = table.at[PADDING_IDX].set(0.0)
    return {"x": x, "table": table}


def reference(x, table):
    # x = x.nan_to_num(pad_idx): no-op for integer dtype; if float, replace NaNs with pad idx
    if jnp.issubdtype(x.dtype, jnp.floating):
        x = jnp.nan_to_num(x, nan=float(PADDING_IDX))
    xi = x.astype(jnp.int32)
    # embedding lookup: gather rows of the table
    out = jnp.take(table, xi, axis=0)
    return out

if __name__ == "__main__":
    import jax
    _d = setup_inputs()
    print(jax.jit(kernel)(*tuple(_d.values())))

</pallas_src>

<mosaic_0001>
#map = affine_map<(d0, d1) -> (0)>
#map1 = affine_map<(d0, d1) -> (0, 0)>
module attributes {stable_mosaic.version = 14 : i64} {
  func.func @_body(%arg0: i32, %arg1: i32, %arg2: memref<16384xi32, #tpu.memory_space<hbm>>, %arg3: memref<64x1000000xf32, #tpu.memory_space<hbm>>, %arg4: memref<16384x128xf32, #tpu.memory_space<hbm>>, %arg5: memref<528xi32, #tpu.memory_space<vmem>>, %arg6: memref<544xi32, #tpu.memory_space<vmem>>, %arg7: memref<544xi32, #tpu.memory_space<vmem>>, %arg8: memref<7x64x128xf32, #tpu.memory_space<vmem>>, %arg9: memref<512x128xf32, #tpu.memory_space<vmem>>, %arg10: memref<!tpu.dma_semaphore, #tpu.memory_space<semaphore_mem>>, %arg11: memref<!tpu.dma_semaphore, #tpu.memory_space<semaphore_mem>>, %arg12: memref<!tpu.dma_semaphore, #tpu.memory_space<semaphore_mem>>, %arg13: memref<!tpu.dma_semaphore, #tpu.memory_space<semaphore_mem>>, %arg14: memref<!tpu.dma_semaphore, #tpu.memory_space<semaphore_mem>>, %arg15: memref<!tpu.dma_semaphore, #tpu.memory_space<semaphore_mem>>, %arg16: memref<!tpu.dma_semaphore, #tpu.memory_space<semaphore_mem>>) attributes {dimension_semantics = [#tpu.dimension_semantics<core_parallel>, #tpu.dimension_semantics<subcore_parallel>], iteration_bounds = array<i64: 2, 16>, scalar_prefetch = 0 : i64, scratch_operands = 12 : i64, tpu.core_type = #tpu.core_type<sc_vector_subcore>, window_params = [{transform_indices = #map}, {transform_indices = #map1}, {transform_indices = #map1}]} {
    %mul3A = arith.constant 2 : i32
    %mul3A_0 = arith.muli %arg1, %mul3A : i32
    %add3A = arith.addi %mul3A_0, %arg0 : i32
    %mul3A_1 = arith.constant 512 : i32
    %mul3A_2 = arith.muli %add3A, %mul3A_1 : i32
    "tpu.region"() ({
      %run_scoped3A = tpu.sem_alloc : memref<!tpu.dma_semaphore, #tpu.memory_space<semaphore_mem>>
      %dma_start3A_278 = arith.constant 0 : i32
      %dma_start3A_279 = tpu.memref_slice %arg5[%dma_start3A_278] : memref<528xi32, #tpu.memory_space<vmem>> -> memref<512xi32, #tpu.memory_space<vmem>>
      %dma_start3A_280 = tpu.memref_slice %arg2[%mul3A_2] : memref<16384xi32, #tpu.memory_space<hbm>> -> memref<512xi32, #tpu.memory_space<hbm>>
      %dma_start3A_281 = arith.constant 0 : i32
      %dma_start3A_282 = tpu.memref_slice %arg5[%dma_start3A_281] : memref<528xi32, #tpu.memory_space<vmem>> -> memref<512xi32, #tpu.memory_space<vmem>>
      %dma_start3A_283 = tpu.memref_slice %arg2[%mul3A_2] : memref<16384xi32, #tpu.memory_space<hbm>> -> memref<512xi32, #tpu.memory_space<hbm>>
      tpu.enqueue_dma source(%dma_start3A_283 : memref<512xi32, #tpu.memory_space<hbm>>) target(%dma_start3A_282 : memref<512xi32, #tpu.memory_space<vmem>>) target_semaphore(%run_scoped3A : memref<!tpu.dma_semaphore, #tpu.memory_space<semaphore_mem>>)
      %dma_wait3A_284 = arith.constant 0 : i32
      %dma_wait3A_285 = tpu.memref_slice %arg5[%dma_wait3A_284] : memref<528xi32, #tpu.memory_space<vmem>> -> memref<512xi32, #tpu.memory_space<vmem>>
      %dma_wait3A_286 = tpu.memref_slice %arg2[%mul3A_2] : memref<16384xi32, #tpu.memory_space<hbm>> -> memref<512xi32, #tpu.memory_space<hbm>>
      %dma_wait3A_287 = arith.constant 0 : i32
      %dma_wait3A_288 = tpu.memref_slice %arg5[%dma_wait3A_287] : memref<528xi32, #tpu.memory_space<vmem>> -> memref<512xi32, #tpu.memory_space<vmem>>
      %dma_wait3A_289 = tpu.memref_slice %arg2[%mul3A_2] : memref<16384xi32, #tpu.memory_space<hbm>> -> memref<512xi32, #tpu.memory_space<hbm>>
      tpu.wait_dma2 semaphore(%run_scoped3A : memref<!tpu.dma_semaphore, #tpu.memory_space<semaphore_mem>>) src(%dma_wait3A_289 : memref<512xi32, #tpu.memory_space<hbm>>) dst(%dma_wait3A_288 : memref<512xi32, #tpu.memory_space<vmem>>)
      tpu.yield
    }) : () -> ()
    %iota3A = tpu.iota {dimensions = array<i32: 0>} : vector<16xi32>
    %broadcast_in_dim3A = arith.constant 512 : i32
    %broadcast_in_dim3A_3 = vector.broadcast %broadcast_in_dim3A : i32 to vector<16xi32>
    %scan3A = arith.constant 0 : i32
    %scan3A_4 = arith.constant 34 : i32
    %scan3A_5 = arith.addi %scan3A, %scan3A_4 : i32
    %scan3A_6 = arith.constant 1 : i32
    scf.for %scan3A_278 = %scan3A to %scan3A_5 step %scan3A_6  : i32 {
      %mul3A_279 = arith.constant 16 : i32
      %mul3A_280 = arith.muli %scan3A_278, %mul3A_279 : i32
      %swap3A = arith.index_cast %mul3A_280 : i32 to index
      %swap3A_281 = tpu.vector_load %arg7[%swap3A] {strides = array<i32>} : memref<544xi32, #tpu.memory_space<vmem>>, vector<16xi32>,
      tpu.vector_store %arg7[%swap3A], %broadcast_in_dim3A_3 {strides = array<i32>} : memref<544xi32, #tpu.memory_space<vmem>>, vector<16xi32>,
    }
    %scan3A_7 = arith.constant 34 : i32
    %scan3A_8 = arith.constant 0 : i32
    %scan3A_9 = arith.constant 0 : i32
    %scan3A_10 = arith.constant 32 : i32
    %scan3A_11 = arith.addi %scan3A_9, %scan3A_10 : i32
    %scan3A_12 = arith.constant 1 : i32
    %scan3A_13 = scf.for %scan3A_278 = %scan3A_9 to %scan3A_11 step %scan3A_12 iter_args(%scan3A_279 = %scan3A_8) -> (i32)  : i32 {
      %mul3A_280 = arith.constant 16 : i32
      %mul3A_281 = arith.muli %scan3A_278, %mul3A_280 : i32
      %add3A_282 = vector.broadcast %mul3A_281 : i32 to vector<16xi32>
      %add3A_283 = arith.addi %iota3A, %add3A_282 : vector<16xi32>
      %mul3A_284 = arith.constant 16 : i32
      %mul3A_285 = arith.muli %scan3A_278, %mul3A_284 : i32
      %get3A_286 = arith.index_cast %mul3A_285 : i32 to index
      %get3A_287 = tpu.vector_load %arg5[%get3A_286] {strides = array<i32>} : memref<528xi32, #tpu.memory_space<vmem>>, vector<16xi32>,
      %shift_right_logical3A = arith.constant 7 : i32
      %shift_right_logical3A_288 = vector.broadcast %shift_right_logical3A : i32 to vector<16xi32>
      %shift_right_logical3A_289 = arith.shrui %get3A_287, %shift_right_logical3A_288 : vector<16xi32>
      %sub3A = arith.constant 1 : i32
      %sub3A_290 = vector.broadcast %sub3A : i32 to vector<16xi32>
      %sub3A_291 = arith.subi %add3A_283, %sub3A_290 : vector<16xi32>
      %max3A_292 = arith.constant 0 : i32
      %max3A_293 = vector.broadcast %max3A_292 : i32 to vector<16xi32>
      %max3A_294 = arith.maxsi %sub3A_291, %max3A_293 : vector<16xi32>
      %gather3A = tpu.vector_load_idx %arg5[%max3A_294] : memref<528xi32, #tpu.memory_space<vmem>>[vector<16xi32>], vector<16xi32>,
      %shift_right_logical3A_295 = arith.constant 7 : i32
      %shift_right_logical3A_296 = vector.broadcast %shift_right_logical3A_295 : i32 to vector<16xi32>
      %shift_right_logical3A_297 = arith.shrui %gather3A, %shift_right_logical3A_296 : vector<16xi32>
      %ne3A = arith.cmpi ne, %shift_right_logical3A_289, %shift_right_logical3A_297 : vector<16xi32>
      %eq3A = arith.constant 0 : i32
      %eq3A_298 = vector.broadcast %eq3A : i32 to vector<16xi32>
      %eq3A_299 = arith.cmpi eq, %add3A_283, %eq3A_298 : vector<16xi32>
      %or3A = arith.ori %ne3A, %eq3A_299 : vector<16xi1>
      %swap3A = arith.index_cast %scan3A_279 : i32 to index
      %swap3A_300 = tpu.vector_load %arg6[%swap3A] masked %or3A {strides = array<i32>} : memref<544xi32, #tpu.memory_space<vmem>>, vector<16xi32>, vector<16xi1>
      tpu.vector_store %arg6[%swap3A], %shift_right_logical3A_289 masked %or3A {strides = array<i32>} : memref<544xi32, #tpu.memory_space<vmem>>, vector<16xi32>, vector<16xi1>
      %swap3A_301 = arith.index_cast %scan3A_279 : i32 to index
      %swap3A_302 = tpu.vector_load %arg7[%swap3A_301] masked %or3A {strides = array<i32>} : memref<544xi32, #tpu.memory_space<vmem>>, vector<16xi32>, vector<16xi1>
      tpu.vector_store %arg7[%swap3A_301], %add3A_283 masked %or3A {strides = array<i32>} : memref<544xi32, #tpu.memory_space<vmem>>, vector<16xi32>, vector<16xi1>
      %all_reduce_population_count3A = tpu.all_reduce %or3A {dim = 0 : i64, kind = #tpu.reduction_kind<sum>} : vector<16xi1> -> vector<16xi32>
      %slice3A_303 = vector.extract_strided_slice %all_reduce_population_count3A {offsets = [0], sizes = [1], strides = [1]} : vector<16xi32> to vector<1xi32>
      %squeeze3A_304 = vector.extract %slice3A_303[0] : i32 from vector<1xi32>
      %add3A_305 = arith.addi %scan3A_279, %squeeze3A_304 : i32
      scf.yield %add3A_305 : i32
    }
    %scan3A_14 = arith.constant 32 : i32
    %add3A_15 = arith.constant 6 : i32
    %add3A_16 = arith.addi %scan3A_13, %add3A_15 : i32
    %div3A = arith.constant 7 : i32
    %div3A_17 = arith.divsi %add3A_16, %div3A : i32
    %get3A = arith.constant 0 : index
    %get3A_18 = tpu.vector_load %arg6[%get3A] {strides = array<i32>} : memref<544xi32, #tpu.memory_space<vmem>>, vector<16xi32>,
    %slice3A = vector.extract_strided_slice %get3A_18 {offsets = [0], sizes = [1], strides = [1]} : vector<16xi32> to vector<1xi32>
    %squeeze3A = vector.extract %slice3A[0] : i32 from vector<1xi32>
    %min3A = arith.constant 7812 : i32
    %min3A_19 = arith.minsi %squeeze3A, %min3A : i32
    %max3A = arith.constant 0 : i32
    %max3A_20 = arith.maxsi %min3A_19, %max3A : i32
    %shift_left3A = arith.constant 7 : i32
    %shift_left3A_21 = arith.shli %max3A_20, %shift_left3A : i32
    %multiple_of3A = tpu.assume_multiple %shift_left3A_21, 128 : i32
    %dma_start3A = arith.constant 0 : i32
    %dma_start3A_22 = arith.constant 0 : i32
    %dma_start3A_23 = arith.constant 0 : i32
    %dma_start3A_24 = tpu.memref_slice %arg8[%dma_start3A, %dma_start3A_22, %dma_start3A_23] : memref<7x64x128xf32, #tpu.memory_space<vmem>> -> memref<1x64x128xf32, #tpu.memory_space<vmem>>
    %dma_start3A_25 = tpu.memref_squeeze %dma_start3A_24 : memref<1x64x128xf32, #tpu.memory_space<vmem>> -> memref<64x128xf32, #tpu.memory_space<vmem>>
    %dma_start3A_26 = arith.constant 0 : i32
    %dma_start3A_27 = tpu.memref_slice %arg3[%dma_start3A_26, %multiple_of3A] : memref<64x1000000xf32, #tpu.memory_space<hbm>> -> memref<64x128xf32, #tpu.memory_space<hbm>>
    %dma_start3A_28 = arith.constant 0 : i32
    %dma_start3A_29 = arith.constant 0 : i32
    %dma_start3A_30 = tpu.memref_slice %arg8[%dma_start3A, %dma_start3A_28, %dma_start3A_29] : memref<7x64x128xf32, #tpu.memory_space<vmem>> -> memref<1x64x128xf32, #tpu.memory_space<vmem>>
    %dma_start3A_31 = tpu.memref_squeeze %dma_start3A_30 : memref<1x64x128xf32, #tpu.memory_space<vmem>> -> memref<64x128xf32, #tpu.memory_space<vmem>>
    %dma_start3A_32 = arith.constant 0 : i32
    %dma_start3A_33 = tpu.memref_slice %arg3[%dma_start3A_32, %multiple_of3A] : memref<64x1000000xf32, #tpu.memory_space<hbm>> -> memref<64x128xf32, #tpu.memory_space<hbm>>
    tpu.enqueue_dma source(%dma_start3A_33 : memref<64x128xf32, #tpu.memory_space<hbm>>) target(%dma_start3A_31 : memref<64x128xf32, #tpu.memory_space<vmem>>) target_semaphore(%arg10 : memref<!tpu.dma_semaphore, #tpu.memory_space<semaphore_mem>>)
    %slice3A_34 = vector.extract_strided_slice %get3A_18 {offsets = [1], sizes = [1], strides = [1]} : vector<16xi32> to vector<1xi32>
    %squeeze3A_35 = vector.extract %slice3A_34[0] : i32 from vector<1xi32>
    %min3A_36 = arith.constant 7812 : i32
    %min3A_37 = arith.minsi %squeeze3A_35, %min3A_36 : i32
    %max3A_38 = arith.constant 0 : i32
    %max3A_39 = arith.maxsi %min3A_37, %max3A_38 : i32
    %shift_left3A_40 = arith.constant 7 : i32
    %shift_left3A_41 = arith.shli %max3A_39, %shift_left3A_40 : i32
    %multiple_of3A_42 = tpu.assume_multiple %shift_left3A_41, 128 : i32
    %dma_start3A_43 = arith.constant 1 : i32
    %dma_start3A_44 = arith.constant 0 : i32
    %dma_start3A_45 = arith.constant 0 : i32
    %dma_start3A_46 = tpu.memref_slice %arg8[%dma_start3A_43, %dma_start3A_44, %dma_start3A_45] : memref<7x64x128xf32, #tpu.memory_space<vmem>> -> memref<1x64x128xf32, #tpu.memory_space<vmem>>
    %dma_start3A_47 = tpu.memref_squeeze %dma_start3A_46 : memref<1x64x128xf32, #tpu.memory_space<vmem>> -> memref<64x128xf32, #tpu.memory_space<vmem>>
    %dma_start3A_48 = arith.constant 0 : i32
    %dma_start3A_49 = tpu.memref_slice %arg3[%dma_start3A_48, %multiple_of3A_42] : memref<64x1000000xf32, #tpu.memory_space<hbm>> -> memref<64x128xf32, #tpu.memory_space<hbm>>
    %dma_start3A_50 = arith.constant 0 : i32
    %dma_start3A_51 = arith.constant 0 : i32
    %dma_start3A_52 = tpu.memref_slice %arg8[%dma_start3A_43, %dma_start3A_50, %dma_start3A_51] : memref<7x64x128xf32, #tpu.memory_space<vmem>> -> memref<1x64x128xf32, #tpu.memory_space<vmem>>
    %dma_start3A_53 = tpu.memref_squeeze %dma_start3A_52 : memref<1x64x128xf32, #tpu.memory_space<vmem>> -> memref<64x128xf32, #tpu.memory_space<vmem>>
    %dma_start3A_54 = arith.constant 0 : i32
    %dma_start3A_55 = tpu.memref_slice %arg3[%dma_start3A_54, %multiple_of3A_42] : memref<64x1000000xf32, #tpu.memory_space<hbm>> -> memref<64x128xf32, #tpu.memory_space<hbm>>
    tpu.enqueue_dma source(%dma_start3A_55 : memref<64x128xf32, #tpu.memory_space<hbm>>) target(%dma_start3A_53 : memref<64x128xf32, #tpu.memory_space<vmem>>) target_semaphore(%arg11 : memref<!tpu.dma_semaphore, #tpu.memory_space<semaphore_mem>>)
    %slice3A_56 = vector.extract_strided_slice %get3A_18 {offsets = [2], sizes = [1], strides = [1]} : vector<16xi32> to vector<1xi32>
    %squeeze3A_57 = vector.extract %slice3A_56[0] : i32 from vector<1xi32>
    %min3A_58 = arith.constant 7812 : i32
    %min3A_59 = arith.minsi %squeeze3A_57, %min3A_58 : i32
    %max3A_60 = arith.constant 0 : i32
    %max3A_61 = arith.maxsi %min3A_59, %max3A_60 : i32
    %shift_left3A_62 = arith.constant 7 : i32
    %shift_left3A_63 = arith.shli %max3A_61, %shift_left3A_62 : i32
    %multiple_of3A_64 = tpu.assume_multiple %shift_left3A_63, 128 : i32
    %dma_start3A_65 = arith.constant 2 : i32
    %dma_start3A_66 = arith.constant 0 : i32
    %dma_start3A_67 = arith.constant 0 : i32
    %dma_start3A_68 = tpu.memref_slice %arg8[%dma_start3A_65, %dma_start3A_66, %dma_start3A_67] : memref<7x64x128xf32, #tpu.memory_space<vmem>> -> memref<1x64x128xf32, #tpu.memory_space<vmem>>
    %dma_start3A_69 = tpu.memref_squeeze %dma_start3A_68 : memref<1x64x128xf32, #tpu.memory_space<vmem>> -> memref<64x128xf32, #tpu.memory_space<vmem>>
    %dma_start3A_70 = arith.constant 0 : i32
    %dma_start3A_71 = tpu.memref_slice %arg3[%dma_start3A_70, %multiple_of3A_64] : memref<64x1000000xf32, #tpu.memory_space<hbm>> -> memref<64x128xf32, #tpu.memory_space<hbm>>
    %dma_start3A_72 = arith.constant 0 : i32
    %dma_start3A_73 = arith.constant 0 : i32
    %dma_start3A_74 = tpu.memref_slice %arg8[%dma_start3A_65, %dma_start3A_72, %dma_start3A_73] : memref<7x64x128xf32, #tpu.memory_space<vmem>> -> memref<1x64x128xf32, #tpu.memory_space<vmem>>
    %dma_start3A_75 = tpu.memref_squeeze %dma_start3A_74 : memref<1x64x128xf32, #tpu.memory_space<vmem>> -> memref<64x128xf32, #tpu.memory_space<vmem>>
    %dma_start3A_76 = arith.constant 0 : i32
    %dma_start3A_77 = tpu.memref_slice %arg3[%dma_start3A_76, %multiple_of3A_64] : memref<64x1000000xf32, #tpu.memory_space<hbm>> -> memref<64x128xf32, #tpu.memory_space<hbm>>
    tpu.enqueue_dma source(%dma_start3A_77 : memref<64x128xf32, #tpu.memory_space<hbm>>) target(%dma_start3A_75 : memref<64x128xf32, #tpu.memory_space<vmem>>) target_semaphore(%arg12 : memref<!tpu.dma_semaphore, #tpu.memory_space<semaphore_mem>>)
    %slice3A_78 = vector.extract_strided_slice %get3A_18 {offsets = [3], sizes = [1], strides = [1]} : vector<16xi32> to vector<1xi32>
    %squeeze3A_79 = vector.extract %slice3A_78[0] : i32 from vector<1xi32>
    %min3A_80 = arith.constant 7812 : i32
    %min3A_81 = arith.minsi %squeeze3A_79, %min3A_80 : i32
    %max3A_82 = arith.constant 0 : i32
    %max3A_83 = arith.maxsi %min3A_81, %max3A_82 : i32
    %shift_left3A_84 = arith.constant 7 : i32
    %shift_left3A_85 = arith.shli %max3A_83, %shift_left3A_84 : i32
    %multiple_of3A_86 = tpu.assume_multiple %shift_left3A_85, 128 : i32
    %dma_start3A_87 = arith.constant 3 : i32
    %dma_start3A_88 = arith.constant 0 : i32
    %dma_start3A_89 = arith.constant 0 : i32
    %dma_start3A_90 = tpu.memref_slice %arg8[%dma_start3A_87, %dma_start3A_88, %dma_start3A_89] : memref<7x64x128xf32, #tpu.memory_space<vmem>> -> memref<1x64x128xf32, #tpu.memory_space<vmem>>
    %dma_start3A_91 = tpu.memref_squeeze %dma_start3A_90 : memref<1x64x128xf32, #tpu.memory_space<vmem>> -> memref<64x128xf32, #tpu.memory_space<vmem>>
    %dma_start3A_92 = arith.constant 0 : i32
    %dma_start3A_93 = tpu.memref_slice %arg3[%dma_start3A_92, %multiple_of3A_86] : memref<64x1000000xf32, #tpu.memory_space<hbm>> -> memref<64x128xf32, #tpu.memory_space<hbm>>
    %dma_start3A_94 = arith.constant 0 : i32
    %dma_start3A_95 = arith.constant 0 : i32
    %dma_start3A_96 = tpu.memref_slice %arg8[%dma_start3A_87, %dma_start3A_94, %dma_start3A_95] : memref<7x64x128xf32, #tpu.memory_space<vmem>> -> memref<1x64x128xf32, #tpu.memory_space<vmem>>
    %dma_start3A_97 = tpu.memref_squeeze %dma_start3A_96 : memref<1x64x128xf32, #tpu.memory_space<vmem>> -> memref<64x128xf32, #tpu.memory_space<vmem>>
    %dma_start3A_98 = arith.constant 0 : i32
    %dma_start3A_99 = tpu.memref_slice %arg3[%dma_start3A_98, %multiple_of3A_86] : memref<64x1000000xf32, #tpu.memory_space<hbm>> -> memref<64x128xf32, #tpu.memory_space<hbm>>
    tpu.enqueue_dma source(%dma_start3A_99 : memref<64x128xf32, #tpu.memory_space<hbm>>) target(%dma_start3A_97 : memref<64x128xf32, #tpu.memory_space<vmem>>) target_semaphore(%arg13 : memref<!tpu.dma_semaphore, #tpu.memory_space<semaphore_mem>>)
    %slice3A_100 = vector.extract_strided_slice %get3A_18 {offsets = [4], sizes = [1], strides = [1]} : vector<16xi32> to vector<1xi32>
    %squeeze3A_101 = vector.extract %slice3A_100[0] : i32 from vector<1xi32>
    %min3A_102 = arith.constant 7812 : i32
    %min3A_103 = arith.minsi %squeeze3A_101, %min3A_102 : i32
    %max3A_104 = arith.constant 0 : i32
    %max3A_105 = arith.maxsi %min3A_103, %max3A_104 : i32
    %shift_left3A_106 = arith.constant 7 : i32
    %shift_left3A_107 = arith.shli %max3A_105, %shift_left3A_106 : i32
    %multiple_of3A_108 = tpu.assume_multiple %shift_left3A_107, 128 : i32
    %dma_start3A_109 = arith.constant 4 : i32
    %dma_start3A_110 = arith.constant 0 : i32
    %dma_start3A_111 = arith.constant 0 : i32
    %dma_start3A_112 = tpu.memref_slice %arg8[%dma_start3A_109, %dma_start3A_110, %dma_start3A_111] : memref<7x64x128xf32, #tpu.memory_space<vmem>> -> memref<1x64x128xf32, #tpu.memory_space<vmem>>
    %dma_start3A_113 = tpu.memref_squeeze %dma_start3A_112 : memref<1x64x128xf32, #tpu.memory_space<vmem>> -> memref<64x128xf32, #tpu.memory_space<vmem>>
    %dma_start3A_114 = arith.constant 0 : i32
    %dma_start3A_115 = tpu.memref_slice %arg3[%dma_start3A_114, %multiple_of3A_108] : memref<64x1000000xf32, #tpu.memory_space<hbm>> -> memref<64x128xf32, #tpu.memory_space<hbm>>
    %dma_start3A_116 = arith.constant 0 : i32
    %dma_start3A_117 = arith.constant 0 : i32
    %dma_start3A_118 = tpu.memref_slice %arg8[%dma_start3A_109, %dma_start3A_116, %dma_start3A_117] : memref<7x64x128xf32, #tpu.memory_space<vmem>> -> memref<1x64x128xf32, #tpu.memory_space<vmem>>
    %dma_start3A_119 = tpu.memref_squeeze %dma_start3A_118 : memref<1x64x128xf32, #tpu.memory_space<vmem>> -> memref<64x128xf32, #tpu.memory_space<vmem>>
    %dma_start3A_120 = arith.constant 0 : i32
    %dma_start3A_121 = tpu.memref_slice %arg3[%dma_start3A_120, %multiple_of3A_108] : memref<64x1000000xf32, #tpu.memory_space<hbm>> -> memref<64x128xf32, #tpu.memory_space<hbm>>
    tpu.enqueue_dma source(%dma_start3A_121 : memref<64x128xf32, #tpu.memory_space<hbm>>) target(%dma_start3A_119 : memref<64x128xf32, #tpu.memory_space<vmem>>) target_semaphore(%arg14 : memref<!tpu.dma_semaphore, #tpu.memory_space<semaphore_mem>>)
    %slice3A_122 = vector.extract_strided_slice %get3A_18 {offsets = [5], sizes = [1], strides = [1]} : vector<16xi32> to vector<1xi32>
    %squeeze3A_123 = vector.extract %slice3A_122[0] : i32 from vector<1xi32>
    %min3A_124 = arith.constant 7812 : i32
    %min3A_125 = arith.minsi %squeeze3A_123, %min3A_124 : i32
    %max3A_126 = arith.constant 0 : i32
    %max3A_127 = arith.maxsi %min3A_125, %max3A_126 : i32
    %shift_left3A_128 = arith.constant 7 : i32
    %shift_left3A_129 = arith.shli %max3A_127, %shift_left3A_128 : i32
    %multiple_of3A_130 = tpu.assume_multiple %shift_left3A_129, 128 : i32
    %dma_start3A_131 = arith.constant 5 : i32
    %dma_start3A_132 = arith.constant 0 : i32
    %dma_start3A_133 = arith.constant 0 : i32
    %dma_start3A_134 = tpu.memref_slice %arg8[%dma_start3A_131, %dma_start3A_132, %dma_start3A_133] : memref<7x64x128xf32, #tpu.memory_space<vmem>> -> memref<1x64x128xf32, #tpu.memory_space<vmem>>
    %dma_start3A_135 = tpu.memref_squeeze %dma_start3A_134 : memref<1x64x128xf32, #tpu.memory_space<vmem>> -> memref<64x128xf32, #tpu.memory_space<vmem>>
    %dma_start3A_136 = arith.constant 0 : i32
    %dma_start3A_137 = tpu.memref_slice %arg3[%dma_start3A_136, %multiple_of3A_130] : memref<64x1000000xf32, #tpu.memory_space<hbm>> -> memref<64x128xf32, #tpu.memory_space<hbm>>
    %dma_start3A_138 = arith.constant 0 : i32
    %dma_start3A_139 = arith.constant 0 : i32
    %dma_start3A_140 = tpu.memref_slice %arg8[%dma_start3A_131, %dma_start3A_138, %dma_start3A_139] : memref<7x64x128xf32, #tpu.memory_space<vmem>> -> memref<1x64x128xf32, #tpu.memory_space<vmem>>
    %dma_start3A_141 = tpu.memref_squeeze %dma_start3A_140 : memref<1x64x128xf32, #tpu.memory_space<vmem>> -> memref<64x128xf32, #tpu.memory_space<vmem>>
    %dma_start3A_142 = arith.constant 0 : i32
    %dma_start3A_143 = tpu.memref_slice %arg3[%dma_start3A_142, %multiple_of3A_130] : memref<64x1000000xf32, #tpu.memory_space<hbm>> -> memref<64x128xf32, #tpu.memory_space<hbm>>
    tpu.enqueue_dma source(%dma_start3A_143 : memref<64x128xf32, #tpu.memory_space<hbm>>) target(%dma_start3A_141 : memref<64x128xf32, #tpu.memory_space<vmem>>) target_semaphore(%arg15 : memref<!tpu.dma_semaphore, #tpu.memory_space<semaphore_mem>>)
    %slice3A_144 = vector.extract_strided_slice %get3A_18 {offsets = [6], sizes = [1], strides = [1]} : vector<16xi32> to vector<1xi32>
    %squeeze3A_145 = vector.extract %slice3A_144[0] : i32 from vector<1xi32>
    %min3A_146 = arith.constant 7812 : i32
    %min3A_147 = arith.minsi %squeeze3A_145, %min3A_146 : i32
    %max3A_148 = arith.constant 0 : i32
    %max3A_149 = arith.maxsi %min3A_147, %max3A_148 : i32
    %shift_left3A_150 = arith.constant 7 : i32
    %shift_left3A_151 = arith.shli %max3A_149, %shift_left3A_150 : i32
    %multiple_of3A_152 = tpu.assume_multiple %shift_left3A_151, 128 : i32
    %dma_start3A_153 = arith.constant 6 : i32
    %dma_start3A_154 = arith.constant 0 : i32
    %dma_start3A_155 = arith.constant 0 : i32
    %dma_start3A_156 = tpu.memref_slice %arg8[%dma_start3A_153, %dma_start3A_154, %dma_start3A_155] : memref<7x64x128xf32, #tpu.memory_space<vmem>> -> memref<1x64x128xf32, #tpu.memory_space<vmem>>
    %dma_start3A_157 = tpu.memref_squeeze %dma_start3A_156 : memref<1x64x128xf32, #tpu.memory_space<vmem>> -> memref<64x128xf32, #tpu.memory_space<vmem>>
    %dma_start3A_158 = arith.constant 0 : i32
    %dma_start3A_159 = tpu.memref_slice %arg3[%dma_start3A_158, %multiple_of3A_152] : memref<64x1000000xf32, #tpu.memory_space<hbm>> -> memref<64x128xf32, #tpu.memory_space<hbm>>
    %dma_start3A_160 = arith.constant 0 : i32
    %dma_start3A_161 = arith.constant 0 : i32
    %dma_start3A_162 = tpu.memref_slice %arg8[%dma_start3A_153, %dma_start3A_160, %dma_start3A_161] : memref<7x64x128xf32, #tpu.memory_space<vmem>> -> memref<1x64x128xf32, #tpu.memory_space<vmem>>
    %dma_start3A_163 = tpu.memref_squeeze %dma_start3A_162 : memref<1x64x128xf32, #tpu.memory_space<vmem>> -> memref<64x128xf32, #tpu.memory_space<vmem>>
    %dma_start3A_164 = arith.constant 0 : i32
    %dma_start3A_165 = tpu.memref_slice %arg3[%dma_start3A_164, %multiple_of3A_152] : memref<64x1000000xf32, #tpu.memory_space<hbm>> -> memref<64x128xf32, #tpu.memory_space<hbm>>
    tpu.enqueue_dma source(%dma_start3A_165 : memref<64x128xf32, #tpu.memory_space<hbm>>) target(%dma_start3A_163 : memref<64x128xf32, #tpu.memory_space<vmem>>) target_semaphore(%arg16 : memref<!tpu.dma_semaphore, #tpu.memory_space<semaphore_mem>>)
    %while3A = arith.constant 0 : i32
    %while3A_166 = arith.subi %div3A_17, %while3A : i32
    %while3A_167 = arith.addi %while3A, %while3A_166 : i32
    %while3A_168 = arith.constant 1 : i32
    %while3A_169 = arith.divsi %while3A_166, %while3A_168 : i32
    %while3A_170 = arith.muli %while3A_169, %while3A_168 : i32
    %while3A_171 = arith.addi %while3A, %while3A_170 : i32
    %while3A_172 = arith.constant 1 : i32
    scf.for %while3A_278 = %while3A to %while3A_171 step %while3A_172  : i32 {
      %mul3A_279 = arith.constant 7 : i32
      %mul3A_280 = arith.muli %while3A_278, %mul3A_279 : i32
      %get3A_281 = arith.index_cast %mul3A_280 : i32 to index
      %get3A_282 = tpu.vector_load %arg7[%get3A_281] {strides = array<i32>} : memref<544xi32, #tpu.memory_space<vmem>>, vector<16xi32>,
      %add3A_283 = arith.constant 1 : i32
      %add3A_284 = arith.addi %while3A_278, %add3A_283 : i32
      %mul3A_285 = arith.constant 7 : i32
      %mul3A_286 = arith.muli %add3A_284, %mul3A_285 : i32
      %get3A_287 = arith.index_cast %mul3A_286 : i32 to index
      %get3A_288 = tpu.vector_load %arg6[%get3A_287] {strides = array<i32>} : memref<544xi32, #tpu.memory_space<vmem>>, vector<16xi32>,
      %dma_wait3A_289 = arith.constant 0 : i32
      %dma_wait3A_290 = arith.constant 0 : i32
      %dma_wait3A_291 = arith.constant 0 : i32
      %dma_wait3A_292 = tpu.memref_slice %arg8[%dma_wait3A_289, %dma_wait3A_290, %dma_wait3A_291] : memref<7x64x128xf32, #tpu.memory_space<vmem>> -> memref<1x64x128xf32, #tpu.memory_space<vmem>>
      %dma_wait3A_293 = tpu.memref_squeeze %dma_wait3A_292 : memref<1x64x128xf32, #tpu.memory_space<vmem>> -> memref<64x128xf32, #tpu.memory_space<vmem>>
      %dma_wait3A_294 = arith.constant 0 : i32
      %dma_wait3A_295 = arith.constant 0 : i32
      %dma_wait3A_296 = tpu.memref_slice %arg3[%dma_wait3A_294, %dma_wait3A_295] : memref<64x1000000xf32, #tpu.memory_space<hbm>> -> memref<64x128xf32, #tpu.memory_space<hbm>>
      %dma_wait3A_297 = arith.constant 0 : i32
      %dma_wait3A_298 = arith.constant 0 : i32
      %dma_wait3A_299 = tpu.memref_slice %arg8[%dma_wait3A_289, %dma_wait3A_297, %dma_wait3A_298] : memref<7x64x128xf32, #tpu.memory_space<vmem>> -> memref<1x64x128xf32, #tpu.memory_space<vmem>>
      %dma_wait3A_300 = tpu.memref_squeeze %dma_wait3A_299 : memref<1x64x128xf32, #tpu.memory_space<vmem>> -> memref<64x128xf32, #tpu.memory_space<vmem>>
      %dma_wait3A_301 = arith.constant 0 : i32
      %dma_wait3A_302 = arith.constant 0 : i32
      %dma_wait3A_303 = tpu.memref_slice %arg3[%dma_wait3A_301, %dma_wait3A_302] : memref<64x1000000xf32, #tpu.memory_space<hbm>> -> memref<64x128xf32, #tpu.memory_space<hbm>>
      tpu.wait_dma2 semaphore(%arg10 : memref<!tpu.dma_semaphore, #tpu.memory_space<semaphore_mem>>) src(%dma_wait3A_303 : memref<64x128xf32, #tpu.memory_space<hbm>>) dst(%dma_wait3A_300 : memref<64x128xf32, #tpu.memory_space<vmem>>)
      %slice3A_304 = vector.extract_strided_slice %get3A_282 {offsets = [0], sizes = [1], strides = [1]} : vector<16xi32> to vector<1xi32>
      %squeeze3A_305 = vector.extract %slice3A_304[0] : i32 from vector<1xi32>
      %slice3A_306 = vector.extract_strided_slice %get3A_282 {offsets = [1], sizes = [1], strides = [1]} : vector<16xi32> to vector<1xi32>
      %squeeze3A_307 = vector.extract %slice3A_306[0] : i32 from vector<1xi32>
      %while3A_308 = arith.subi %squeeze3A_307, %squeeze3A_305 : i32
      %while3A_309 = arith.addi %squeeze3A_305, %while3A_308 : i32
      %while3A_310 = arith.constant 1 : i32
      %while3A_311 = arith.divsi %while3A_308, %while3A_310 : i32
      %while3A_312 = arith.muli %while3A_311, %while3A_310 : i32
      %while3A_313 = arith.addi %squeeze3A_305, %while3A_312 : i32
      %while3A_314 = arith.constant 1 : i32
      scf.for %while3A_632 = %squeeze3A_305 to %while3A_313 step %while3A_314  : i32 {
        %get3A_633 = arith.index_cast %while3A_632 : i32 to index
        %get3A_634 = tpu.vector_load %arg5[%get3A_633] {strides = array<i32>} : memref<528xi32, #tpu.memory_space<vmem>>, vector<16xi32>,
        %slice3A_635 = vector.extract_strided_slice %get3A_634 {offsets = [0], sizes = [1], strides = [1]} : vector<16xi32> to vector<1xi32>
        %squeeze3A_636 = vector.extract %slice3A_635[0] : i32 from vector<1xi32>
        %and3A = arith.constant 127 : i32
        %and3A_637 = arith.andi %squeeze3A_636, %and3A : i32
        %broadcast_in_dim3A_638 = vector.broadcast %and3A_637 : i32 to vector<16xi32>
        %broadcast_in_dim3A_639 = arith.constant 0 : i32
        %broadcast_in_dim3A_640 = vector.broadcast %broadcast_in_dim3A_639 : i32 to vector<16xi32>
        %add3A_641 = arith.constant 0 : i32
        %add3A_642 = vector.broadcast %add3A_641 : i32 to vector<16xi32>
        %add3A_643 = arith.addi %iota3A, %add3A_642 : vector<16xi32>
        %gather3A = tpu.vector_load_idx %arg8[%broadcast_in_dim3A_640, %add3A_643, %broadcast_in_dim3A_638] : memref<7x64x128xf32, #tpu.memory_space<vmem>>[vector<16xi32>, vector<16xi32>, vector<16xi32>], vector<16xf32>,
        %swap3A = arith.index_cast %while3A_632 : i32 to index
        %swap3A_644 = arith.constant 0 : index
        %swap3A_645 = tpu.vector_load %arg9[%swap3A, %swap3A_644] {strides = array<i32>} : memref<512x128xf32, #tpu.memory_space<vmem>>, vector<16xf32>,
        tpu.vector_store %arg9[%swap3A, %swap3A_644], %gather3A {strides = array<i32>} : memref<512x128xf32, #tpu.memory_space<vmem>>, vector<16xf32>,
        %add3A_646 = arith.constant 16 : i32
        %add3A_647 = vector.broadcast %add3A_646 : i32 to vector<16xi32>
        %add3A_648 = arith.addi %iota3A, %add3A_647 : vector<16xi32>
        %gather3A_649 = tpu.vector_load_idx %arg8[%broadcast_in_dim3A_640, %add3A_648, %broadcast_in_dim3A_638] : memref<7x64x128xf32, #tpu.memory_space<vmem>>[vector<16xi32>, vector<16xi32>, vector<16xi32>], vector<16xf32>,
        %swap3A_650 = arith.index_cast %while3A_632 : i32 to index
        %swap3A_651 = arith.constant 16 : index
        %swap3A_652 = tpu.vector_load %arg9[%swap3A_650, %swap3A_651] {strides = array<i32>} : memref<512x128xf32, #tpu.memory_space<vmem>>, vector<16xf32>,
        tpu.vector_store %arg9[%swap3A_650, %swap3A_651], %gather3A_649 {strides = array<i32>} : memref<512x128xf32, #tpu.memory_space<vmem>>, vector<16xf32>,
        %add3A_653 = arith.constant 32 : i32
        %add3A_654 = vector.broadcast %add3A_653 : i32 to vector<16xi32>
        %add3A_655 = arith.addi %iota3A, %add3A_654 : vector<16xi32>
        %gather3A_656 = tpu.vector_load_idx %arg8[%broadcast_in_dim3A_640, %add3A_655, %broadcast_in_dim3A_638] : memref<7x64x128xf32, #tpu.memory_space<vmem>>[vector<16xi32>, vector<16xi32>, vector<16xi32>], vector<16xf32>,
        %swap3A_657 = arith.index_cast %while3A_632 : i32 to index
        %swap3A_658 = arith.constant 32 : index
        %swap3A_659 = tpu.vector_load %arg9[%swap3A_657, %swap3A_658] {strides = array<i32>} : memref<512x128xf32, #tpu.memory_space<vmem>>, vector<16xf32>,
        tpu.vector_store %arg9[%swap3A_657, %swap3A_658], %gather3A_656 {strides = array<i32>} : memref<512x128xf32, #tpu.memory_space<vmem>>, vector<16xf32>,
        %add3A_660 = arith.constant 48 : i32
        %add3A_661 = vector.broadcast %add3A_660 : i32 to vector<16xi32>
        %add3A_662 = arith.addi %iota3A, %add3A_661 : vector<16xi32>
        %gather3A_663 = tpu.vector_load_idx %arg8[%broadcast_in_dim3A_640, %add3A_662, %broadcast_in_dim3A_638] : memref<7x64x128xf32, #tpu.memory_space<vmem>>[vector<16xi32>, vector<16xi32>, vector<16xi32>], vector<16xf32>,
        %swap3A_664 = arith.index_cast %while3A_632 : i32 to index
        %swap3A_665 = arith.constant 48 : index
        %swap3A_666 = tpu.vector_load %arg9[%swap3A_664, %swap3A_665] {strides = array<i32>} : memref<512x128xf32, #tpu.memory_space<vmem>>, vector<16xf32>,
        tpu.vector_store %arg9[%swap3A_664, %swap3A_665], %gather3A_663 {strides = array<i32>} : memref<512x128xf32, #tpu.memory_space<vmem>>, vector<16xf32>,
      }
      %while3A_315 = arith.constant 1 : i32
      scf.for %while3A_632 = %while3A_313 to %while3A_309 step %while3A_315  : i32 {
        %get3A_633 = arith.index_cast %while3A_632 : i32 to index
        %get3A_634 = tpu.vector_load %arg5[%get3A_633] {strides = array<i32>} : memref<528xi32, #tpu.memory_space<vmem>>, vector<16xi32>,
        %slice3A_635 = vector.extract_strided_slice %get3A_634 {offsets = [0], sizes = [1], strides = [1]} : vector<16xi32> to vector<1xi32>
        %squeeze3A_636 = vector.extract %slice3A_635[0] : i32 from vector<1xi32>
        %and3A = arith.constant 127 : i32
        %and3A_637 = arith.andi %squeeze3A_636, %and3A : i32
        %broadcast_in_dim3A_638 = vector.broadcast %and3A_637 : i32 to vector<16xi32>
        %broadcast_in_dim3A_639 = arith.constant 0 : i32
        %broadcast_in_dim3A_640 = vector.broadcast %broadcast_in_dim3A_639 : i32 to vector<16xi32>
        %add3A_641 = arith.constant 0 : i32
        %add3A_642 = vector.broadcast %add3A_641 : i32 to vector<16xi32>
        %add3A_643 = arith.addi %iota3A, %add3A_642 : vector<16xi32>
        %gather3A = tpu.vector_load_idx %arg8[%broadcast_in_dim3A_640, %add3A_643, %broadcast_in_dim3A_638] : memref<7x64x128xf32, #tpu.memory_space<vmem>>[vector<16xi32>, vector<16xi32>, vector<16xi32>], vector<16xf32>,
        %swap3A = arith.index_cast %while3A_632 : i32 to index
        %swap3A_644 = arith.constant 0 : index
        %swap3A_645 = tpu.vector_load %arg9[%swap3A, %swap3A_644] {strides = array<i32>} : memref<512x128xf32, #tpu.memory_space<vmem>>, vector<16xf32>,
        tpu.vector_store %arg9[%swap3A, %swap3A_644], %gather3A {strides = array<i32>} : memref<512x128xf32, #tpu.memory_space<vmem>>, vector<16xf32>,
        %add3A_646 = arith.constant 16 : i32
        %add3A_647 = vector.broadcast %add3A_646 : i32 to vector<16xi32>
        %add3A_648 = arith.addi %iota3A, %add3A_647 : vector<16xi32>
        %gather3A_649 = tpu.vector_load_idx %arg8[%broadcast_in_dim3A_640, %add3A_648, %broadcast_in_dim3A_638] : memref<7x64x128xf32, #tpu.memory_space<vmem>>[vector<16xi32>, vector<16xi32>, vector<16xi32>], vector<16xf32>,
        %swap3A_650 = arith.index_cast %while3A_632 : i32 to index
        %swap3A_651 = arith.constant 16 : index
        %swap3A_652 = tpu.vector_load %arg9[%swap3A_650, %swap3A_651] {strides = array<i32>} : memref<512x128xf32, #tpu.memory_space<vmem>>, vector<16xf32>,
        tpu.vector_store %arg9[%swap3A_650, %swap3A_651], %gather3A_649 {strides = array<i32>} : memref<512x128xf32, #tpu.memory_space<vmem>>, vector<16xf32>,
        %add3A_653 = arith.constant 32 : i32
        %add3A_654 = vector.broadcast %add3A_653 : i32 to vector<16xi32>
        %add3A_655 = arith.addi %iota3A, %add3A_654 : vector<16xi32>
        %gather3A_656 = tpu.vector_load_idx %arg8[%broadcast_in_dim3A_640, %add3A_655, %broadcast_in_dim3A_638] : memref<7x64x128xf32, #tpu.memory_space<vmem>>[vector<16xi32>, vector<16xi32>, vector<16xi32>], vector<16xf32>,
        %swap3A_657 = arith.index_cast %while3A_632 : i32 to index
        %swap3A_658 = arith.constant 32 : index
        %swap3A_659 = tpu.vector_load %arg9[%swap3A_657, %swap3A_658] {strides = array<i32>} : memref<512x128xf32, #tpu.memory_space<vmem>>, vector<16xf32>,
        tpu.vector_store %arg9[%swap3A_657, %swap3A_658], %gather3A_656 {strides = array<i32>} : memref<512x128xf32, #tpu.memory_space<vmem>>, vector<16xf32>,
        %add3A_660 = arith.constant 48 : i32
        %add3A_661 = vector.broadcast %add3A_660 : i32 to vector<16xi32>
        %add3A_662 = arith.addi %iota3A, %add3A_661 : vector<16xi32>
        %gather3A_663 = tpu.vector_load_idx %arg8[%broadcast_in_dim3A_640, %add3A_662, %broadcast_in_dim3A_638] : memref<7x64x128xf32, #tpu.memory_space<vmem>>[vector<16xi32>, vector<16xi32>, vector<16xi32>], vector<16xf32>,
        %swap3A_664 = arith.index_cast %while3A_632 : i32 to index
        %swap3A_665 = arith.constant 48 : index
        %swap3A_666 = tpu.vector_load %arg9[%swap3A_664, %swap3A_665] {strides = array<i32>} : memref<512x128xf32, #tpu.memory_space<vmem>>, vector<16xf32>,
        tpu.vector_store %arg9[%swap3A_664, %swap3A_665], %gather3A_663 {strides = array<i32>} : memref<512x128xf32, #tpu.memory_space<vmem>>, vector<16xf32>,
      }
      %slice3A_316 = vector.extract_strided_slice %get3A_288 {offsets = [0], sizes = [1], strides = [1]} : vector<16xi32> to vector<1xi32>
      %squeeze3A_317 = vector.extract %slice3A_316[0] : i32 from vector<1xi32>
      %min3A_318 = arith.constant 7812 : i32
      %min3A_319 = arith.minsi %squeeze3A_317, %min3A_318 : i32
      %max3A_320 = arith.constant 0 : i32
      %max3A_321 = arith.maxsi %min3A_319, %max3A_320 : i32
      %shift_left3A_322 = arith.constant 7 : i32
      %shift_left3A_323 = arith.shli %max3A_321, %shift_left3A_322 : i32
      %multiple_of3A_324 = tpu.assume_multiple %shift_left3A_323, 128 : i32
      %dma_start3A_325 = arith.constant 0 : i32
      %dma_start3A_326 = arith.constant 0 : i32
      %dma_start3A_327 = arith.constant 0 : i32
      %dma_start3A_328 = tpu.memref_slice %arg8[%dma_start3A_325, %dma_start3A_326, %dma_start3A_327] : memref<7x64x128xf32, #tpu.memory_space<vmem>> -> memref<1x64x128xf32, #tpu.memory_space<vmem>>
      %dma_start3A_329 = tpu.memref_squeeze %dma_start3A_328 : memref<1x64x128xf32, #tpu.memory_space<vmem>> -> memref<64x128xf32, #tpu.memory_space<vmem>>
      %dma_start3A_330 = arith.constant 0 : i32
      %dma_start3A_331 = tpu.memref_slice %arg3[%dma_start3A_330, %multiple_of3A_324] : memref<64x1000000xf32, #tpu.memory_space<hbm>> -> memref<64x128xf32, #tpu.memory_space<hbm>>
      %dma_start3A_332 = arith.constant 0 : i32
      %dma_start3A_333 = arith.constant 0 : i32
      %dma_start3A_334 = tpu.memref_slice %arg8[%dma_start3A_325, %dma_start3A_332, %dma_start3A_333] : memref<7x64x128xf32, #tpu.memory_space<vmem>> -> memref<1x64x128xf32, #tpu.memory_space<vmem>>
      %dma_start3A_335 = tpu.memref_squeeze %dma_start3A_334 : memref<1x64x128xf32, #tpu.memory_space<vmem>> -> memref<64x128xf32, #tpu.memory_space<vmem>>
      %dma_start3A_336 = arith.constant 0 : i32
      %dma_start3A_337 = tpu.memref_slice %arg3[%dma_start3A_336, %multiple_of3A_324] : memref<64x1000000xf32, #tpu.memory_space<hbm>> -> memref<64x128xf32, #tpu.memory_space<hbm>>
      tpu.enqueue_dma source(%dma_start3A_337 : memref<64x128xf32, #tpu.memory_space<hbm>>) target(%dma_start3A_335 : memref<64x128xf32, #tpu.memory_space<vmem>>) target_semaphore(%arg10 : memref<!tpu.dma_semaphore, #tpu.memory_space<semaphore_mem>>)
      %dma_wait3A_338 = arith.constant 1 : i32
      %dma_wait3A_339 = arith.constant 0 : i32
      %dma_wait3A_340 = arith.constant 0 : i32
      %dma_wait3A_341 = tpu.memref_slice %arg8[%dma_wait3A_338, %dma_wait3A_339, %dma_wait3A_340] : memref<7x64x128xf32, #tpu.memory_space<vmem>> -> memref<1x64x128xf32, #tpu.memory_space<vmem>>
      %dma_wait3A_342 = tpu.memref_squeeze %dma_wait3A_341 : memref<1x64x128xf32, #tpu.memory_space<vmem>> -> memref<64x128xf32, #tpu.memory_space<vmem>>
      %dma_wait3A_343 = arith.constant 0 : i32
      %dma_wait3A_344 = arith.constant 0 : i32
      %dma_wait3A_345 = tpu.memref_slice %arg3[%dma_wait3A_343, %dma_wait3A_344] : memref<64x1000000xf32, #tpu.memory_space<hbm>> -> memref<64x128xf32, #tpu.memory_space<hbm>>
      %dma_wait3A_346 = arith.constant 0 : i32
      %dma_wait3A_347 = arith.constant 0 : i32
      %dma_wait3A_348 = tpu.memref_slice %arg8[%dma_wait3A_338, %dma_wait3A_346, %dma_wait3A_347] : memref<7x64x128xf32, #tpu.memory_space<vmem>> -> memref<1x64x128xf32, #tpu.memory_space<vmem>>
      %dma_wait3A_349 = tpu.memref_squeeze %dma_wait3A_348 : memref<1x64x128xf32, #tpu.memory_space<vmem>> -> memref<64x128xf32, #tpu.memory_space<vmem>>
      %dma_wait3A_350 = arith.constant 0 : i32
      %dma_wait3A_351 = arith.constant 0 : i32
      %dma_wait3A_352 = tpu.memref_slice %arg3[%dma_wait3A_350, %dma_wait3A_351] : memref<64x1000000xf32, #tpu.memory_space<hbm>> -> memref<64x128xf32, #tpu.memory_space<hbm>>
      tpu.wait_dma2 semaphore(%arg11 : memref<!tpu.dma_semaphore, #tpu.memory_space<semaphore_mem>>) src(%dma_wait3A_352 : memref<64x128xf32, #tpu.memory_space<hbm>>) dst(%dma_wait3A_349 : memref<64x128xf32, #tpu.memory_space<vmem>>)
      %slice3A_353 = vector.extract_strided_slice %get3A_282 {offsets = [1], sizes = [1], strides = [1]} : vector<16xi32> to vector<1xi32>
      %squeeze3A_354 = vector.extract %slice3A_353[0] : i32 from vector<1xi32>
      %slice3A_355 = vector.extract_strided_slice %get3A_282 {offsets = [2], sizes = [1], strides = [1]} : vector<16xi32> to vector<1xi32>
      %squeeze3A_356 = vector.extract %slice3A_355[0] : i32 from vector<1xi32>
      %while3A_357 = arith.subi %squeeze3A_356, %squeeze3A_354 : i32
      %while3A_358 = arith.addi %squeeze3A_354, %while3A_357 : i32
      %while3A_359 = arith.constant 1 : i32
      %while3A_360 = arith.divsi %while3A_357, %while3A_359 : i32
      %while3A_361 = arith.muli %while3A_360, %while3A_359 : i32
      %while3A_362 = arith.addi %squeeze3A_354, %while3A_361 : i32
      %while3A_363 = arith.constant 1 : i32
      scf.for %while3A_632 = %squeeze3A_354 to %while3A_362 step %while3A_363  : i32 {
        %get3A_633 = arith.index_cast %while3A_632 : i32 to index
        %get3A_634 = tpu.vector_load %arg5[%get3A_633] {strides = array<i32>} : memref<528xi32, #tpu.memory_space<vmem>>, vector<16xi32>,
        %slice3A_635 = vector.extract_strided_slice %get3A_634 {offsets = [0], sizes = [1], strides = [1]} : vector<16xi32> to vector<1xi32>
        %squeeze3A_636 = vector.extract %slice3A_635[0] : i32 from vector<1xi32>
        %and3A = arith.constant 127 : i32
        %and3A_637 = arith.andi %squeeze3A_636, %and3A : i32
        %broadcast_in_dim3A_638 = vector.broadcast %and3A_637 : i32 to vector<16xi32>
        %broadcast_in_dim3A_639 = arith.constant 1 : i32
        %broadcast_in_dim3A_640 = vector.broadcast %broadcast_in_dim3A_639 : i32 to vector<16xi32>
        %add3A_641 = arith.constant 0 : i32
        %add3A_642 = vector.broadcast %add3A_641 : i32 to vector<16xi32>
        %add3A_643 = arith.addi %iota3A, %add3A_642 : vector<16xi32>
        %gather3A = tpu.vector_load_idx %arg8[%broadcast_in_dim3A_640, %add3A_643, %broadcast_in_dim3A_638] : memref<7x64x128xf32, #tpu.memory_space<vmem>>[vector<16xi32>, vector<16xi32>, vector<16xi32>], vector<16xf32>,
        %swap3A = arith.index_cast %while3A_632 : i32 to index
        %swap3A_644 = arith.constant 0 : index
        %swap3A_645 = tpu.vector_load %arg9[%swap3A, %swap3A_644] {strides = array<i32>} : memref<512x128xf32, #tpu.memory_space<vmem>>, vector<16xf32>,
        tpu.vector_store %arg9[%swap3A, %swap3A_644], %gather3A {strides = array<i32>} : memref<512x128xf32, #tpu.memory_space<vmem>>, vector<16xf32>,
        %add3A_646 = arith.constant 16 : i32
        %add3A_647 = vector.broadcast %add3A_646 : i32 to vector<16xi32>
        %add3A_648 = arith.addi %iota3A, %add3A_647 : vector<16xi32>
        %gather3A_649 = tpu.vector_load_idx %arg8[%broadcast_in_dim3A_640, %add3A_648, %broadcast_in_dim3A_638] : memref<7x64x128xf32, #tpu.memory_space<vmem>>[vector<16xi32>, vector<16xi32>, vector<16xi32>], vector<16xf32>,
        %swap3A_650 = arith.index_cast %while3A_632 : i32 to index
        %swap3A_651 = arith.constant 16 : index
        %swap3A_652 = tpu.vector_load %arg9[%swap3A_650, %swap3A_651] {strides = array<i32>} : memref<512x128xf32, #tpu.memory_space<vmem>>, vector<16xf32>,
        tpu.vector_store %arg9[%swap3A_650, %swap3A_651], %gather3A_649 {strides = array<i32>} : memref<512x128xf32, #tpu.memory_space<vmem>>, vector<16xf32>,
        %add3A_653 = arith.constant 32 : i32
        %add3A_654 = vector.broadcast %add3A_653 : i32 to vector<16xi32>
        %add3A_655 = arith.addi %iota3A, %add3A_654 : vector<16xi32>
        %gather3A_656 = tpu.vector_load_idx %arg8[%broadcast_in_dim3A_640, %add3A_655, %broadcast_in_dim3A_638] : memref<7x64x128xf32, #tpu.memory_space<vmem>>[vector<16xi32>, vector<16xi32>, vector<16xi32>], vector<16xf32>,
        %swap3A_657 = arith.index_cast %while3A_632 : i32 to index
        %swap3A_658 = arith.constant 32 : index
        %swap3A_659 = tpu.vector_load %arg9[%swap3A_657, %swap3A_658] {strides = array<i32>} : memref<512x128xf32, #tpu.memory_space<vmem>>, vector<16xf32>,
        tpu.vector_store %arg9[%swap3A_657, %swap3A_658], %gather3A_656 {strides = array<i32>} : memref<512x128xf32, #tpu.memory_space<vmem>>, vector<16xf32>,
        %add3A_660 = arith.constant 48 : i32
        %add3A_661 = vector.broadcast %add3A_660 : i32 to vector<16xi32>
        %add3A_662 = arith.addi %iota3A, %add3A_661 : vector<16xi32>
        %gather3A_663 = tpu.vector_load_idx %arg8[%broadcast_in_dim3A_640, %add3A_662, %broadcast_in_dim3A_638] : memref<7x64x128xf32, #tpu.memory_space<vmem>>[vector<16xi32>, vector<16xi32>, vector<16xi32>], vector<16xf32>,
        %swap3A_664 = arith.index_cast %while3A_632 : i32 to index
        %swap3A_665 = arith.constant 48 : index
        %swap3A_666 = tpu.vector_load %arg9[%swap3A_664, %swap3A_665] {strides = array<i32>} : memref<512x128xf32, #tpu.memory_space<vmem>>, vector<16xf32>,
        tpu.vector_store %arg9[%swap3A_664, %swap3A_665], %gather3A_663 {strides = array<i32>} : memref<512x128xf32, #tpu.memory_space<vmem>>, vector<16xf32>,
      }
      %while3A_364 = arith.constant 1 : i32
      scf.for %while3A_632 = %while3A_362 to %while3A_358 step %while3A_364  : i32 {
        %get3A_633 = arith.index_cast %while3A_632 : i32 to index
        %get3A_634 = tpu.vector_load %arg5[%get3A_633] {strides = array<i32>} : memref<528xi32, #tpu.memory_space<vmem>>, vector<16xi32>,
        %slice3A_635 = vector.extract_strided_slice %get3A_634 {offsets = [0], sizes = [1], strides = [1]} : vector<16xi32> to vector<1xi32>
        %squeeze3A_636 = vector.extract %slice3A_635[0] : i32 from vector<1xi32>
        %and3A = arith.constant 127 : i32
        %and3A_637 = arith.andi %squeeze3A_636, %and3A : i32
        %broadcast_in_dim3A_638 = vector.broadcast %and3A_637 : i32 to vector<16xi32>
        %broadcast_in_dim3A_639 = arith.constant 1 : i32
        %broadcast_in_dim3A_640 = vector.broadcast %broadcast_in_dim3A_639 : i32 to vector<16xi32>
        %add3A_641 = arith.constant 0 : i32
        %add3A_642 = vector.broadcast %add3A_641 : i32 to vector<16xi32>
        %add3A_643 = arith.addi %iota3A, %add3A_642 : vector<16xi32>
        %gather3A = tpu.vector_load_idx %arg8[%broadcast_in_dim3A_640, %add3A_643, %broadcast_in_dim3A_638] : memref<7x64x128xf32, #tpu.memory_space<vmem>>[vector<16xi32>, vector<16xi32>, vector<16xi32>], vector<16xf32>,
        %swap3A = arith.index_cast %while3A_632 : i32 to index
        %swap3A_644 = arith.constant 0 : index
        %swap3A_645 = tpu.vector_load %arg9[%swap3A, %swap3A_644] {strides = array<i32>} : memref<512x128xf32, #tpu.memory_space<vmem>>, vector<16xf32>,
        tpu.vector_store %arg9[%swap3A, %swap3A_644], %gather3A {strides = array<i32>} : memref<512x128xf32, #tpu.memory_space<vmem>>, vector<16xf32>,
        %add3A_646 = arith.constant 16 : i32
        %add3A_647 = vector.broadcast %add3A_646 : i32 to vector<16xi32>
        %add3A_648 = arith.addi %iota3A, %add3A_647 : vector<16xi32>
        %gather3A_649 = tpu.vector_load_idx %arg8[%broadcast_in_dim3A_640, %add3A_648, %broadcast_in_dim3A_638] : memref<7x64x128xf32, #tpu.memory_space<vmem>>[vector<16xi32>, vector<16xi32>, vector<16xi32>], vector<16xf32>,
        %swap3A_650 = arith.index_cast %while3A_632 : i32 to index
        %swap3A_651 = arith.constant 16 : index
        %swap3A_652 = tpu.vector_load %arg9[%swap3A_650, %swap3A_651] {strides = array<i32>} : memref<512x128xf32, #tpu.memory_space<vmem>>, vector<16xf32>,
        tpu.vector_store %arg9[%swap3A_650, %swap3A_651], %gather3A_649 {strides = array<i32>} : memref<512x128xf32, #tpu.memory_space<vmem>>, vector<16xf32>,
        %add3A_653 = arith.constant 32 : i32
        %add3A_654 = vector.broadcast %add3A_653 : i32 to vector<16xi32>
        %add3A_655 = arith.addi %iota3A, %add3A_654 : vector<16xi32>
        %gather3A_656 = tpu.vector_load_idx %arg8[%broadcast_in_dim3A_640, %add3A_655, %broadcast_in_dim3A_638] : memref<7x64x128xf32, #tpu.memory_space<vmem>>[vector<16xi32>, vector<16xi32>, vector<16xi32>], vector<16xf32>,
        %swap3A_657 = arith.index_cast %while3A_632 : i32 to index
        %swap3A_658 = arith.constant 32 : index
        %swap3A_659 = tpu.vector_load %arg9[%swap3A_657, %swap3A_658] {strides = array<i32>} : memref<512x128xf32, #tpu.memory_space<vmem>>, vector<16xf32>,
        tpu.vector_store %arg9[%swap3A_657, %swap3A_658], %gather3A_656 {strides = array<i32>} : memref<512x128xf32, #tpu.memory_space<vmem>>, vector<16xf32>,
        %add3A_660 = arith.constant 48 : i32
        %add3A_661 = vector.broadcast %add3A_660 : i32 to vector<16xi32>
        %add3A_662 = arith.addi %iota3A, %add3A_661 : vector<16xi32>
        %gather3A_663 = tpu.vector_load_idx %arg8[%broadcast_in_dim3A_640, %add3A_662, %broadcast_in_dim3A_638] : memref<7x64x128xf32, #tpu.memory_space<vmem>>[vector<16xi32>, vector<16xi32>, vector<16xi32>], vector<16xf32>,
        %swap3A_664 = arith.index_cast %while3A_632 : i32 to index
        %swap3A_665 = arith.constant 48 : index
        %swap3A_666 = tpu.vector_load %arg9[%swap3A_664, %swap3A_665] {strides = array<i32>} : memref<512x128xf32, #tpu.memory_space<vmem>>, vector<16xf32>,
        tpu.vector_store %arg9[%swap3A_664, %swap3A_665], %gather3A_663 {strides = array<i32>} : memref<512x128xf32, #tpu.memory_space<vmem>>, vector<16xf32>,
      }
      %slice3A_365 = vector.extract_strided_slice %get3A_288 {offsets = [1], sizes = [1], strides = [1]} : vector<16xi32> to vector<1xi32>
      %squeeze3A_366 = vector.extract %slice3A_365[0] : i32 from vector<1xi32>
      %min3A_367 = arith.constant 7812 : i32
      %min3A_368 = arith.minsi %squeeze3A_366, %min3A_367 : i32
      %max3A_369 = arith.constant 0 : i32
      %max3A_370 = arith.maxsi %min3A_368, %max3A_369 : i32
      %shift_left3A_371 = arith.constant 7 : i32
      %shift_left3A_372 = arith.shli %max3A_370, %shift_left3A_371 : i32
      %multiple_of3A_373 = tpu.assume_multiple %shift_left3A_372, 128 : i32
      %dma_start3A_374 = arith.constant 1 : i32
      %dma_start3A_375 = arith.constant 0 : i32
      %dma_start3A_376 = arith.constant 0 : i32
      %dma_start3A_377 = tpu.memref_slice %arg8[%dma_start3A_374, %dma_start3A_375, %dma_start3A_376] : memref<7x64x128xf32, #tpu.memory_space<vmem>> -> memref<1x64x128xf32, #tpu.memory_space<vmem>>
      %dma_start3A_378 = tpu.memref_squeeze %dma_start3A_377 : memref<1x64x128xf32, #tpu.memory_space<vmem>> -> memref<64x128xf32, #tpu.memory_space<vmem>>
      %dma_start3A_379 = arith.constant 0 : i32
      %dma_start3A_380 = tpu.memref_slice %arg3[%dma_start3A_379, %multiple_of3A_373] : memref<64x1000000xf32, #tpu.memory_space<hbm>> -> memref<64x128xf32, #tpu.memory_space<hbm>>
      %dma_start3A_381 = arith.constant 0 : i32
      %dma_start3A_382 = arith.constant 0 : i32
      %dma_start3A_383 = tpu.memref_slice %arg8[%dma_start3A_374, %dma_start3A_381, %dma_start3A_382] : memref<7x64x128xf32, #tpu.memory_space<vmem>> -> memref<1x64x128xf32, #tpu.memory_space<vmem>>
      %dma_start3A_384 = tpu.memref_squeeze %dma_start3A_383 : memref<1x64x128xf32, #tpu.memory_space<vmem>> -> memref<64x128xf32, #tpu.memory_space<vmem>>
      %dma_start3A_385 = arith.constant 0 : i32
      %dma_start3A_386 = tpu.memref_slice %arg3[%dma_start3A_385, %multiple_of3A_373] : memref<64x1000000xf32, #tpu.memory_space<hbm>> -> memref<64x128xf32, #tpu.memory_space<hbm>>
      tpu.enqueue_dma source(%dma_start3A_386 : memref<64x128xf32, #tpu.memory_space<hbm>>) target(%dma_start3A_384 : memref<64x128xf32, #tpu.memory_space<vmem>>) target_semaphore(%arg11 : memref<!tpu.dma_semaphore, #tpu.memory_space<semaphore_mem>>)
      %dma_wait3A_387 = arith.constant 2 : i32
      %dma_wait3A_388 = arith.constant 0 : i32
      %dma_wait3A_389 = arith.constant 0 : i32
      %dma_wait3A_390 = tpu.memref_slice %arg8[%dma_wait3A_387, %dma_wait3A_388, %dma_wait3A_389] : memref<7x64x128xf32, #tpu.memory_space<vmem>> -> memref<1x64x128xf32, #tpu.memory_space<vmem>>
      %dma_wait3A_391 = tpu.memref_squeeze %dma_wait3A_390 : memref<1x64x128xf32, #tpu.memory_space<vmem>> -> memref<64x128xf32, #tpu.memory_space<vmem>>
      %dma_wait3A_392 = arith.constant 0 : i32
      %dma_wait3A_393 = arith.constant 0 : i32
      %dma_wait3A_394 = tpu.memref_slice %arg3[%dma_wait3A_392, %dma_wait3A_393] : memref<64x1000000xf32, #tpu.memory_space<hbm>> -> memref<64x128xf32, #tpu.memory_space<hbm>>
      %dma_wait3A_395 = arith.constant 0 : i32
      %dma_wait3A_396 = arith.constant 0 : i32
      %dma_wait3A_397 = tpu.memref_slice %arg8[%dma_wait3A_387, %dma_wait3A_395, %dma_wait3A_396] : memref<7x64x128xf32, #tpu.memory_space<vmem>> -> memref<1x64x128xf32, #tpu.memory_space<vmem>>
      %dma_wait3A_398 = tpu.memref_squeeze %dma_wait3A_397 : memref<1x64x128xf32, #tpu.memory_space<vmem>> -> memref<64x128xf32, #tpu.memory_space<vmem>>
      %dma_wait3A_399 = arith.constant 0 : i32
      %dma_wait3A_400 = arith.constant 0 : i32
      %dma_wait3A_401 = tpu.memref_slice %arg3[%dma_wait3A_399, %dma_wait3A_400] : memref<64x1000000xf32, #tpu.memory_space<hbm>> -> memref<64x128xf32, #tpu.memory_space<hbm>>
      tpu.wait_dma2 semaphore(%arg12 : memref<!tpu.dma_semaphore, #tpu.memory_space<semaphore_mem>>) src(%dma_wait3A_401 : memref<64x128xf32, #tpu.memory_space<hbm>>) dst(%dma_wait3A_398 : memref<64x128xf32, #tpu.memory_space<vmem>>)
      %slice3A_402 = vector.extract_strided_slice %get3A_282 {offsets = [2], sizes = [1], strides = [1]} : vector<16xi32> to vector<1xi32>
      %squeeze3A_403 = vector.extract %slice3A_402[0] : i32 from vector<1xi32>
      %slice3A_404 = vector.extract_strided_slice %get3A_282 {offsets = [3], sizes = [1], strides = [1]} : vector<16xi32> to vector<1xi32>
      %squeeze3A_405 = vector.extract %slice3A_404[0] : i32 from vector<1xi32>
      %while3A_406 = arith.subi %squeeze3A_405, %squeeze3A_403 : i32
      %while3A_407 = arith.addi %squeeze3A_403, %while3A_406 : i32
      %while3A_408 = arith.constant 1 : i32
      %while3A_409 = arith.divsi %while3A_406, %while3A_408 : i32
      %while3A_410 = arith.muli %while3A_409, %while3A_408 : i32
      %while3A_411 = arith.addi %squeeze3A_403, %while3A_410 : i32
      %while3A_412 = arith.constant 1 : i32
      scf.for %while3A_632 = %squeeze3A_403 to %while3A_411 step %while3A_412  : i32 {
        %get3A_633 = arith.index_cast %while3A_632 : i32 to index
        %get3A_634 = tpu.vector_load %arg5[%get3A_633] {strides = array<i32>} : memref<528xi32, #tpu.memory_space<vmem>>, vector<16xi32>,
        %slice3A_635 = vector.extract_strided_slice %get3A_634 {offsets = [0], sizes = [1], strides = [1]} : vector<16xi32> to vector<1xi32>
        %squeeze3A_636 = vector.extract %slice3A_635[0] : i32 from vector<1xi32>
        %and3A = arith.constant 127 : i32
        %and3A_637 = arith.andi %squeeze3A_636, %and3A : i32
        %broadcast_in_dim3A_638 = vector.broadcast %and3A_637 : i32 to vector<16xi32>
        %broadcast_in_dim3A_639 = arith.constant 2 : i32
        %broadcast_in_dim3A_640 = vector.broadcast %broadcast_in_dim3A_639 : i32 to vector<16xi32>
        %add3A_641 = arith.constant 0 : i32
        %add3A_642 = vector.broadcast %add3A_641 : i32 to vector<16xi32>
        %add3A_643 = arith.addi %iota3A, %add3A_642 : vector<16xi32>
        %gather3A = tpu.vector_load_idx %arg8[%broadcast_in_dim3A_640, %add3A_643, %broadcast_in_dim3A_638] : memref<7x64x128xf32, #tpu.memory_space<vmem>>[vector<16xi32>, vector<16xi32>, vector<16xi32>], vector<16xf32>,
        %swap3A = arith.index_cast %while3A_632 : i32 to index
        %swap3A_644 = arith.constant 0 : index
        %swap3A_645 = tpu.vector_load %arg9[%swap3A, %swap3A_644] {strides = array<i32>} : memref<512x128xf32, #tpu.memory_space<vmem>>, vector<16xf32>,
        tpu.vector_store %arg9[%swap3A, %swap3A_644], %gather3A {strides = array<i32>} : memref<512x128xf32, #tpu.memory_space<vmem>>, vector<16xf32>,
        %add3A_646 = arith.constant 16 : i32
        %add3A_647 = vector.broadcast %add3A_646 : i32 to vector<16xi32>
        %add3A_648 = arith.addi %iota3A, %add3A_647 : vector<16xi32>
        %gather3A_649 = tpu.vector_load_idx %arg8[%broadcast_in_dim3A_640, %add3A_648, %broadcast_in_dim3A_638] : memref<7x64x128xf32, #tpu.memory_space<vmem>>[vector<16xi32>, vector<16xi32>, vector<16xi32>], vector<16xf32>,
        %swap3A_650 = arith.index_cast %while3A_632 : i32 to index
        %swap3A_651 = arith.constant 16 : index
        %swap3A_652 = tpu.vector_load %arg9[%swap3A_650, %swap3A_651] {strides = array<i32>} : memref<512x128xf32, #tpu.memory_space<vmem>>, vector<16xf32>,
        tpu.vector_store %arg9[%swap3A_650, %swap3A_651], %gather3A_649 {strides = array<i32>} : memref<512x128xf32, #tpu.memory_space<vmem>>, vector<16xf32>,
        %add3A_653 = arith.constant 32 : i32
        %add3A_654 = vector.broadcast %add3A_653 : i32 to vector<16xi32>
        %add3A_655 = arith.addi %iota3A, %add3A_654 : vector<16xi32>
        %gather3A_656 = tpu.vector_load_idx %arg8[%broadcast_in_dim3A_640, %add3A_655, %broadcast_in_dim3A_638] : memref<7x64x128xf32, #tpu.memory_space<vmem>>[vector<16xi32>, vector<16xi32>, vector<16xi32>], vector<16xf32>,
        %swap3A_657 = arith.index_cast %while3A_632 : i32 to index
        %swap3A_658 = arith.constant 32 : index
        %swap3A_659 = tpu.vector_load %arg9[%swap3A_657, %swap3A_658] {strides = array<i32>} : memref<512x128xf32, #tpu.memory_space<vmem>>, vector<16xf32>,
        tpu.vector_store %arg9[%swap3A_657, %swap3A_658], %gather3A_656 {strides = array<i32>} : memref<512x128xf32, #tpu.memory_space<vmem>>, vector<16xf32>,
        %add3A_660 = arith.constant 48 : i32
        %add3A_661 = vector.broadcast %add3A_660 : i32 to vector<16xi32>
        %add3A_662 = arith.addi %iota3A, %add3A_661 : vector<16xi32>
        %gather3A_663 = tpu.vector_load_idx %arg8[%broadcast_in_dim3A_640, %add3A_662, %broadcast_in_dim3A_638] : memref<7x64x128xf32, #tpu.memory_space<vmem>>[vector<16xi32>, vector<16xi32>, vector<16xi32>], vector<16xf32>,
        %swap3A_664 = arith.index_cast %while3A_632 : i32 to index
        %swap3A_665 = arith.constant 48 : index
        %swap3A_666 = tpu.vector_load %arg9[%swap3A_664, %swap3A_665] {strides = array<i32>} : memref<512x128xf32, #tpu.memory_space<vmem>>, vector<16xf32>,
        tpu.vector_store %arg9[%swap3A_664, %swap3A_665], %gather3A_663 {strides = array<i32>} : memref<512x128xf32, #tpu.memory_space<vmem>>, vector<16xf32>,
      }
      %while3A_413 = arith.constant 1 : i32
      scf.for %while3A_632 = %while3A_411 to %while3A_407 step %while3A_413  : i32 {
        %get3A_633 = arith.index_cast %while3A_632 : i32 to index
        %get3A_634 = tpu.vector_load %arg5[%get3A_633] {strides = array<i32>} : memref<528xi32, #tpu.memory_space<vmem>>, vector<16xi32>,
        %slice3A_635 = vector.extract_strided_slice %get3A_634 {offsets = [0], sizes = [1], strides = [1]} : vector<16xi32> to vector<1xi32>
        %squeeze3A_636 = vector.extract %slice3A_635[0] : i32 from vector<1xi32>
        %and3A = arith.constant 127 : i32
        %and3A_637 = arith.andi %squeeze3A_636, %and3A : i32
        %broadcast_in_dim3A_638 = vector.broadcast %and3A_637 : i32 to vector<16xi32>
        %broadcast_in_dim3A_639 = arith.constant 2 : i32
        %broadcast_in_dim3A_640 = vector.broadcast %broadcast_in_dim3A_639 : i32 to vector<16xi32>
        %add3A_641 = arith.constant 0 : i32
        %add3A_642 = vector.broadcast %add3A_641 : i32 to vector<16xi32>
        %add3A_643 = arith.addi %iota3A, %add3A_642 : vector<16xi32>
        %gather3A = tpu.vector_load_idx %arg8[%broadcast_in_dim3A_640, %add3A_643, %broadcast_in_dim3A_638] : memref<7x64x128xf32, #tpu.memory_space<vmem>>[vector<16xi32>, vector<16xi32>, vector<16xi32>], vector<16xf32>,
        %swap3A = arith.index_cast %while3A_632 : i32 to index
        %swap3A_644 = arith.constant 0 : index
        %swap3A_645 = tpu.vector_load %arg9[%swap3A, %swap3A_644] {strides = array<i32>} : memref<512x128xf32, #tpu.memory_space<vmem>>, vector<16xf32>,
        tpu.vector_store %arg9[%swap3A, %swap3A_644], %gather3A {strides = array<i32>} : memref<512x128xf32, #tpu.memory_space<vmem>>, vector<16xf32>,
        %add3A_646 = arith.constant 16 : i32
        %add3A_647 = vector.broadcast %add3A_646 : i32 to vector<16xi32>
        %add3A_648 = arith.addi %iota3A, %add3A_647 : vector<16xi32>
        %gather3A_649 = tpu.vector_load_idx %arg8[%broadcast_in_dim3A_640, %add3A_648, %broadcast_in_dim3A_638] : memref<7x64x128xf32, #tpu.memory_space<vmem>>[vector<16xi32>, vector<16xi32>, vector<16xi32>], vector<16xf32>,
        %swap3A_650 = arith.index_cast %while3A_632 : i32 to index
        %swap3A_651 = arith.constant 16 : index
        %swap3A_652 = tpu.vector_load %arg9[%swap3A_650, %swap3A_651] {strides = array<i32>} : memref<512x128xf32, #tpu.memory_space<vmem>>, vector<16xf32>,
        tpu.vector_store %arg9[%swap3A_650, %swap3A_651], %gather3A_649 {strides = array<i32>} : memref<512x128xf32, #tpu.memory_space<vmem>>, vector<16xf32>,
        %add3A_653 = arith.constant 32 : i32
        %add3A_654 = vector.broadcast %add3A_653 : i32 to vector<16xi32>
        %add3A_655 = arith.addi %iota3A, %add3A_654 : vector<16xi32>
        %gather3A_656 = tpu.vector_load_idx %arg8[%broadcast_in_dim3A_640, %add3A_655, %broadcast_in_dim3A_638] : memref<7x64x128xf32, #tpu.memory_space<vmem>>[vector<16xi32>, vector<16xi32>, vector<16xi32>], vector<16xf32>,
        %swap3A_657 = arith.index_cast %while3A_632 : i32 to index
        %swap3A_658 = arith.constant 32 : index
        %swap3A_659 = tpu.vector_load %arg9[%swap3A_657, %swap3A_658] {strides = array<i32>} : memref<512x128xf32, #tpu.memory_space<vmem>>, vector<16xf32>,
        tpu.vector_store %arg9[%swap3A_657, %swap3A_658], %gather3A_656 {strides = array<i32>} : memref<512x128xf32, #tpu.memory_space<vmem>>, vector<16xf32>,
        %add3A_660 = arith.constant 48 : i32
        %add3A_661 = vector.broadcast %add3A_660 : i32 to vector<16xi32>
        %add3A_662 = arith.addi %iota3A, %add3A_661 : vector<16xi32>
        %gather3A_663 = tpu.vector_load_idx %arg8[%broadcast_in_dim3A_640, %add3A_662, %broadcast_in_dim3A_638] : memref<7x64x128xf32, #tpu.memory_space<vmem>>[vector<16xi32>, vector<16xi32>, vector<16xi32>], vector<16xf32>,
        %swap3A_664 = arith.index_cast %while3A_632 : i32 to index
        %swap3A_665 = arith.constant 48 : index
        %swap3A_666 = tpu.vector_load %arg9[%swap3A_664, %swap3A_665] {strides = array<i32>} : memref<512x128xf32, #tpu.memory_space<vmem>>, vector<16xf32>,
        tpu.vector_store %arg9[%swap3A_664, %swap3A_665], %gather3A_663 {strides = array<i32>} : memref<512x128xf32, #tpu.memory_space<vmem>>, vector<16xf32>,
      }
      %slice3A_414 = vector.extract_strided_slice %get3A_288 {offsets = [2], sizes = [1], strides = [1]} : vector<16xi32> to vector<1xi32>
      %squeeze3A_415 = vector.extract %slice3A_414[0] : i32 from vector<1xi32>
      %min3A_416 = arith.constant 7812 : i32
      %min3A_417 = arith.minsi %squeeze3A_415, %min3A_416 : i32
      %max3A_418 = arith.constant 0 : i32
      %max3A_419 = arith.maxsi %min3A_417, %max3A_418 : i32
      %shift_left3A_420 = arith.constant 7 : i32
      %shift_left3A_421 = arith.shli %max3A_419, %shift_left3A_420 : i32
      %multiple_of3A_422 = tpu.assume_multiple %shift_left3A_421, 128 : i32
      %dma_start3A_423 = arith.constant 2 : i32
      %dma_start3A_424 = arith.constant 0 : i32
      %dma_start3A_425 = arith.constant 0 : i32
      %dma_start3A_426 = tpu.memref_slice %arg8[%dma_start3A_423, %dma_start3A_424, %dma_start3A_425] : memref<7x64x128xf32, #tpu.memory_space<vmem>> -> memref<1x64x128xf32, #tpu.memory_space<vmem>>
      %dma_start3A_427 = tpu.memref_squeeze %dma_start3A_426 : memref<1x64x128xf32, #tpu.memory_space<vmem>> -> memref<64x128xf32, #tpu.memory_space<vmem>>
      %dma_start3A_428 = arith.constant 0 : i32
      %dma_start3A_429 = tpu.memref_slice %arg3[%dma_start3A_428, %multiple_of3A_422] : memref<64x1000000xf32, #tpu.memory_space<hbm>> -> memref<64x128xf32, #tpu.memory_space<hbm>>
      %dma_start3A_430 = arith.constant 0 : i32
      %dma_start3A_431 = arith.constant 0 : i32
      %dma_start3A_432 = tpu.memref_slice %arg8[%dma_start3A_423, %dma_start3A_430, %dma_start3A_431] : memref<7x64x128xf32, #tpu.memory_space<vmem>> -> memref<1x64x128xf32, #tpu.memory_space<vmem>>
      %dma_start3A_433 = tpu.memref_squeeze %dma_start3A_432 : memref<1x64x128xf32, #tpu.memory_space<vmem>> -> memref<64x128xf32, #tpu.memory_space<vmem>>
      %dma_start3A_434 = arith.constant 0 : i32
      %dma_start3A_435 = tpu.memref_slice %arg3[%dma_start3A_434, %multiple_of3A_422] : memref<64x1000000xf32, #tpu.memory_space<hbm>> -> memref<64x128xf32, #tpu.memory_space<hbm>>
      tpu.enqueue_dma source(%dma_start3A_435 : memref<64x128xf32, #tpu.memory_space<hbm>>) target(%dma_start3A_433 : memref<64x128xf32, #tpu.memory_space<vmem>>) target_semaphore(%arg12 : memref<!tpu.dma_semaphore, #tpu.memory_space<semaphore_mem>>)
      %dma_wait3A_436 = arith.constant 3 : i32
      %dma_wait3A_437 = arith.constant 0 : i32
      %dma_wait3A_438 = arith.constant 0 : i32
      %dma_wait3A_439 = tpu.memref_slice %arg8[%dma_wait3A_436, %dma_wait3A_437, %dma_wait3A_438] : memref<7x64x128xf32, #tpu.memory_space<vmem>> -> memref<1x64x128xf32, #tpu.memory_space<vmem>>
      %dma_wait3A_440 = tpu.memref_squeeze %dma_wait3A_439 : memref<1x64x128xf32, #tpu.memory_space<vmem>> -> memref<64x128xf32, #tpu.memory_space<vmem>>
      %dma_wait3A_441 = arith.constant 0 : i32
      %dma_wait3A_442 = arith.constant 0 : i32
      %dma_wait3A_443 = tpu.memref_slice %arg3[%dma_wait3A_441, %dma_wait3A_442] : memref<64x1000000xf32, #tpu.memory_space<hbm>> -> memref<64x128xf32, #tpu.memory_space<hbm>>
      %dma_wait3A_444 = arith.constant 0 : i32
      %dma_wait3A_445 = arith.constant 0 : i32
      %dma_wait3A_446 = tpu.memref_slice %arg8[%dma_wait3A_436, %dma_wait3A_444, %dma_wait3A_445] : memref<7x64x128xf32, #tpu.memory_space<vmem>> -> memref<1x64x128xf32, #tpu.memory_space<vmem>>
      %dma_wait3A_447 = tpu.memref_squeeze %dma_wait3A_446 : memref<1x64x128xf32, #tpu.memory_space<vmem>> -> memref<64x128xf32, #tpu.memory_space<vmem>>
      %dma_wait3A_448 = arith.constant 0 : i32
      %dma_wait3A_449 = arith.constant 0 : i32
      %dma_wait3A_450 = tpu.memref_slice %arg3[%dma_wait3A_448, %dma_wait3A_449] : memref<64x1000000xf32, #tpu.memory_space<hbm>> -> memref<64x128xf32, #tpu.memory_space<hbm>>
      tpu.wait_dma2 semaphore(%arg13 : memref<!tpu.dma_semaphore, #tpu.memory_space<semaphore_mem>>) src(%dma_wait3A_450 : memref<64x128xf32, #tpu.memory_space<hbm>>) dst(%dma_wait3A_447 : memref<64x128xf32, #tpu.memory_space<vmem>>)
      %slice3A_451 = vector.extract_strided_slice %get3A_282 {offsets = [3], sizes = [1], strides = [1]} : vector<16xi32> to vector<1xi32>
      %squeeze3A_452 = vector.extract %slice3A_451[0] : i32 from vector<1xi32>
      %slice3A_453 = vector.extract_strided_slice %get3A_282 {offsets = [4], sizes = [1], strides = [1]} : vector<16xi32> to vector<1xi32>
      %squeeze3A_454 = vector.extract %slice3A_453[0] : i32 from vector<1xi32>
      %while3A_455 = arith.subi %squeeze3A_454, %squeeze3A_452 : i32
      %while3A_456 = arith.addi %squeeze3A_452, %while3A_455 : i32
      %while3A_457 = arith.constant 1 : i32
      %while3A_458 = arith.divsi %while3A_455, %while3A_457 : i32
      %while3A_459 = arith.muli %while3A_458, %while3A_457 : i32
      %while3A_460 = arith.addi %squeeze3A_452, %while3A_459 : i32
      %while3A_461 = arith.constant 1 : i32
      scf.for %while3A_632 = %squeeze3A_452 to %while3A_460 step %while3A_461  : i32 {
        %get3A_633 = arith.index_cast %while3A_632 : i32 to index
        %get3A_634 = tpu.vector_load %arg5[%get3A_633] {strides = array<i32>} : memref<528xi32, #tpu.memory_space<vmem>>, vector<16xi32>,
        %slice3A_635 = vector.extract_strided_slice %get3A_634 {offsets = [0], sizes = [1], strides = [1]} : vector<16xi32> to vector<1xi32>
        %squeeze3A_636 = vector.extract %slice3A_635[0] : i32 from vector<1xi32>
        %and3A = arith.constant 127 : i32
        %and3A_637 = arith.andi %squeeze3A_636, %and3A : i32
        %broadcast_in_dim3A_638 = vector.broadcast %and3A_637 : i32 to vector<16xi32>
        %broadcast_in_dim3A_639 = arith.constant 3 : i32
        %broadcast_in_dim3A_640 = vector.broadcast %broadcast_in_dim3A_639 : i32 to vector<16xi32>
        %add3A_641 = arith.constant 0 : i32
        %add3A_642 = vector.broadcast %add3A_641 : i32 to vector<16xi32>
        %add3A_643 = arith.addi %iota3A, %add3A_642 : vector<16xi32>
        %gather3A = tpu.vector_load_idx %arg8[%broadcast_in_dim3A_640, %add3A_643, %broadcast_in_dim3A_638] : memref<7x64x128xf32, #tpu.memory_space<vmem>>[vector<16xi32>, vector<16xi32>, vector<16xi32>], vector<16xf32>,
        %swap3A = arith.index_cast %while3A_632 : i32 to index
        %swap3A_644 = arith.constant 0 : index
        %swap3A_645 = tpu.vector_load %arg9[%swap3A, %swap3A_644] {strides = array<i32>} : memref<512x128xf32, #tpu.memory_space<vmem>>, vector<16xf32>,
        tpu.vector_store %arg9[%swap3A, %swap3A_644], %gather3A {strides = array<i32>} : memref<512x128xf32, #tpu.memory_space<vmem>>, vector<16xf32>,
        %add3A_646 = arith.constant 16 : i32
        %add3A_647 = vector.broadcast %add3A_646 : i32 to vector<16xi32>
        %add3A_648 = arith.addi %iota3A, %add3A_647 : vector<16xi32>
        %gather3A_649 = tpu.vector_load_idx %arg8[%broadcast_in_dim3A_640, %add3A_648, %broadcast_in_dim3A_638] : memref<7x64x128xf32, #tpu.memory_space<vmem>>[vector<16xi32>, vector<16xi32>, vector<16xi32>], vector<16xf32>,
        %swap3A_650 = arith.index_cast %while3A_632 : i32 to index
        %swap3A_651 = arith.constant 16 : index
        %swap3A_652 = tpu.vector_load %arg9[%swap3A_650, %swap3A_651] {strides = array<i32>} : memref<512x128xf32, #tpu.memory_space<vmem>>, vector<16xf32>,
        tpu.vector_store %arg9[%swap3A_650, %swap3A_651], %gather3A_649 {strides = array<i32>} : memref<512x128xf32, #tpu.memory_space<vmem>>, vector<16xf32>,
        %add3A_653 = arith.constant 32 : i32
        %add3A_654 = vector.broadcast %add3A_653 : i32 to vector<16xi32>
        %add3A_655 = arith.addi %iota3A, %add3A_654 : vector<16xi32>
        %gather3A_656 = tpu.vector_load_idx %arg8[%broadcast_in_dim3A_640, %add3A_655, %broadcast_in_dim3A_638] : memref<7x64x128xf32, #tpu.memory_space<vmem>>[vector<16xi32>, vector<16xi32>, vector<16xi32>], vector<16xf32>,
        %swap3A_657 = arith.index_cast %while3A_632 : i32 to index
        %swap3A_658 = arith.constant 32 : index
        %swap3A_659 = tpu.vector_load %arg9[%swap3A_657, %swap3A_658] {strides = array<i32>} : memref<512x128xf32, #tpu.memory_space<vmem>>, vector<16xf32>,
        tpu.vector_store %arg9[%swap3A_657, %swap3A_658], %gather3A_656 {strides = array<i32>} : memref<512x128xf32, #tpu.memory_space<vmem>>, vector<16xf32>,
        %add3A_660 = arith.constant 48 : i32
        %add3A_661 = vector.broadcast %add3A_660 : i32 to vector<16xi32>
        %add3A_662 = arith.addi %iota3A, %add3A_661 : vector<16xi32>
        %gather3A_663 = tpu.vector_load_idx %arg8[%broadcast_in_dim3A_640, %add3A_662, %broadcast_in_dim3A_638] : memref<7x64x128xf32, #tpu.memory_space<vmem>>[vector<16xi32>, vector<16xi32>, vector<16xi32>], vector<16xf32>,
        %swap3A_664 = arith.index_cast %while3A_632 : i32 to index
        %swap3A_665 = arith.constant 48 : index
        %swap3A_666 = tpu.vector_load %arg9[%swap3A_664, %swap3A_665] {strides = array<i32>} : memref<512x128xf32, #tpu.memory_space<vmem>>, vector<16xf32>,
        tpu.vector_store %arg9[%swap3A_664, %swap3A_665], %gather3A_663 {strides = array<i32>} : memref<512x128xf32, #tpu.memory_space<vmem>>, vector<16xf32>,
      }
      %while3A_462 = arith.constant 1 : i32
      scf.for %while3A_632 = %while3A_460 to %while3A_456 step %while3A_462  : i32 {
        %get3A_633 = arith.index_cast %while3A_632 : i32 to index
        %get3A_634 = tpu.vector_load %arg5[%get3A_633] {strides = array<i32>} : memref<528xi32, #tpu.memory_space<vmem>>, vector<16xi32>,
        %slice3A_635 = vector.extract_strided_slice %get3A_634 {offsets = [0], sizes = [1], strides = [1]} : vector<16xi32> to vector<1xi32>
        %squeeze3A_636 = vector.extract %slice3A_635[0] : i32 from vector<1xi32>
        %and3A = arith.constant 127 : i32
        %and3A_637 = arith.andi %squeeze3A_636, %and3A : i32
        %broadcast_in_dim3A_638 = vector.broadcast %and3A_637 : i32 to vector<16xi32>
        %broadcast_in_dim3A_639 = arith.constant 3 : i32
        %broadcast_in_dim3A_640 = vector.broadcast %broadcast_in_dim3A_639 : i32 to vector<16xi32>
        %add3A_641 = arith.constant 0 : i32
        %add3A_642 = vector.broadcast %add3A_641 : i32 to vector<16xi32>
        %add3A_643 = arith.addi %iota3A, %add3A_642 : vector<16xi32>
        %gather3A = tpu.vector_load_idx %arg8[%broadcast_in_dim3A_640, %add3A_643, %broadcast_in_dim3A_638] : memref<7x64x128xf32, #tpu.memory_space<vmem>>[vector<16xi32>, vector<16xi32>, vector<16xi32>], vector<16xf32>,
        %swap3A = arith.index_cast %while3A_632 : i32 to index
        %swap3A_644 = arith.constant 0 : index
        %swap3A_645 = tpu.vector_load %arg9[%swap3A, %swap3A_644] {strides = array<i32>} : memref<512x128xf32, #tpu.memory_space<vmem>>, vector<16xf32>,
        tpu.vector_store %arg9[%swap3A, %swap3A_644], %gather3A {strides = array<i32>} : memref<512x128xf32, #tpu.memory_space<vmem>>, vector<16xf32>,
        %add3A_646 = arith.constant 16 : i32
        %add3A_647 = vector.broadcast %add3A_646 : i32 to vector<16xi32>
        %add3A_648 = arith.addi %iota3A, %add3A_647 : vector<16xi32>
        %gather3A_649 = tpu.vector_load_idx %arg8[%broadcast_in_dim3A_640, %add3A_648, %broadcast_in_dim3A_638] : memref<7x64x128xf32, #tpu.memory_space<vmem>>[vector<16xi32>, vector<16xi32>, vector<16xi32>], vector<16xf32>,
        %swap3A_650 = arith.index_cast %while3A_632 : i32 to index
        %swap3A_651 = arith.constant 16 : index
        %swap3A_652 = tpu.vector_load %arg9[%swap3A_650, %swap3A_651] {strides = array<i32>} : memref<512x128xf32, #tpu.memory_space<vmem>>, vector<16xf32>,
        tpu.vector_store %arg9[%swap3A_650, %swap3A_651], %gather3A_649 {strides = array<i32>} : memref<512x128xf32, #tpu.memory_space<vmem>>, vector<16xf32>,
        %add3A_653 = arith.constant 32 : i32
        %add3A_654 = vector.broadcast %add3A_653 : i32 to vector<16xi32>
        %add3A_655 = arith.addi %iota3A, %add3A_654 : vector<16xi32>
        %gather3A_656 = tpu.vector_load_idx %arg8[%broadcast_in_dim3A_640, %add3A_655, %broadcast_in_dim3A_638] : memref<7x64x128xf32, #tpu.memory_space<vmem>>[vector<16xi32>, vector<16xi32>, vector<16xi32>], vector<16xf32>,
        %swap3A_657 = arith.index_cast %while3A_632 : i32 to index
        %swap3A_658 = arith.constant 32 : index
        %swap3A_659 = tpu.vector_load %arg9[%swap3A_657, %swap3A_658] {strides = array<i32>} : memref<512x128xf32, #tpu.memory_space<vmem>>, vector<16xf32>,
        tpu.vector_store %arg9[%swap3A_657, %swap3A_658], %gather3A_656 {strides = array<i32>} : memref<512x128xf32, #tpu.memory_space<vmem>>, vector<16xf32>,
        %add3A_660 = arith.constant 48 : i32
        %add3A_661 = vector.broadcast %add3A_660 : i32 to vector<16xi32>
        %add3A_662 = arith.addi %iota3A, %add3A_661 : vector<16xi32>
        %gather3A_663 = tpu.vector_load_idx %arg8[%broadcast_in_dim3A_640, %add3A_662, %broadcast_in_dim3A_638] : memref<7x64x128xf32, #tpu.memory_space<vmem>>[vector<16xi32>, vector<16xi32>, vector<16xi32>], vector<16xf32>,
        %swap3A_664 = arith.index_cast %while3A_632 : i32 to index
        %swap3A_665 = arith.constant 48 : index
        %swap3A_666 = tpu.vector_load %arg9[%swap3A_664, %swap3A_665] {strides = array<i32>} : memref<512x128xf32, #tpu.memory_space<vmem>>, vector<16xf32>,
        tpu.vector_store %arg9[%swap3A_664, %swap3A_665], %gather3A_663 {strides = array<i32>} : memref<512x128xf32, #tpu.memory_space<vmem>>, vector<16xf32>,
      }
      %slice3A_463 = vector.extract_strided_slice %get3A_288 {offsets = [3], sizes = [1], strides = [1]} : vector<16xi32> to vector<1xi32>
      %squeeze3A_464 = vector.extract %slice3A_463[0] : i32 from vector<1xi32>
      %min3A_465 = arith.constant 7812 : i32
      %min3A_466 = arith.minsi %squeeze3A_464, %min3A_465 : i32
      %max3A_467 = arith.constant 0 : i32
      %max3A_468 = arith.maxsi %min3A_466, %max3A_467 : i32
      %shift_left3A_469 = arith.constant 7 : i32
      %shift_left3A_470 = arith.shli %max3A_468, %shift_left3A_469 : i32
      %multiple_of3A_471 = tpu.assume_multiple %shift_left3A_470, 128 : i32
      %dma_start3A_472 = arith.constant 3 : i32
      %dma_start3A_473 = arith.constant 0 : i32
      %dma_start3A_474 = arith.constant 0 : i32
      %dma_start3A_475 = tpu.memref_slice %arg8[%dma_start3A_472, %dma_start3A_473, %dma_start3A_474] : memref<7x64x128xf32, #tpu.memory_space<vmem>> -> memref<1x64x128xf32, #tpu.memory_space<vmem>>
      %dma_start3A_476 = tpu.memref_squeeze %dma_start3A_475 : memref<1x64x128xf32, #tpu.memory_space<vmem>> -> memref<64x128xf32, #tpu.memory_space<vmem>>
      %dma_start3A_477 = arith.constant 0 : i32
      %dma_start3A_478 = tpu.memref_slice %arg3[%dma_start3A_477, %multiple_of3A_471] : memref<64x1000000xf32, #tpu.memory_space<hbm>> -> memref<64x128xf32, #tpu.memory_space<hbm>>
      %dma_start3A_479 = arith.constant 0 : i32
      %dma_start3A_480 = arith.constant 0 : i32
      %dma_start3A_481 = tpu.memref_slice %arg8[%dma_start3A_472, %dma_start3A_479, %dma_start3A_480] : memref<7x64x128xf32, #tpu.memory_space<vmem>> -> memref<1x64x128xf32, #tpu.memory_space<vmem>>
      %dma_start3A_482 = tpu.memref_squeeze %dma_start3A_481 : memref<1x64x128xf32, #tpu.memory_space<vmem>> -> memref<64x128xf32, #tpu.memory_space<vmem>>
      %dma_start3A_483 = arith.constant 0 : i32
      %dma_start3A_484 = tpu.memref_slice %arg3[%dma_start3A_483, %multiple_of3A_471] : memref<64x1000000xf32, #tpu.memory_space<hbm>> -> memref<64x128xf32, #tpu.memory_space<hbm>>
      tpu.enqueue_dma source(%dma_start3A_484 : memref<64x128xf32, #tpu.memory_space<hbm>>) target(%dma_start3A_482 : memref<64x128xf32, #tpu.memory_space<vmem>>) target_semaphore(%arg13 : memref<!tpu.dma_semaphore, #tpu.memory_space<semaphore_mem>>)
      %dma_wait3A_485 = arith.constant 4 : i32
      %dma_wait3A_486 = arith.constant 0 : i32
      %dma_wait3A_487 = arith.constant 0 : i32
      %dma_wait3A_488 = tpu.memref_slice %arg8[%dma_wait3A_485, %dma_wait3A_486, %dma_wait3A_487] : memref<7x64x128xf32, #tpu.memory_space<vmem>> -> memref<1x64x128xf32, #tpu.memory_space<vmem>>
      %dma_wait3A_489 = tpu.memref_squeeze %dma_wait3A_488 : memref<1x64x128xf32, #tpu.memory_space<vmem>> -> memref<64x128xf32, #tpu.memory_space<vmem>>
      %dma_wait3A_490 = arith.constant 0 : i32
      %dma_wait3A_491 = arith.constant 0 : i32
      %dma_wait3A_492 = tpu.memref_slice %arg3[%dma_wait3A_490, %dma_wait3A_491] : memref<64x1000000xf32, #tpu.memory_space<hbm>> -> memref<64x128xf32, #tpu.memory_space<hbm>>
      %dma_wait3A_493 = arith.constant 0 : i32
      %dma_wait3A_494 = arith.constant 0 : i32
      %dma_wait3A_495 = tpu.memref_slice %arg8[%dma_wait3A_485, %dma_wait3A_493, %dma_wait3A_494] : memref<7x64x128xf32, #tpu.memory_space<vmem>> -> memref<1x64x128xf32, #tpu.memory_space<vmem>>
      %dma_wait3A_496 = tpu.memref_squeeze %dma_wait3A_495 : memref<1x64x128xf32, #tpu.memory_space<vmem>> -> memref<64x128xf32, #tpu.memory_space<vmem>>
      %dma_wait3A_497 = arith.constant 0 : i32
      %dma_wait3A_498 = arith.constant 0 : i32
      %dma_wait3A_499 = tpu.memref_slice %arg3[%dma_wait3A_497, %dma_wait3A_498] : memref<64x1000000xf32, #tpu.memory_space<hbm>> -> memref<64x128xf32, #tpu.memory_space<hbm>>
      tpu.wait_dma2 semaphore(%arg14 : memref<!tpu.dma_semaphore, #tpu.memory_space<semaphore_mem>>) src(%dma_wait3A_499 : memref<64x128xf32, #tpu.memory_space<hbm>>) dst(%dma_wait3A_496 : memref<64x128xf32, #tpu.memory_space<vmem>>)
      %slice3A_500 = vector.extract_strided_slice %get3A_282 {offsets = [4], sizes = [1], strides = [1]} : vector<16xi32> to vector<1xi32>
      %squeeze3A_501 = vector.extract %slice3A_500[0] : i32 from vector<1xi32>
      %slice3A_502 = vector.extract_strided_slice %get3A_282 {offsets = [5], sizes = [1], strides = [1]} : vector<16xi32> to vector<1xi32>
      %squeeze3A_503 = vector.extract %slice3A_502[0] : i32 from vector<1xi32>
      %while3A_504 = arith.subi %squeeze3A_503, %squeeze3A_501 : i32
      %while3A_505 = arith.addi %squeeze3A_501, %while3A_504 : i32
      %while3A_506 = arith.constant 1 : i32
      %while3A_507 = arith.divsi %while3A_504, %while3A_506 : i32
      %while3A_508 = arith.muli %while3A_507, %while3A_506 : i32
      %while3A_509 = arith.addi %squeeze3A_501, %while3A_508 : i32
      %while3A_510 = arith.constant 1 : i32
      scf.for %while3A_632 = %squeeze3A_501 to %while3A_509 step %while3A_510  : i32 {
        %get3A_633 = arith.index_cast %while3A_632 : i32 to index
        %get3A_634 = tpu.vector_load %arg5[%get3A_633] {strides = array<i32>} : memref<528xi32, #tpu.memory_space<vmem>>, vector<16xi32>,
        %slice3A_635 = vector.extract_strided_slice %get3A_634 {offsets = [0], sizes = [1], strides = [1]} : vector<16xi32> to vector<1xi32>
        %squeeze3A_636 = vector.extract %slice3A_635[0] : i32 from vector<1xi32>
        %and3A = arith.constant 127 : i32
        %and3A_637 = arith.andi %squeeze3A_636, %and3A : i32
        %broadcast_in_dim3A_638 = vector.broadcast %and3A_637 : i32 to vector<16xi32>
        %broadcast_in_dim3A_639 = arith.constant 4 : i32
        %broadcast_in_dim3A_640 = vector.broadcast %broadcast_in_dim3A_639 : i32 to vector<16xi32>
        %add3A_641 = arith.constant 0 : i32
        %add3A_642 = vector.broadcast %add3A_641 : i32 to vector<16xi32>
        %add3A_643 = arith.addi %iota3A, %add3A_642 : vector<16xi32>
        %gather3A = tpu.vector_load_idx %arg8[%broadcast_in_dim3A_640, %add3A_643, %broadcast_in_dim3A_638] : memref<7x64x128xf32, #tpu.memory_space<vmem>>[vector<16xi32>, vector<16xi32>, vector<16xi32>], vector<16xf32>,
        %swap3A = arith.index_cast %while3A_632 : i32 to index
        %swap3A_644 = arith.constant 0 : index
        %swap3A_645 = tpu.vector_load %arg9[%swap3A, %swap3A_644] {strides = array<i32>} : memref<512x128xf32, #tpu.memory_space<vmem>>, vector<16xf32>,
        tpu.vector_store %arg9[%swap3A, %swap3A_644], %gather3A {strides = array<i32>} : memref<512x128xf32, #tpu.memory_space<vmem>>, vector<16xf32>,
        %add3A_646 = arith.constant 16 : i32
        %add3A_647 = vector.broadcast %add3A_646 : i32 to vector<16xi32>
        %add3A_648 = arith.addi %iota3A, %add3A_647 : vector<16xi32>
        %gather3A_649 = tpu.vector_load_idx %arg8[%broadcast_in_dim3A_640, %add3A_648, %broadcast_in_dim3A_638] : memref<7x64x128xf32, #tpu.memory_space<vmem>>[vector<16xi32>, vector<16xi32>, vector<16xi32>], vector<16xf32>,
        %swap3A_650 = arith.index_cast %while3A_632 : i32 to index
        %swap3A_651 = arith.constant 16 : index
        %swap3A_652 = tpu.vector_load %arg9[%swap3A_650, %swap3A_651] {strides = array<i32>} : memref<512x128xf32, #tpu.memory_space<vmem>>, vector<16xf32>,
        tpu.vector_store %arg9[%swap3A_650, %swap3A_651], %gather3A_649 {strides = array<i32>} : memref<512x128xf32, #tpu.memory_space<vmem>>, vector<16xf32>,
        %add3A_653 = arith.constant 32 : i32
        %add3A_654 = vector.broadcast %add3A_653 : i32 to vector<16xi32>
        %add3A_655 = arith.addi %iota3A, %add3A_654 : vector<16xi32>
        %gather3A_656 = tpu.vector_load_idx %arg8[%broadcast_in_dim3A_640, %add3A_655, %broadcast_in_dim3A_638] : memref<7x64x128xf32, #tpu.memory_space<vmem>>[vector<16xi32>, vector<16xi32>, vector<16xi32>], vector<16xf32>,
        %swap3A_657 = arith.index_cast %while3A_632 : i32 to index
        %swap3A_658 = arith.constant 32 : index
        %swap3A_659 = tpu.vector_load %arg9[%swap3A_657, %swap3A_658] {strides = array<i32>} : memref<512x128xf32, #tpu.memory_space<vmem>>, vector<16xf32>,
        tpu.vector_store %arg9[%swap3A_657, %swap3A_658], %gather3A_656 {strides = array<i32>} : memref<512x128xf32, #tpu.memory_space<vmem>>, vector<16xf32>,
        %add3A_660 = arith.constant 48 : i32
        %add3A_661 = vector.broadcast %add3A_660 : i32 to vector<16xi32>
        %add3A_662 = arith.addi %iota3A, %add3A_661 : vector<16xi32>
        %gather3A_663 = tpu.vector_load_idx %arg8[%broadcast_in_dim3A_640, %add3A_662, %broadcast_in_dim3A_638] : memref<7x64x128xf32, #tpu.memory_space<vmem>>[vector<16xi32>, vector<16xi32>, vector<16xi32>], vector<16xf32>,
        %swap3A_664 = arith.index_cast %while3A_632 : i32 to index
        %swap3A_665 = arith.constant 48 : index
        %swap3A_666 = tpu.vector_load %arg9[%swap3A_664, %swap3A_665] {strides = array<i32>} : memref<512x128xf32, #tpu.memory_space<vmem>>, vector<16xf32>,
        tpu.vector_store %arg9[%swap3A_664, %swap3A_665], %gather3A_663 {strides = array<i32>} : memref<512x128xf32, #tpu.memory_space<vmem>>, vector<16xf32>,
      }
      %while3A_511 = arith.constant 1 : i32
      scf.for %while3A_632 = %while3A_509 to %while3A_505 step %while3A_511  : i32 {
        %get3A_633 = arith.index_cast %while3A_632 : i32 to index
        %get3A_634 = tpu.vector_load %arg5[%get3A_633] {strides = array<i32>} : memref<528xi32, #tpu.memory_space<vmem>>, vector<16xi32>,
        %slice3A_635 = vector.extract_strided_slice %get3A_634 {offsets = [0], sizes = [1], strides = [1]} : vector<16xi32> to vector<1xi32>
        %squeeze3A_636 = vector.extract %slice3A_635[0] : i32 from vector<1xi32>
        %and3A = arith.constant 127 : i32
        %and3A_637 = arith.andi %squeeze3A_636, %and3A : i32
        %broadcast_in_dim3A_638 = vector.broadcast %and3A_637 : i32 to vector<16xi32>
        %broadcast_in_dim3A_639 = arith.constant 4 : i32
        %broadcast_in_dim3A_640 = vector.broadcast %broadcast_in_dim3A_639 : i32 to vector<16xi32>
        %add3A_641 = arith.constant 0 : i32
        %add3A_642 = vector.broadcast %add3A_641 : i32 to vector<16xi32>
        %add3A_643 = arith.addi %iota3A, %add3A_642 : vector<16xi32>
        %gather3A = tpu.vector_load_idx %arg8[%broadcast_in_dim3A_640, %add3A_643, %broadcast_in_dim3A_638] : memref<7x64x128xf32, #tpu.memory_space<vmem>>[vector<16xi32>, vector<16xi32>, vector<16xi32>], vector<16xf32>,
        %swap3A = arith.index_cast %while3A_632 : i32 to index
        %swap3A_644 = arith.constant 0 : index
        %swap3A_645 = tpu.vector_load %arg9[%swap3A, %swap3A_644] {strides = array<i32>} : memref<512x128xf32, #tpu.memory_space<vmem>>, vector<16xf32>,
        tpu.vector_store %arg9[%swap3A, %swap3A_644], %gather3A {strides = array<i32>} : memref<512x128xf32, #tpu.memory_space<vmem>>, vector<16xf32>,
        %add3A_646 = arith.constant 16 : i32
        %add3A_647 = vector.broadcast %add3A_646 : i32 to vector<16xi32>
        %add3A_648 = arith.addi %iota3A, %add3A_647 : vector<16xi32>
        %gather3A_649 = tpu.vector_load_idx %arg8[%broadcast_in_dim3A_640, %add3A_648, %broadcast_in_dim3A_638] : memref<7x64x128xf32, #tpu.memory_space<vmem>>[vector<16xi32>, vector<16xi32>, vector<16xi32>], vector<16xf32>,
        %swap3A_650 = arith.index_cast %while3A_632 : i32 to index
        %swap3A_651 = arith.constant 16 : index
        %swap3A_652 = tpu.vector_load %arg9[%swap3A_650, %swap3A_651] {strides = array<i32>} : memref<512x128xf32, #tpu.memory_space<vmem>>, vector<16xf32>,
        tpu.vector_store %arg9[%swap3A_650, %swap3A_651], %gather3A_649 {strides = array<i32>} : memref<512x128xf32, #tpu.memory_space<vmem>>, vector<16xf32>,
        %add3A_653 = arith.constant 32 : i32
        %add3A_654 = vector.broadcast %add3A_653 : i32 to vector<16xi32>
        %add3A_655 = arith.addi %iota3A, %add3A_654 : vector<16xi32>
        %gather3A_656 = tpu.vector_load_idx %arg8[%broadcast_in_dim3A_640, %add3A_655, %broadcast_in_dim3A_638] : memref<7x64x128xf32, #tpu.memory_space<vmem>>[vector<16xi32>, vector<16xi32>, vector<16xi32>], vector<16xf32>,
        %swap3A_657 = arith.index_cast %while3A_632 : i32 to index
        %swap3A_658 = arith.constant 32 : index
        %swap3A_659 = tpu.vector_load %arg9[%swap3A_657, %swap3A_658] {strides = array<i32>} : memref<512x128xf32, #tpu.memory_space<vmem>>, vector<16xf32>,
        tpu.vector_store %arg9[%swap3A_657, %swap3A_658], %gather3A_656 {strides = array<i32>} : memref<512x128xf32, #tpu.memory_space<vmem>>, vector<16xf32>,
        %add3A_660 = arith.constant 48 : i32
        %add3A_661 = vector.broadcast %add3A_660 : i32 to vector<16xi32>
        %add3A_662 = arith.addi %iota3A, %add3A_661 : vector<16xi32>
        %gather3A_663 = tpu.vector_load_idx %arg8[%broadcast_in_dim3A_640, %add3A_662, %broadcast_in_dim3A_638] : memref<7x64x128xf32, #tpu.memory_space<vmem>>[vector<16xi32>, vector<16xi32>, vector<16xi32>], vector<16xf32>,
        %swap3A_664 = arith.index_cast %while3A_632 : i32 to index
        %swap3A_665 = arith.constant 48 : index
        %swap3A_666 = tpu.vector_load %arg9[%swap3A_664, %swap3A_665] {strides = array<i32>} : memref<512x128xf32, #tpu.memory_space<vmem>>, vector<16xf32>,
        tpu.vector_store %arg9[%swap3A_664, %swap3A_665], %gather3A_663 {strides = array<i32>} : memref<512x128xf32, #tpu.memory_space<vmem>>, vector<16xf32>,
      }
      %slice3A_512 = vector.extract_strided_slice %get3A_288 {offsets = [4], sizes = [1], strides = [1]} : vector<16xi32> to vector<1xi32>
      %squeeze3A_513 = vector.extract %slice3A_512[0] : i32 from vector<1xi32>
      %min3A_514 = arith.constant 7812 : i32
      %min3A_515 = arith.minsi %squeeze3A_513, %min3A_514 : i32
      %max3A_516 = arith.constant 0 : i32
      %max3A_517 = arith.maxsi %min3A_515, %max3A_516 : i32
      %shift_left3A_518 = arith.constant 7 : i32
      %shift_left3A_519 = arith.shli %max3A_517, %shift_left3A_518 : i32
      %multiple_of3A_520 = tpu.assume_multiple %shift_left3A_519, 128 : i32
      %dma_start3A_521 = arith.constant 4 : i32
      %dma_start3A_522 = arith.constant 0 : i32
      %dma_start3A_523 = arith.constant 0 : i32
      %dma_start3A_524 = tpu.memref_slice %arg8[%dma_start3A_521, %dma_start3A_522, %dma_start3A_523] : memref<7x64x128xf32, #tpu.memory_space<vmem>> -> memref<1x64x128xf32, #tpu.memory_space<vmem>>
      %dma_start3A_525 = tpu.memref_squeeze %dma_start3A_524 : memref<1x64x128xf32, #tpu.memory_space<vmem>> -> memref<64x128xf32, #tpu.memory_space<vmem>>
      %dma_start3A_526 = arith.constant 0 : i32
      %dma_start3A_527 = tpu.memref_slice %arg3[%dma_start3A_526, %multiple_of3A_520] : memref<64x1000000xf32, #tpu.memory_space<hbm>> -> memref<64x128xf32, #tpu.memory_space<hbm>>
      %dma_start3A_528 = arith.constant 0 : i32
      %dma_start3A_529 = arith.constant 0 : i32
      %dma_start3A_530 = tpu.memref_slice %arg8[%dma_start3A_521, %dma_start3A_528, %dma_start3A_529] : memref<7x64x128xf32, #tpu.memory_space<vmem>> -> memref<1x64x128xf32, #tpu.memory_space<vmem>>
      %dma_start3A_531 = tpu.memref_squeeze %dma_start3A_530 : memref<1x64x128xf32, #tpu.memory_space<vmem>> -> memref<64x128xf32, #tpu.memory_space<vmem>>
      %dma_start3A_532 = arith.constant 0 : i32
      %dma_start3A_533 = tpu.memref_slice %arg3[%dma_start3A_532, %multiple_of3A_520] : memref<64x1000000xf32, #tpu.memory_space<hbm>> -> memref<64x128xf32, #tpu.memory_space<hbm>>
      tpu.enqueue_dma source(%dma_start3A_533 : memref<64x128xf32, #tpu.memory_space<hbm>>) target(%dma_start3A_531 : memref<64x128xf32, #tpu.memory_space<vmem>>) target_semaphore(%arg14 : memref<!tpu.dma_semaphore, #tpu.memory_space<semaphore_mem>>)
      %dma_wait3A_534 = arith.constant 5 : i32
      %dma_wait3A_535 = arith.constant 0 : i32
      %dma_wait3A_536 = arith.constant 0 : i32
      %dma_wait3A_537 = tpu.memref_slice %arg8[%dma_wait3A_534, %dma_wait3A_535, %dma_wait3A_536] : memref<7x64x128xf32, #tpu.memory_space<vmem>> -> memref<1x64x128xf32, #tpu.memory_space<vmem>>
      %dma_wait3A_538 = tpu.memref_squeeze %dma_wait3A_537 : memref<1x64x128xf32, #tpu.memory_space<vmem>> -> memref<64x128xf32, #tpu.memory_space<vmem>>
      %dma_wait3A_539 = arith.constant 0 : i32
      %dma_wait3A_540 = arith.constant 0 : i32
      %dma_wait3A_541 = tpu.memref_slice %arg3[%dma_wait3A_539, %dma_wait3A_540] : memref<64x1000000xf32, #tpu.memory_space<hbm>> -> memref<64x128xf32, #tpu.memory_space<hbm>>
      %dma_wait3A_542 = arith.constant 0 : i32
      %dma_wait3A_543 = arith.constant 0 : i32
      %dma_wait3A_544 = tpu.memref_slice %arg8[%dma_wait3A_534, %dma_wait3A_542, %dma_wait3A_543] : memref<7x64x128xf32, #tpu.memory_space<vmem>> -> memref<1x64x128xf32, #tpu.memory_space<vmem>>
      %dma_wait3A_545 = tpu.memref_squeeze %dma_wait3A_544 : memref<1x64x128xf32, #tpu.memory_space<vmem>> -> memref<64x128xf32, #tpu.memory_space<vmem>>
      %dma_wait3A_546 = arith.constant 0 : i32
      %dma_wait3A_547 = arith.constant 0 : i32
      %dma_wait3A_548 = tpu.memref_slice %arg3[%dma_wait3A_546, %dma_wait3A_547] : memref<64x1000000xf32, #tpu.memory_space<hbm>> -> memref<64x128xf32, #tpu.memory_space<hbm>>
      tpu.wait_dma2 semaphore(%arg15 : memref<!tpu.dma_semaphore, #tpu.memory_space<semaphore_mem>>) src(%dma_wait3A_548 : memref<64x128xf32, #tpu.memory_space<hbm>>) dst(%dma_wait3A_545 : memref<64x128xf32, #tpu.memory_space<vmem>>)
      %slice3A_549 = vector.extract_strided_slice %get3A_282 {offsets = [5], sizes = [1], strides = [1]} : vector<16xi32> to vector<1xi32>
      %squeeze3A_550 = vector.extract %slice3A_549[0] : i32 from vector<1xi32>
      %slice3A_551 = vector.extract_strided_slice %get3A_282 {offsets = [6], sizes = [1], strides = [1]} : vector<16xi32> to vector<1xi32>
      %squeeze3A_552 = vector.extract %slice3A_551[0] : i32 from vector<1xi32>
      %while3A_553 = arith.subi %squeeze3A_552, %squeeze3A_550 : i32
      %while3A_554 = arith.addi %squeeze3A_550, %while3A_553 : i32
      %while3A_555 = arith.constant 1 : i32
      %while3A_556 = arith.divsi %while3A_553, %while3A_555 : i32
      %while3A_557 = arith.muli %while3A_556, %while3A_555 : i32
      %while3A_558 = arith.addi %squeeze3A_550, %while3A_557 : i32
      %while3A_559 = arith.constant 1 : i32
      scf.for %while3A_632 = %squeeze3A_550 to %while3A_558 step %while3A_559  : i32 {
        %get3A_633 = arith.index_cast %while3A_632 : i32 to index
        %get3A_634 = tpu.vector_load %arg5[%get3A_633] {strides = array<i32>} : memref<528xi32, #tpu.memory_space<vmem>>, vector<16xi32>,
        %slice3A_635 = vector.extract_strided_slice %get3A_634 {offsets = [0], sizes = [1], strides = [1]} : vector<16xi32> to vector<1xi32>
        %squeeze3A_636 = vector.extract %slice3A_635[0] : i32 from vector<1xi32>
        %and3A = arith.constant 127 : i32
        %and3A_637 = arith.andi %squeeze3A_636, %and3A : i32
        %broadcast_in_dim3A_638 = vector.broadcast %and3A_637 : i32 to vector<16xi32>
        %broadcast_in_dim3A_639 = arith.constant 5 : i32
        %broadcast_in_dim3A_640 = vector.broadcast %broadcast_in_dim3A_639 : i32 to vector<16xi32>
        %add3A_641 = arith.constant 0 : i32
        %add3A_642 = vector.broadcast %add3A_641 : i32 to vector<16xi32>
        %add3A_643 = arith.addi %iota3A, %add3A_642 : vector<16xi32>
        %gather3A = tpu.vector_load_idx %arg8[%broadcast_in_dim3A_640, %add3A_643, %broadcast_in_dim3A_638] : memref<7x64x128xf32, #tpu.memory_space<vmem>>[vector<16xi32>, vector<16xi32>, vector<16xi32>], vector<16xf32>,
        %swap3A = arith.index_cast %while3A_632 : i32 to index
        %swap3A_644 = arith.constant 0 : index
        %swap3A_645 = tpu.vector_load %arg9[%swap3A, %swap3A_644] {strides = array<i32>} : memref<512x128xf32, #tpu.memory_space<vmem>>, vector<16xf32>,
        tpu.vector_store %arg9[%swap3A, %swap3A_644], %gather3A {strides = array<i32>} : memref<512x128xf32, #tpu.memory_space<vmem>>, vector<16xf32>,
        %add3A_646 = arith.constant 16 : i32
        %add3A_647 = vector.broadcast %add3A_646 : i32 to vector<16xi32>
        %add3A_648 = arith.addi %iota3A, %add3A_647 : vector<16xi32>
        %gather3A_649 = tpu.vector_load_idx %arg8[%broadcast_in_dim3A_640, %add3A_648, %broadcast_in_dim3A_638] : memref<7x64x128xf32, #tpu.memory_space<vmem>>[vector<16xi32>, vector<16xi32>, vector<16xi32>], vector<16xf32>,
        %swap3A_650 = arith.index_cast %while3A_632 : i32 to index
        %swap3A_651 = arith.constant 16 : index
        %swap3A_652 = tpu.vector_load %arg9[%swap3A_650, %swap3A_651] {strides = array<i32>} : memref<512x128xf32, #tpu.memory_space<vmem>>, vector<16xf32>,
        tpu.vector_store %arg9[%swap3A_650, %swap3A_651], %gather3A_649 {strides = array<i32>} : memref<512x128xf32, #tpu.memory_space<vmem>>, vector<16xf32>,
        %add3A_653 = arith.constant 32 : i32
        %add3A_654 = vector.broadcast %add3A_653 : i32 to vector<16xi32>
        %add3A_655 = arith.addi %iota3A, %add3A_654 : vector<16xi32>
        %gather3A_656 = tpu.vector_load_idx %arg8[%broadcast_in_dim3A_640, %add3A_655, %broadcast_in_dim3A_638] : memref<7x64x128xf32, #tpu.memory_space<vmem>>[vector<16xi32>, vector<16xi32>, vector<16xi32>], vector<16xf32>,
        %swap3A_657 = arith.index_cast %while3A_632 : i32 to index
        %swap3A_658 = arith.constant 32 : index
        %swap3A_659 = tpu.vector_load %arg9[%swap3A_657, %swap3A_658] {strides = array<i32>} : memref<512x128xf32, #tpu.memory_space<vmem>>, vector<16xf32>,
        tpu.vector_store %arg9[%swap3A_657, %swap3A_658], %gather3A_656 {strides = array<i32>} : memref<512x128xf32, #tpu.memory_space<vmem>>, vector<16xf32>,
        %add3A_660 = arith.constant 48 : i32
        %add3A_661 = vector.broadcast %add3A_660 : i32 to vector<16xi32>
        %add3A_662 = arith.addi %iota3A, %add3A_661 : vector<16xi32>
        %gather3A_663 = tpu.vector_load_idx %arg8[%broadcast_in_dim3A_640, %add3A_662, %broadcast_in_dim3A_638] : memref<7x64x128xf32, #tpu.memory_space<vmem>>[vector<16xi32>, vector<16xi32>, vector<16xi32>], vector<16xf32>,
        %swap3A_664 = arith.index_cast %while3A_632 : i32 to index
        %swap3A_665 = arith.constant 48 : index
        %swap3A_666 = tpu.vector_load %arg9[%swap3A_664, %swap3A_665] {strides = array<i32>} : memref<512x128xf32, #tpu.memory_space<vmem>>, vector<16xf32>,
        tpu.vector_store %arg9[%swap3A_664, %swap3A_665], %gather3A_663 {strides = array<i32>} : memref<512x128xf32, #tpu.memory_space<vmem>>, vector<16xf32>,
      }
      %while3A_560 = arith.constant 1 : i32
      scf.for %while3A_632 = %while3A_558 to %while3A_554 step %while3A_560  : i32 {
        %get3A_633 = arith.index_cast %while3A_632 : i32 to index
        %get3A_634 = tpu.vector_load %arg5[%get3A_633] {strides = array<i32>} : memref<528xi32, #tpu.memory_space<vmem>>, vector<16xi32>,
        %slice3A_635 = vector.extract_strided_slice %get3A_634 {offsets = [0], sizes = [1], strides = [1]} : vector<16xi32> to vector<1xi32>
        %squeeze3A_636 = vector.extract %slice3A_635[0] : i32 from vector<1xi32>
        %and3A = arith.constant 127 : i32
        %and3A_637 = arith.andi %squeeze3A_636, %and3A : i32
        %broadcast_in_dim3A_638 = vector.broadcast %and3A_637 : i32 to vector<16xi32>
        %broadcast_in_dim3A_639 = arith.constant 5 : i32
        %broadcast_in_dim3A_640 = vector.broadcast %broadcast_in_dim3A_639 : i32 to vector<16xi32>
        %add3A_641 = arith.constant 0 : i32
        %add3A_642 = vector.broadcast %add3A_641 : i32 to vector<16xi32>
        %add3A_643 = arith.addi %iota3A, %add3A_642 : vector<16xi32>
        %gather3A = tpu.vector_load_idx %arg8[%broadcast_in_dim3A_640, %add3A_643, %broadcast_in_dim3A_638] : memref<7x64x128xf32, #tpu.memory_space<vmem>>[vector<16xi32>, vector<16xi32>, vector<16xi32>], vector<16xf32>,
        %swap3A = arith.index_cast %while3A_632 : i32 to index
        %swap3A_644 = arith.constant 0 : index
        %swap3A_645 = tpu.vector_load %arg9[%swap3A, %swap3A_644] {strides = array<i32>} : memref<512x128xf32, #tpu.memory_space<vmem>>, vector<16xf32>,
        tpu.vector_store %arg9[%swap3A, %swap3A_644], %gather3A {strides = array<i32>} : memref<512x128xf32, #tpu.memory_space<vmem>>, vector<16xf32>,
        %add3A_646 = arith.constant 16 : i32
        %add3A_647 = vector.broadcast %add3A_646 : i32 to vector<16xi32>
        %add3A_648 = arith.addi %iota3A, %add3A_647 : vector<16xi32>
        %gather3A_649 = tpu.vector_load_idx %arg8[%broadcast_in_dim3A_640, %add3A_648, %broadcast_in_dim3A_638] : memref<7x64x128xf32, #tpu.memory_space<vmem>>[vector<16xi32>, vector<16xi32>, vector<16xi32>], vector<16xf32>,
        %swap3A_650 = arith.index_cast %while3A_632 : i32 to index
        %swap3A_651 = arith.constant 16 : index
        %swap3A_652 = tpu.vector_load %arg9[%swap3A_650, %swap3A_651] {strides = array<i32>} : memref<512x128xf32, #tpu.memory_space<vmem>>, vector<16xf32>,
        tpu.vector_store %arg9[%swap3A_650, %swap3A_651], %gather3A_649 {strides = array<i32>} : memref<512x128xf32, #tpu.memory_space<vmem>>, vector<16xf32>,
        %add3A_653 = arith.constant 32 : i32
        %add3A_654 = vector.broadcast %add3A_653 : i32 to vector<16xi32>
        %add3A_655 = arith.addi %iota3A, %add3A_654 : vector<16xi32>
        %gather3A_656 = tpu.vector_load_idx %arg8[%broadcast_in_dim3A_640, %add3A_655, %broadcast_in_dim3A_638] : memref<7x64x128xf32, #tpu.memory_space<vmem>>[vector<16xi32>, vector<16xi32>, vector<16xi32>], vector<16xf32>,
        %swap3A_657 = arith.index_cast %while3A_632 : i32 to index
        %swap3A_658 = arith.constant 32 : index
        %swap3A_659 = tpu.vector_load %arg9[%swap3A_657, %swap3A_658] {strides = array<i32>} : memref<512x128xf32, #tpu.memory_space<vmem>>, vector<16xf32>,
        tpu.vector_store %arg9[%swap3A_657, %swap3A_658], %gather3A_656 {strides = array<i32>} : memref<512x128xf32, #tpu.memory_space<vmem>>, vector<16xf32>,
        %add3A_660 = arith.constant 48 : i32
        %add3A_661 = vector.broadcast %add3A_660 : i32 to vector<16xi32>
        %add3A_662 = arith.addi %iota3A, %add3A_661 : vector<16xi32>
        %gather3A_663 = tpu.vector_load_idx %arg8[%broadcast_in_dim3A_640, %add3A_662, %broadcast_in_dim3A_638] : memref<7x64x128xf32, #tpu.memory_space<vmem>>[vector<16xi32>, vector<16xi32>, vector<16xi32>], vector<16xf32>,
        %swap3A_664 = arith.index_cast %while3A_632 : i32 to index
        %swap3A_665 = arith.constant 48 : index
        %swap3A_666 = tpu.vector_load %arg9[%swap3A_664, %swap3A_665] {strides = array<i32>} : memref<512x128xf32, #tpu.memory_space<vmem>>, vector<16xf32>,
        tpu.vector_store %arg9[%swap3A_664, %swap3A_665], %gather3A_663 {strides = array<i32>} : memref<512x128xf32, #tpu.memory_space<vmem>>, vector<16xf32>,
      }
      %slice3A_561 = vector.extract_strided_slice %get3A_288 {offsets = [5], sizes = [1], strides = [1]} : vector<16xi32> to vector<1xi32>
      %squeeze3A_562 = vector.extract %slice3A_561[0] : i32 from vector<1xi32>
      %min3A_563 = arith.constant 7812 : i32
      %min3A_564 = arith.minsi %squeeze3A_562, %min3A_563 : i32
      %max3A_565 = arith.constant 0 : i32
      %max3A_566 = arith.maxsi %min3A_564, %max3A_565 : i32
      %shift_left3A_567 = arith.constant 7 : i32
      %shift_left3A_568 = arith.shli %max3A_566, %shift_left3A_567 : i32
      %multiple_of3A_569 = tpu.assume_multiple %shift_left3A_568, 128 : i32
      %dma_start3A_570 = arith.constant 5 : i32
      %dma_start3A_571 = arith.constant 0 : i32
      %dma_start3A_572 = arith.constant 0 : i32
      %dma_start3A_573 = tpu.memref_slice %arg8[%dma_start3A_570, %dma_start3A_571, %dma_start3A_572] : memref<7x64x128xf32, #tpu.memory_space<vmem>> -> memref<1x64x128xf32, #tpu.memory_space<vmem>>
      %dma_start3A_574 = tpu.memref_squeeze %dma_start3A_573 : memref<1x64x128xf32, #tpu.memory_space<vmem>> -> memref<64x128xf32, #tpu.memory_space<vmem>>
      %dma_start3A_575 = arith.constant 0 : i32
      %dma_start3A_576 = tpu.memref_slice %arg3[%dma_start3A_575, %multiple_of3A_569] : memref<64x1000000xf32, #tpu.memory_space<hbm>> -> memref<64x128xf32, #tpu.memory_space<hbm>>
      %dma_start3A_577 = arith.constant 0 : i32
      %dma_start3A_578 = arith.constant 0 : i32
      %dma_start3A_579 = tpu.memref_slice %arg8[%dma_start3A_570, %dma_start3A_577, %dma_start3A_578] : memref<7x64x128xf32, #tpu.memory_space<vmem>> -> memref<1x64x128xf32, #tpu.memory_space<vmem>>
      %dma_start3A_580 = tpu.memref_squeeze %dma_start3A_579 : memref<1x64x128xf32, #tpu.memory_space<vmem>> -> memref<64x128xf32, #tpu.memory_space<vmem>>
      %dma_start3A_581 = arith.constant 0 : i32
      %dma_start3A_582 = tpu.memref_slice %arg3[%dma_start3A_581, %multiple_of3A_569] : memref<64x1000000xf32, #tpu.memory_space<hbm>> -> memref<64x128xf32, #tpu.memory_space<hbm>>
      tpu.enqueue_dma source(%dma_start3A_582 : memref<64x128xf32, #tpu.memory_space<hbm>>) target(%dma_start3A_580 : memref<64x128xf32, #tpu.memory_space<vmem>>) target_semaphore(%arg15 : memref<!tpu.dma_semaphore, #tpu.memory_space<semaphore_mem>>)
      %dma_wait3A_583 = arith.constant 6 : i32
      %dma_wait3A_584 = arith.constant 0 : i32
      %dma_wait3A_585 = arith.constant 0 : i32
      %dma_wait3A_586 = tpu.memref_slice %arg8[%dma_wait3A_583, %dma_wait3A_584, %dma_wait3A_585] : memref<7x64x128xf32, #tpu.memory_space<vmem>> -> memref<1x64x128xf32, #tpu.memory_space<vmem>>
      %dma_wait3A_587 = tpu.memref_squeeze %dma_wait3A_586 : memref<1x64x128xf32, #tpu.memory_space<vmem>> -> memref<64x128xf32, #tpu.memory_space<vmem>>
      %dma_wait3A_588 = arith.constant 0 : i32
      %dma_wait3A_589 = arith.constant 0 : i32
      %dma_wait3A_590 = tpu.memref_slice %arg3[%dma_wait3A_588, %dma_wait3A_589] : memref<64x1000000xf32, #tpu.memory_space<hbm>> -> memref<64x128xf32, #tpu.memory_space<hbm>>
      %dma_wait3A_591 = arith.constant 0 : i32
      %dma_wait3A_592 = arith.constant 0 : i32
      %dma_wait3A_593 = tpu.memref_slice %arg8[%dma_wait3A_583, %dma_wait3A_591, %dma_wait3A_592] : memref<7x64x128xf32, #tpu.memory_space<vmem>> -> memref<1x64x128xf32, #tpu.memory_space<vmem>>
      %dma_wait3A_594 = tpu.memref_squeeze %dma_wait3A_593 : memref<1x64x128xf32, #tpu.memory_space<vmem>> -> memref<64x128xf32, #tpu.memory_space<vmem>>
      %dma_wait3A_595 = arith.constant 0 : i32
      %dma_wait3A_596 = arith.constant 0 : i32
      %dma_wait3A_597 = tpu.memref_slice %arg3[%dma_wait3A_595, %dma_wait3A_596] : memref<64x1000000xf32, #tpu.memory_space<hbm>> -> memref<64x128xf32, #tpu.memory_space<hbm>>
      tpu.wait_dma2 semaphore(%arg16 : memref<!tpu.dma_semaphore, #tpu.memory_space<semaphore_mem>>) src(%dma_wait3A_597 : memref<64x128xf32, #tpu.memory_space<hbm>>) dst(%dma_wait3A_594 : memref<64x128xf32, #tpu.memory_space<vmem>>)
      %slice3A_598 = vector.extract_strided_slice %get3A_282 {offsets = [6], sizes = [1], strides = [1]} : vector<16xi32> to vector<1xi32>
      %squeeze3A_599 = vector.extract %slice3A_598[0] : i32 from vector<1xi32>
      %slice3A_600 = vector.extract_strided_slice %get3A_282 {offsets = [7], sizes = [1], strides = [1]} : vector<16xi32> to vector<1xi32>
      %squeeze3A_601 = vector.extract %slice3A_600[0] : i32 from vector<1xi32>
      %while3A_602 = arith.subi %squeeze3A_601, %squeeze3A_599 : i32
      %while3A_603 = arith.addi %squeeze3A_599, %while3A_602 : i32
      %while3A_604 = arith.constant 1 : i32
      %while3A_605 = arith.divsi %while3A_602, %while3A_604 : i32
      %while3A_606 = arith.muli %while3A_605, %while3A_604 : i32
      %while3A_607 = arith.addi %squeeze3A_599, %while3A_606 : i32
      %while3A_608 = arith.constant 1 : i32
      scf.for %while3A_632 = %squeeze3A_599 to %while3A_607 step %while3A_608  : i32 {
        %get3A_633 = arith.index_cast %while3A_632 : i32 to index
        %get3A_634 = tpu.vector_load %arg5[%get3A_633] {strides = array<i32>} : memref<528xi32, #tpu.memory_space<vmem>>, vector<16xi32>,
        %slice3A_635 = vector.extract_strided_slice %get3A_634 {offsets = [0], sizes = [1], strides = [1]} : vector<16xi32> to vector<1xi32>
        %squeeze3A_636 = vector.extract %slice3A_635[0] : i32 from vector<1xi32>
        %and3A = arith.constant 127 : i32
        %and3A_637 = arith.andi %squeeze3A_636, %and3A : i32
        %broadcast_in_dim3A_638 = vector.broadcast %and3A_637 : i32 to vector<16xi32>
        %broadcast_in_dim3A_639 = arith.constant 6 : i32
        %broadcast_in_dim3A_640 = vector.broadcast %broadcast_in_dim3A_639 : i32 to vector<16xi32>
        %add3A_641 = arith.constant 0 : i32
        %add3A_642 = vector.broadcast %add3A_641 : i32 to vector<16xi32>
        %add3A_643 = arith.addi %iota3A, %add3A_642 : vector<16xi32>
        %gather3A = tpu.vector_load_idx %arg8[%broadcast_in_dim3A_640, %add3A_643, %broadcast_in_dim3A_638] : memref<7x64x128xf32, #tpu.memory_space<vmem>>[vector<16xi32>, vector<16xi32>, vector<16xi32>], vector<16xf32>,
        %swap3A = arith.index_cast %while3A_632 : i32 to index
        %swap3A_644 = arith.constant 0 : index
        %swap3A_645 = tpu.vector_load %arg9[%swap3A, %swap3A_644] {strides = array<i32>} : memref<512x128xf32, #tpu.memory_space<vmem>>, vector<16xf32>,
        tpu.vector_store %arg9[%swap3A, %swap3A_644], %gather3A {strides = array<i32>} : memref<512x128xf32, #tpu.memory_space<vmem>>, vector<16xf32>,
        %add3A_646 = arith.constant 16 : i32
        %add3A_647 = vector.broadcast %add3A_646 : i32 to vector<16xi32>
        %add3A_648 = arith.addi %iota3A, %add3A_647 : vector<16xi32>
        %gather3A_649 = tpu.vector_load_idx %arg8[%broadcast_in_dim3A_640, %add3A_648, %broadcast_in_dim3A_638] : memref<7x64x128xf32, #tpu.memory_space<vmem>>[vector<16xi32>, vector<16xi32>, vector<16xi32>], vector<16xf32>,
        %swap3A_650 = arith.index_cast %while3A_632 : i32 to index
        %swap3A_651 = arith.constant 16 : index
        %swap3A_652 = tpu.vector_load %arg9[%swap3A_650, %swap3A_651] {strides = array<i32>} : memref<512x128xf32, #tpu.memory_space<vmem>>, vector<16xf32>,
        tpu.vector_store %arg9[%swap3A_650, %swap3A_651], %gather3A_649 {strides = array<i32>} : memref<512x128xf32, #tpu.memory_space<vmem>>, vector<16xf32>,
        %add3A_653 = arith.constant 32 : i32
        %add3A_654 = vector.broadcast %add3A_653 : i32 to vector<16xi32>
        %add3A_655 = arith.addi %iota3A, %add3A_654 : vector<16xi32>
        %gather3A_656 = tpu.vector_load_idx %arg8[%broadcast_in_dim3A_640, %add3A_655, %broadcast_in_dim3A_638] : memref<7x64x128xf32, #tpu.memory_space<vmem>>[vector<16xi32>, vector<16xi32>, vector<16xi32>], vector<16xf32>,
        %swap3A_657 = arith.index_cast %while3A_632 : i32 to index
        %swap3A_658 = arith.constant 32 : index
        %swap3A_659 = tpu.vector_load %arg9[%swap3A_657, %swap3A_658] {strides = array<i32>} : memref<512x128xf32, #tpu.memory_space<vmem>>, vector<16xf32>,
        tpu.vector_store %arg9[%swap3A_657, %swap3A_658], %gather3A_656 {strides = array<i32>} : memref<512x128xf32, #tpu.memory_space<vmem>>, vector<16xf32>,
        %add3A_660 = arith.constant 48 : i32
        %add3A_661 = vector.broadcast %add3A_660 : i32 to vector<16xi32>
        %add3A_662 = arith.addi %iota3A, %add3A_661 : vector<16xi32>
        %gather3A_663 = tpu.vector_load_idx %arg8[%broadcast_in_dim3A_640, %add3A_662, %broadcast_in_dim3A_638] : memref<7x64x128xf32, #tpu.memory_space<vmem>>[vector<16xi32>, vector<16xi32>, vector<16xi32>], vector<16xf32>,
        %swap3A_664 = arith.index_cast %while3A_632 : i32 to index
        %swap3A_665 = arith.constant 48 : index
        %swap3A_666 = tpu.vector_load %arg9[%swap3A_664, %swap3A_665] {strides = array<i32>} : memref<512x128xf32, #tpu.memory_space<vmem>>, vector<16xf32>,
        tpu.vector_store %arg9[%swap3A_664, %swap3A_665], %gather3A_663 {strides = array<i32>} : memref<512x128xf32, #tpu.memory_space<vmem>>, vector<16xf32>,
      }
      %while3A_609 = arith.constant 1 : i32
      scf.for %while3A_632 = %while3A_607 to %while3A_603 step %while3A_609  : i32 {
        %get3A_633 = arith.index_cast %while3A_632 : i32 to index
        %get3A_634 = tpu.vector_load %arg5[%get3A_633] {strides = array<i32>} : memref<528xi32, #tpu.memory_space<vmem>>, vector<16xi32>,
        %slice3A_635 = vector.extract_strided_slice %get3A_634 {offsets = [0], sizes = [1], strides = [1]} : vector<16xi32> to vector<1xi32>
        %squeeze3A_636 = vector.extract %slice3A_635[0] : i32 from vector<1xi32>
        %and3A = arith.constant 127 : i32
        %and3A_637 = arith.andi %squeeze3A_636, %and3A : i32
        %broadcast_in_dim3A_638 = vector.broadcast %and3A_637 : i32 to vector<16xi32>
        %broadcast_in_dim3A_639 = arith.constant 6 : i32
        %broadcast_in_dim3A_640 = vector.broadcast %broadcast_in_dim3A_639 : i32 to vector<16xi32>
        %add3A_641 = arith.constant 0 : i32
        %add3A_642 = vector.broadcast %add3A_641 : i32 to vector<16xi32>
        %add3A_643 = arith.addi %iota3A, %add3A_642 : vector<16xi32>
        %gather3A = tpu.vector_load_idx %arg8[%broadcast_in_dim3A_640, %add3A_643, %broadcast_in_dim3A_638] : memref<7x64x128xf32, #tpu.memory_space<vmem>>[vector<16xi32>, vector<16xi32>, vector<16xi32>], vector<16xf32>,
        %swap3A = arith.index_cast %while3A_632 : i32 to index
        %swap3A_644 = arith.constant 0 : index
        %swap3A_645 = tpu.vector_load %arg9[%swap3A, %swap3A_644] {strides = array<i32>} : memref<512x128xf32, #tpu.memory_space<vmem>>, vector<16xf32>,
        tpu.vector_store %arg9[%swap3A, %swap3A_644], %gather3A {strides = array<i32>} : memref<512x128xf32, #tpu.memory_space<vmem>>, vector<16xf32>,
        %add3A_646 = arith.constant 16 : i32
        %add3A_647 = vector.broadcast %add3A_646 : i32 to vector<16xi32>
        %add3A_648 = arith.addi %iota3A, %add3A_647 : vector<16xi32>
        %gather3A_649 = tpu.vector_load_idx %arg8[%broadcast_in_dim3A_640, %add3A_648, %broadcast_in_dim3A_638] : memref<7x64x128xf32, #tpu.memory_space<vmem>>[vector<16xi32>, vector<16xi32>, vector<16xi32>], vector<16xf32>,
        %swap3A_650 = arith.index_cast %while3A_632 : i32 to index
        %swap3A_651 = arith.constant 16 : index
        %swap3A_652 = tpu.vector_load %arg9[%swap3A_650, %swap3A_651] {strides = array<i32>} : memref<512x128xf32, #tpu.memory_space<vmem>>, vector<16xf32>,
        tpu.vector_store %arg9[%swap3A_650, %swap3A_651], %gather3A_649 {strides = array<i32>} : memref<512x128xf32, #tpu.memory_space<vmem>>, vector<16xf32>,
        %add3A_653 = arith.constant 32 : i32
        %add3A_654 = vector.broadcast %add3A_653 : i32 to vector<16xi32>
        %add3A_655 = arith.addi %iota3A, %add3A_654 : vector<16xi32>
        %gather3A_656 = tpu.vector_load_idx %arg8[%broadcast_in_dim3A_640, %add3A_655, %broadcast_in_dim3A_638] : memref<7x64x128xf32, #tpu.memory_space<vmem>>[vector<16xi32>, vector<16xi32>, vector<16xi32>], vector<16xf32>,
        %swap3A_657 = arith.index_cast %while3A_632 : i32 to index
        %swap3A_658 = arith.constant 32 : index
        %swap3A_659 = tpu.vector_load %arg9[%swap3A_657, %swap3A_658] {strides = array<i32>} : memref<512x128xf32, #tpu.memory_space<vmem>>, vector<16xf32>,
        tpu.vector_store %arg9[%swap3A_657, %swap3A_658], %gather3A_656 {strides = array<i32>} : memref<512x128xf32, #tpu.memory_space<vmem>>, vector<16xf32>,
        %add3A_660 = arith.constant 48 : i32
        %add3A_661 = vector.broadcast %add3A_660 : i32 to vector<16xi32>
        %add3A_662 = arith.addi %iota3A, %add3A_661 : vector<16xi32>
        %gather3A_663 = tpu.vector_load_idx %arg8[%broadcast_in_dim3A_640, %add3A_662, %broadcast_in_dim3A_638] : memref<7x64x128xf32, #tpu.memory_space<vmem>>[vector<16xi32>, vector<16xi32>, vector<16xi32>], vector<16xf32>,
        %swap3A_664 = arith.index_cast %while3A_632 : i32 to index
        %swap3A_665 = arith.constant 48 : index
        %swap3A_666 = tpu.vector_load %arg9[%swap3A_664, %swap3A_665] {strides = array<i32>} : memref<512x128xf32, #tpu.memory_space<vmem>>, vector<16xf32>,
        tpu.vector_store %arg9[%swap3A_664, %swap3A_665], %gather3A_663 {strides = array<i32>} : memref<512x128xf32, #tpu.memory_space<vmem>>, vector<16xf32>,
      }
      %slice3A_610 = vector.extract_strided_slice %get3A_288 {offsets = [6], sizes = [1], strides = [1]} : vector<16xi32> to vector<1xi32>
      %squeeze3A_611 = vector.extract %slice3A_610[0] : i32 from vector<1xi32>
      %min3A_612 = arith.constant 7812 : i32
      %min3A_613 = arith.minsi %squeeze3A_611, %min3A_612 : i32
      %max3A_614 = arith.constant 0 : i32
      %max3A_615 = arith.maxsi %min3A_613, %max3A_614 : i32
      %shift_left3A_616 = arith.constant 7 : i32
      %shift_left3A_617 = arith.shli %max3A_615, %shift_left3A_616 : i32
      %multiple_of3A_618 = tpu.assume_multiple %shift_left3A_617, 128 : i32
      %dma_start3A_619 = arith.constant 6 : i32
      %dma_start3A_620 = arith.constant 0 : i32
      %dma_start3A_621 = arith.constant 0 : i32
      %dma_start3A_622 = tpu.memref_slice %arg8[%dma_start3A_619, %dma_start3A_620, %dma_start3A_621] : memref<7x64x128xf32, #tpu.memory_space<vmem>> -> memref<1x64x128xf32, #tpu.memory_space<vmem>>
      %dma_start3A_623 = tpu.memref_squeeze %dma_start3A_622 : memref<1x64x128xf32, #tpu.memory_space<vmem>> -> memref<64x128xf32, #tpu.memory_space<vmem>>
      %dma_start3A_624 = arith.constant 0 : i32
      %dma_start3A_625 = tpu.memref_slice %arg3[%dma_start3A_624, %multiple_of3A_618] : memref<64x1000000xf32, #tpu.memory_space<hbm>> -> memref<64x128xf32, #tpu.memory_space<hbm>>
      %dma_start3A_626 = arith.constant 0 : i32
      %dma_start3A_627 = arith.constant 0 : i32
      %dma_start3A_628 = tpu.memref_slice %arg8[%dma_start3A_619, %dma_start3A_626, %dma_start3A_627] : memref<7x64x128xf32, #tpu.memory_space<vmem>> -> memref<1x64x128xf32, #tpu.memory_space<vmem>>
      %dma_start3A_629 = tpu.memref_squeeze %dma_start3A_628 : memref<1x64x128xf32, #tpu.memory_space<vmem>> -> memref<64x128xf32, #tpu.memory_space<vmem>>
      %dma_start3A_630 = arith.constant 0 : i32
      %dma_start3A_631 = tpu.memref_slice %arg3[%dma_start3A_630, %multiple_of3A_618] : memref<64x1000000xf32, #tpu.memory_space<hbm>> -> memref<64x128xf32, #tpu.memory_space<hbm>>
      tpu.enqueue_dma source(%dma_start3A_631 : memref<64x128xf32, #tpu.memory_space<hbm>>) target(%dma_start3A_629 : memref<64x128xf32, #tpu.memory_space<vmem>>) target_semaphore(%arg16 : memref<!tpu.dma_semaphore, #tpu.memory_space<semaphore_mem>>)
    }
    %while3A_173 = arith.constant 1 : i32
    scf.for %while3A_278 = %while3A_171 to %while3A_167 step %while3A_173  : i32 {
      %mul3A_279 = arith.constant 7 : i32
      %mul3A_280 = arith.muli %while3A_278, %mul3A_279 : i32
      %get3A_281 = arith.index_cast %mul3A_280 : i32 to index
      %get3A_282 = tpu.vector_load %arg7[%get3A_281] {strides = array<i32>} : memref<544xi32, #tpu.memory_space<vmem>>, vector<16xi32>,
      %add3A_283 = arith.constant 1 : i32
      %add3A_284 = arith.addi %while3A_278, %add3A_283 : i32
      %mul3A_285 = arith.constant 7 : i32
      %mul3A_286 = arith.muli %add3A_284, %mul3A_285 : i32
      %get3A_287 = arith.index_cast %mul3A_286 : i32 to index
      %get3A_288 = tpu.vector_load %arg6[%get3A_287] {strides = array<i32>} : memref<544xi32, #tpu.memory_space<vmem>>, vector<16xi32>,
      %dma_wait3A_289 = arith.constant 0 : i32
      %dma_wait3A_290 = arith.constant 0 : i32
      %dma_wait3A_291 = arith.constant 0 : i32
      %dma_wait3A_292 = tpu.memref_slice %arg8[%dma_wait3A_289, %dma_wait3A_290, %dma_wait3A_291] : memref<7x64x128xf32, #tpu.memory_space<vmem>> -> memref<1x64x128xf32, #tpu.memory_space<vmem>>
      %dma_wait3A_293 = tpu.memref_squeeze %dma_wait3A_292 : memref<1x64x128xf32, #tpu.memory_space<vmem>> -> memref<64x128xf32, #tpu.memory_space<vmem>>
      %dma_wait3A_294 = arith.constant 0 : i32
      %dma_wait3A_295 = arith.constant 0 : i32
      %dma_wait3A_296 = tpu.memref_slice %arg3[%dma_wait3A_294, %dma_wait3A_295] : memref<64x1000000xf32, #tpu.memory_space<hbm>> -> memref<64x128xf32, #tpu.memory_space<hbm>>
      %dma_wait3A_297 = arith.constant 0 : i32
      %dma_wait3A_298 = arith.constant 0 : i32
      %dma_wait3A_299 = tpu.memref_slice %arg8[%dma_wait3A_289, %dma_wait3A_297, %dma_wait3A_298] : memref<7x64x128xf32, #tpu.memory_space<vmem>> -> memref<1x64x128xf32, #tpu.memory_space<vmem>>
      %dma_wait3A_300 = tpu.memref_squeeze %dma_wait3A_299 : memref<1x64x128xf32, #tpu.memory_space<vmem>> -> memref<64x128xf32, #tpu.memory_space<vmem>>
      %dma_wait3A_301 = arith.constant 0 : i32
      %dma_wait3A_302 = arith.constant 0 : i32
      %dma_wait3A_303 = tpu.memref_slice %arg3[%dma_wait3A_301, %dma_wait3A_302] : memref<64x1000000xf32, #tpu.memory_space<hbm>> -> memref<64x128xf32, #tpu.memory_space<hbm>>
      tpu.wait_dma2 semaphore(%arg10 : memref<!tpu.dma_semaphore, #tpu.memory_space<semaphore_mem>>) src(%dma_wait3A_303 : memref<64x128xf32, #tpu.memory_space<hbm>>) dst(%dma_wait3A_300 : memref<64x128xf32, #tpu.memory_space<vmem>>)
      %slice3A_304 = vector.extract_strided_slice %get3A_282 {offsets = [0], sizes = [1], strides = [1]} : vector<16xi32> to vector<1xi32>
      %squeeze3A_305 = vector.extract %slice3A_304[0] : i32 from vector<1xi32>
      %slice3A_306 = vector.extract_strided_slice %get3A_282 {offsets = [1], sizes = [1], strides = [1]} : vector<16xi32> to vector<1xi32>
      %squeeze3A_307 = vector.extract %slice3A_306[0] : i32 from vector<1xi32>
      %while3A_308 = arith.subi %squeeze3A_307, %squeeze3A_305 : i32
      %while3A_309 = arith.addi %squeeze3A_305, %while3A_308 : i32
      %while3A_310 = arith.constant 1 : i32
      %while3A_311 = arith.divsi %while3A_308, %while3A_310 : i32
      %while3A_312 = arith.muli %while3A_311, %while3A_310 : i32
      %while3A_313 = arith.addi %squeeze3A_305, %while3A_312 : i32
      %while3A_314 = arith.constant 1 : i32
      scf.for %while3A_632 = %squeeze3A_305 to %while3A_313 step %while3A_314  : i32 {
        %get3A_633 = arith.index_cast %while3A_632 : i32 to index
        %get3A_634 = tpu.vector_load %arg5[%get3A_633] {strides = array<i32>} : memref<528xi32, #tpu.memory_space<vmem>>, vector<16xi32>,
        %slice3A_635 = vector.extract_strided_slice %get3A_634 {offsets = [0], sizes = [1], strides = [1]} : vector<16xi32> to vector<1xi32>
        %squeeze3A_636 = vector.extract %slice3A_635[0] : i32 from vector<1xi32>
        %and3A = arith.constant 127 : i32
        %and3A_637 = arith.andi %squeeze3A_636, %and3A : i32
        %broadcast_in_dim3A_638 = vector.broadcast %and3A_637 : i32 to vector<16xi32>
        %broadcast_in_dim3A_639 = arith.constant 0 : i32
        %broadcast_in_dim3A_640 = vector.broadcast %broadcast_in_dim3A_639 : i32 to vector<16xi32>
        %add3A_641 = arith.constant 0 : i32
        %add3A_642 = vector.broadcast %add3A_641 : i32 to vector<16xi32>
        %add3A_643 = arith.addi %iota3A, %add3A_642 : vector<16xi32>
        %gather3A = tpu.vector_load_idx %arg8[%broadcast_in_dim3A_640, %add3A_643, %broadcast_in_dim3A_638] : memref<7x64x128xf32, #tpu.memory_space<vmem>>[vector<16xi32>, vector<16xi32>, vector<16xi32>], vector<16xf32>,
        %swap3A = arith.index_cast %while3A_632 : i32 to index
        %swap3A_644 = arith.constant 0 : index
        %swap3A_645 = tpu.vector_load %arg9[%swap3A, %swap3A_644] {strides = array<i32>} : memref<512x128xf32, #tpu.memory_space<vmem>>, vector<16xf32>,
        tpu.vector_store %arg9[%swap3A, %swap3A_644], %gather3A {strides = array<i32>} : memref<512x128xf32, #tpu.memory_space<vmem>>, vector<16xf32>,
        %add3A_646 = arith.constant 16 : i32
        %add3A_647 = vector.broadcast %add3A_646 : i32 to vector<16xi32>
        %add3A_648 = arith.addi %iota3A, %add3A_647 : vector<16xi32>
        %gather3A_649 = tpu.vector_load_idx %arg8[%broadcast_in_dim3A_640, %add3A_648, %broadcast_in_dim3A_638] : memref<7x64x128xf32, #tpu.memory_space<vmem>>[vector<16xi32>, vector<16xi32>, vector<16xi32>], vector<16xf32>,
        %swap3A_650 = arith.index_cast %while3A_632 : i32 to index
        %swap3A_651 = arith.constant 16 : index
        %swap3A_652 = tpu.vector_load %arg9[%swap3A_650, %swap3A_651] {strides = array<i32>} : memref<512x128xf32, #tpu.memory_space<vmem>>, vector<16xf32>,
        tpu.vector_store %arg9[%swap3A_650, %swap3A_651], %gather3A_649 {strides = array<i32>} : memref<512x128xf32, #tpu.memory_space<vmem>>, vector<16xf32>,
        %add3A_653 = arith.constant 32 : i32
        %add3A_654 = vector.broadcast %add3A_653 : i32 to vector<16xi32>
        %add3A_655 = arith.addi %iota3A, %add3A_654 : vector<16xi32>
        %gather3A_656 = tpu.vector_load_idx %arg8[%broadcast_in_dim3A_640, %add3A_655, %broadcast_in_dim3A_638] : memref<7x64x128xf32, #tpu.memory_space<vmem>>[vector<16xi32>, vector<16xi32>, vector<16xi32>], vector<16xf32>,
        %swap3A_657 = arith.index_cast %while3A_632 : i32 to index
        %swap3A_658 = arith.constant 32 : index
        %swap3A_659 = tpu.vector_load %arg9[%swap3A_657, %swap3A_658] {strides = array<i32>} : memref<512x128xf32, #tpu.memory_space<vmem>>, vector<16xf32>,
        tpu.vector_store %arg9[%swap3A_657, %swap3A_658], %gather3A_656 {strides = array<i32>} : memref<512x128xf32, #tpu.memory_space<vmem>>, vector<16xf32>,
        %add3A_660 = arith.constant 48 : i32
        %add3A_661 = vector.broadcast %add3A_660 : i32 to vector<16xi32>
        %add3A_662 = arith.addi %iota3A, %add3A_661 : vector<16xi32>
        %gather3A_663 = tpu.vector_load_idx %arg8[%broadcast_in_dim3A_640, %add3A_662, %broadcast_in_dim3A_638] : memref<7x64x128xf32, #tpu.memory_space<vmem>>[vector<16xi32>, vector<16xi32>, vector<16xi32>], vector<16xf32>,
        %swap3A_664 = arith.index_cast %while3A_632 : i32 to index
        %swap3A_665 = arith.constant 48 : index
        %swap3A_666 = tpu.vector_load %arg9[%swap3A_664, %swap3A_665] {strides = array<i32>} : memref<512x128xf32, #tpu.memory_space<vmem>>, vector<16xf32>,
        tpu.vector_store %arg9[%swap3A_664, %swap3A_665], %gather3A_663 {strides = array<i32>} : memref<512x128xf32, #tpu.memory_space<vmem>>, vector<16xf32>,
      }
      %while3A_315 = arith.constant 1 : i32
      scf.for %while3A_632 = %while3A_313 to %while3A_309 step %while3A_315  : i32 {
        %get3A_633 = arith.index_cast %while3A_632 : i32 to index
        %get3A_634 = tpu.vector_load %arg5[%get3A_633] {strides = array<i32>} : memref<528xi32, #tpu.memory_space<vmem>>, vector<16xi32>,
        %slice3A_635 = vector.extract_strided_slice %get3A_634 {offsets = [0], sizes = [1], strides = [1]} : vector<16xi32> to vector<1xi32>
        %squeeze3A_636 = vector.extract %slice3A_635[0] : i32 from vector<1xi32>
        %and3A = arith.constant 127 : i32
        %and3A_637 = arith.andi %squeeze3A_636, %and3A : i32
        %broadcast_in_dim3A_638 = vector.broadcast %and3A_637 : i32 to vector<16xi32>
        %broadcast_in_dim3A_639 = arith.constant 0 : i32
        %broadcast_in_dim3A_640 = vector.broadcast %broadcast_in_dim3A_639 : i32 to vector<16xi32>
        %add3A_641 = arith.constant 0 : i32
        %add3A_642 = vector.broadcast %add3A_641 : i32 to vector<16xi32>
        %add3A_643 = arith.addi %iota3A, %add3A_642 : vector<16xi32>
        %gather3A = tpu.vector_load_idx %arg8[%broadcast_in_dim3A_640, %add3A_643, %broadcast_in_dim3A_638] : memref<7x64x128xf32, #tpu.memory_space<vmem>>[vector<16xi32>, vector<16xi32>, vector<16xi32>], vector<16xf32>,
        %swap3A = arith.index_cast %while3A_632 : i32 to index
        %swap3A_644 = arith.constant 0 : index
        %swap3A_645 = tpu.vector_load %arg9[%swap3A, %swap3A_644] {strides = array<i32>} : memref<512x128xf32, #tpu.memory_space<vmem>>, vector<16xf32>,
        tpu.vector_store %arg9[%swap3A, %swap3A_644], %gather3A {strides = array<i32>} : memref<512x128xf32, #tpu.memory_space<vmem>>, vector<16xf32>,
        %add3A_646 = arith.constant 16 : i32
        %add3A_647 = vector.broadcast %add3A_646 : i32 to vector<16xi32>
        %add3A_648 = arith.addi %iota3A, %add3A_647 : vector<16xi32>
        %gather3A_649 = tpu.vector_load_idx %arg8[%broadcast_in_dim3A_640, %add3A_648, %broadcast_in_dim3A_638] : memref<7x64x128xf32, #tpu.memory_space<vmem>>[vector<16xi32>, vector<16xi32>, vector<16xi32>], vector<16xf32>,
        %swap3A_650 = arith.index_cast %while3A_632 : i32 to index
        %swap3A_651 = arith.constant 16 : index
        %swap3A_652 = tpu.vector_load %arg9[%swap3A_650, %swap3A_651] {strides = array<i32>} : memref<512x128xf32, #tpu.memory_space<vmem>>, vector<16xf32>,
        tpu.vector_store %arg9[%swap3A_650, %swap3A_651], %gather3A_649 {strides = array<i32>} : memref<512x128xf32, #tpu.memory_space<vmem>>, vector<16xf32>,
        %add3A_653 = arith.constant 32 : i32
        %add3A_654 = vector.broadcast %add3A_653 : i32 to vector<16xi32>
        %add3A_655 = arith.addi %iota3A, %add3A_654 : vector<16xi32>
        %gather3A_656 = tpu.vector_load_idx %arg8[%broadcast_in_dim3A_640, %add3A_655, %broadcast_in_dim3A_638] : memref<7x64x128xf32, #tpu.memory_space<vmem>>[vector<16xi32>, vector<16xi32>, vector<16xi32>], vector<16xf32>,
        %swap3A_657 = arith.index_cast %while3A_632 : i32 to index
        %swap3A_658 = arith.constant 32 : index
        %swap3A_659 = tpu.vector_load %arg9[%swap3A_657, %swap3A_658] {strides = array<i32>} : memref<512x128xf32, #tpu.memory_space<vmem>>, vector<16xf32>,
        tpu.vector_store %arg9[%swap3A_657, %swap3A_658], %gather3A_656 {strides = array<i32>} : memref<512x128xf32, #tpu.memory_space<vmem>>, vector<16xf32>,
        %add3A_660 = arith.constant 48 : i32
        %add3A_661 = vector.broadcast %add3A_660 : i32 to vector<16xi32>
        %add3A_662 = arith.addi %iota3A, %add3A_661 : vector<16xi32>
        %gather3A_663 = tpu.vector_load_idx %arg8[%broadcast_in_dim3A_640, %add3A_662, %broadcast_in_dim3A_638] : memref<7x64x128xf32, #tpu.memory_space<vmem>>[vector<16xi32>, vector<16xi32>, vector<16xi32>], vector<16xf32>,
        %swap3A_664 = arith.index_cast %while3A_632 : i32 to index
        %swap3A_665 = arith.constant 48 : index
        %swap3A_666 = tpu.vector_load %arg9[%swap3A_664, %swap3A_665] {strides = array<i32>} : memref<512x128xf32, #tpu.memory_space<vmem>>, vector<16xf32>,
        tpu.vector_store %arg9[%swap3A_664, %swap3A_665], %gather3A_663 {strides = array<i32>} : memref<512x128xf32, #tpu.memory_space<vmem>>, vector<16xf32>,
      }
      %slice3A_316 = vector.extract_strided_slice %get3A_288 {offsets = [0], sizes = [1], strides = [1]} : vector<16xi32> to vector<1xi32>
      %squeeze3A_317 = vector.extract %slice3A_316[0] : i32 from vector<1xi32>
      %min3A_318 = arith.constant 7812 : i32
      %min3A_319 = arith.minsi %squeeze3A_317, %min3A_318 : i32
      %max3A_320 = arith.constant 0 : i32
      %max3A_321 = arith.maxsi %min3A_319, %max3A_320 : i32
      %shift_left3A_322 = arith.constant 7 : i32
      %shift_left3A_323 = arith.shli %max3A_321, %shift_left3A_322 : i32
      %multiple_of3A_324 = tpu.assume_multiple %shift_left3A_323, 128 : i32
      %dma_start3A_325 = arith.constant 0 : i32
      %dma_start3A_326 = arith.constant 0 : i32
      %dma_start3A_327 = arith.constant 0 : i32
      %dma_start3A_328 = tpu.memref_slice %arg8[%dma_start3A_325, %dma_start3A_326, %dma_start3A_327] : memref<7x64x128xf32, #tpu.memory_space<vmem>> -> memref<1x64x128xf32, #tpu.memory_space<vmem>>
      %dma_start3A_329 = tpu.memref_squeeze %dma_start3A_328 : memref<1x64x128xf32, #tpu.memory_space<vmem>> -> memref<64x128xf32, #tpu.memory_space<vmem>>
      %dma_start3A_330 = arith.constant 0 : i32
      %dma_start3A_331 = tpu.memref_slice %arg3[%dma_start3A_330, %multiple_of3A_324] : memref<64x1000000xf32, #tpu.memory_space<hbm>> -> memref<64x128xf32, #tpu.memory_space<hbm>>
      %dma_start3A_332 = arith.constant 0 : i32
      %dma_start3A_333 = arith.constant 0 : i32
      %dma_start3A_334 = tpu.memref_slice %arg8[%dma_start3A_325, %dma_start3A_332, %dma_start3A_333] : memref<7x64x128xf32, #tpu.memory_space<vmem>> -> memref<1x64x128xf32, #tpu.memory_space<vmem>>
      %dma_start3A_335 = tpu.memref_squeeze %dma_start3A_334 : memref<1x64x128xf32, #tpu.memory_space<vmem>> -> memref<64x128xf32, #tpu.memory_space<vmem>>
      %dma_start3A_336 = arith.constant 0 : i32
      %dma_start3A_337 = tpu.memref_slice %arg3[%dma_start3A_336, %multiple_of3A_324] : memref<64x1000000xf32, #tpu.memory_space<hbm>> -> memref<64x128xf32, #tpu.memory_space<hbm>>
      tpu.enqueue_dma source(%dma_start3A_337 : memref<64x128xf32, #tpu.memory_space<hbm>>) target(%dma_start3A_335 : memref<64x128xf32, #tpu.memory_space<vmem>>) target_semaphore(%arg10 : memref<!tpu.dma_semaphore, #tpu.memory_space<semaphore_mem>>)
      %dma_wait3A_338 = arith.constant 1 : i32
      %dma_wait3A_339 = arith.constant 0 : i32
      %dma_wait3A_340 = arith.constant 0 : i32
      %dma_wait3A_341 = tpu.memref_slice %arg8[%dma_wait3A_338, %dma_wait3A_339, %dma_wait3A_340] : memref<7x64x128xf32, #tpu.memory_space<vmem>> -> memref<1x64x128xf32, #tpu.memory_space<vmem>>
      %dma_wait3A_342 = tpu.memref_squeeze %dma_wait3A_341 : memref<1x64x128xf32, #tpu.memory_space<vmem>> -> memref<64x128xf32, #tpu.memory_space<vmem>>
      %dma_wait3A_343 = arith.constant 0 : i32
      %dma_wait3A_344 = arith.constant 0 : i32
      %dma_wait3A_345 = tpu.memref_slice %arg3[%dma_wait3A_343, %dma_wait3A_344] : memref<64x1000000xf32, #tpu.memory_space<hbm>> -> memref<64x128xf32, #tpu.memory_space<hbm>>
      %dma_wait3A_346 = arith.constant 0 : i32
      %dma_wait3A_347 = arith.constant 0 : i32
      %dma_wait3A_348 = tpu.memref_slice %arg8[%dma_wait3A_338, %dma_wait3A_346, %dma_wait3A_347] : memref<7x64x128xf32, #tpu.memory_space<vmem>> -> memref<1x64x128xf32, #tpu.memory_space<vmem>>
      %dma_wait3A_349 = tpu.memref_squeeze %dma_wait3A_348 : memref<1x64x128xf32, #tpu.memory_space<vmem>> -> memref<64x128xf32, #tpu.memory_space<vmem>>
      %dma_wait3A_350 = arith.constant 0 : i32
      %dma_wait3A_351 = arith.constant 0 : i32
      %dma_wait3A_352 = tpu.memref_slice %arg3[%dma_wait3A_350, %dma_wait3A_351] : memref<64x1000000xf32, #tpu.memory_space<hbm>> -> memref<64x128xf32, #tpu.memory_space<hbm>>
      tpu.wait_dma2 semaphore(%arg11 : memref<!tpu.dma_semaphore, #tpu.memory_space<semaphore_mem>>) src(%dma_wait3A_352 : memref<64x128xf32, #tpu.memory_space<hbm>>) dst(%dma_wait3A_349 : memref<64x128xf32, #tpu.memory_space<vmem>>)
      %slice3A_353 = vector.extract_strided_slice %get3A_282 {offsets = [1], sizes = [1], strides = [1]} : vector<16xi32> to vector<1xi32>
      %squeeze3A_354 = vector.extract %slice3A_353[0] : i32 from vector<1xi32>
      %slice3A_355 = vector.extract_strided_slice %get3A_282 {offsets = [2], sizes = [1], strides = [1]} : vector<16xi32> to vector<1xi32>
      %squeeze3A_356 = vector.extract %slice3A_355[0] : i32 from vector<1xi32>
      %while3A_357 = arith.subi %squeeze3A_356, %squeeze3A_354 : i32
      %while3A_358 = arith.addi %squeeze3A_354, %while3A_357 : i32
      %while3A_359 = arith.constant 1 : i32
      %while3A_360 = arith.divsi %while3A_357, %while3A_359 : i32
      %while3A_361 = arith.muli %while3A_360, %while3A_359 : i32
      %while3A_362 = arith.addi %squeeze3A_354, %while3A_361 : i32
      %while3A_363 = arith.constant 1 : i32
      scf.for %while3A_632 = %squeeze3A_354 to %while3A_362 step %while3A_363  : i32 {
        %get3A_633 = arith.index_cast %while3A_632 : i32 to index
        %get3A_634 = tpu.vector_load %arg5[%get3A_633] {strides = array<i32>} : memref<528xi32, #tpu.memory_space<vmem>>, vector<16xi32>,
        %slice3A_635 = vector.extract_strided_slice %get3A_634 {offsets = [0], sizes = [1], strides = [1]} : vector<16xi32> to vector<1xi32>
        %squeeze3A_636 = vector.extract %slice3A_635[0] : i32 from vector<1xi32>
        %and3A = arith.constant 127 : i32
        %and3A_637 = arith.andi %squeeze3A_636, %and3A : i32
        %broadcast_in_dim3A_638 = vector.broadcast %and3A_637 : i32 to vector<16xi32>
        %broadcast_in_dim3A_639 = arith.constant 1 : i32
        %broadcast_in_dim3A_640 = vector.broadcast %broadcast_in_dim3A_639 : i32 to vector<16xi32>
        %add3A_641 = arith.constant 0 : i32
        %add3A_642 = vector.broadcast %add3A_641 : i32 to vector<16xi32>
        %add3A_643 = arith.addi %iota3A, %add3A_642 : vector<16xi32>
        %gather3A = tpu.vector_load_idx %arg8[%broadcast_in_dim3A_640, %add3A_643, %broadcast_in_dim3A_638] : memref<7x64x128xf32, #tpu.memory_space<vmem>>[vector<16xi32>, vector<16xi32>, vector<16xi32>], vector<16xf32>,
        %swap3A = arith.index_cast %while3A_632 : i32 to index
        %swap3A_644 = arith.constant 0 : index
        %swap3A_645 = tpu.vector_load %arg9[%swap3A, %swap3A_644] {strides = array<i32>} : memref<512x128xf32, #tpu.memory_space<vmem>>, vector<16xf32>,
        tpu.vector_store %arg9[%swap3A, %swap3A_644], %gather3A {strides = array<i32>} : memref<512x128xf32, #tpu.memory_space<vmem>>, vector<16xf32>,
        %add3A_646 = arith.constant 16 : i32
        %add3A_647 = vector.broadcast %add3A_646 : i32 to vector<16xi32>
        %add3A_648 = arith.addi %iota3A, %add3A_647 : vector<16xi32>
        %gather3A_649 = tpu.vector_load_idx %arg8[%broadcast_in_dim3A_640, %add3A_648, %broadcast_in_dim3A_638] : memref<7x64x128xf32, #tpu.memory_space<vmem>>[vector<16xi32>, vector<16xi32>, vector<16xi32>], vector<16xf32>,
        %swap3A_650 = arith.index_cast %while3A_632 : i32 to index
        %swap3A_651 = arith.constant 16 : index
        %swap3A_652 = tpu.vector_load %arg9[%swap3A_650, %swap3A_651] {strides = array<i32>} : memref<512x128xf32, #tpu.memory_space<vmem>>, vector<16xf32>,
        tpu.vector_store %arg9[%swap3A_650, %swap3A_651], %gather3A_649 {strides = array<i32>} : memref<512x128xf32, #tpu.memory_space<vmem>>, vector<16xf32>,
        %add3A_653 = arith.constant 32 : i32
        %add3A_654 = vector.broadcast %add3A_653 : i32 to vector<16xi32>
        %add3A_655 = arith.addi %iota3A, %add3A_654 : vector<16xi32>
        %gather3A_656 = tpu.vector_load_idx %arg8[%broadcast_in_dim3A_640, %add3A_655, %broadcast_in_dim3A_638] : memref<7x64x128xf32, #tpu.memory_space<vmem>>[vector<16xi32>, vector<16xi32>, vector<16xi32>], vector<16xf32>,
        %swap3A_657 = arith.index_cast %while3A_632 : i32 to index
        %swap3A_658 = arith.constant 32 : index
        %swap3A_659 = tpu.vector_load %arg9[%swap3A_657, %swap3A_658] {strides = array<i32>} : memref<512x128xf32, #tpu.memory_space<vmem>>, vector<16xf32>,
        tpu.vector_store %arg9[%swap3A_657, %swap3A_658], %gather3A_656 {strides = array<i32>} : memref<512x128xf32, #tpu.memory_space<vmem>>, vector<16xf32>,
        %add3A_660 = arith.constant 48 : i32
        %add3A_661 = vector.broadcast %add3A_660 : i32 to vector<16xi32>
        %add3A_662 = arith.addi %iota3A, %add3A_661 : vector<16xi32>
        %gather3A_663 = tpu.vector_load_idx %arg8[%broadcast_in_dim3A_640, %add3A_662, %broadcast_in_dim3A_638] : memref<7x64x128xf32, #tpu.memory_space<vmem>>[vector<16xi32>, vector<16xi32>, vector<16xi32>], vector<16xf32>,
        %swap3A_664 = arith.index_cast %while3A_632 : i32 to index
        %swap3A_665 = arith.constant 48 : index
        %swap3A_666 = tpu.vector_load %arg9[%swap3A_664, %swap3A_665] {strides = array<i32>} : memref<512x128xf32, #tpu.memory_space<vmem>>, vector<16xf32>,
        tpu.vector_store %arg9[%swap3A_664, %swap3A_665], %gather3A_663 {strides = array<i32>} : memref<512x128xf32, #tpu.memory_space<vmem>>, vector<16xf32>,
      }
      %while3A_364 = arith.constant 1 : i32
      scf.for %while3A_632 = %while3A_362 to %while3A_358 step %while3A_364  : i32 {
        %get3A_633 = arith.index_cast %while3A_632 : i32 to index
        %get3A_634 = tpu.vector_load %arg5[%get3A_633] {strides = array<i32>} : memref<528xi32, #tpu.memory_space<vmem>>, vector<16xi32>,
        %slice3A_635 = vector.extract_strided_slice %get3A_634 {offsets = [0], sizes = [1], strides = [1]} : vector<16xi32> to vector<1xi32>
        %squeeze3A_636 = vector.extract %slice3A_635[0] : i32 from vector<1xi32>
        %and3A = arith.constant 127 : i32
        %and3A_637 = arith.andi %squeeze3A_636, %and3A : i32
        %broadcast_in_dim3A_638 = vector.broadcast %and3A_637 : i32 to vector<16xi32>
        %broadcast_in_dim3A_639 = arith.constant 1 : i32
        %broadcast_in_dim3A_640 = vector.broadcast %broadcast_in_dim3A_639 : i32 to vector<16xi32>
        %add3A_641 = arith.constant 0 : i32
        %add3A_642 = vector.broadcast %add3A_641 : i32 to vector<16xi32>
        %add3A_643 = arith.addi %iota3A, %add3A_642 : vector<16xi32>
        %gather3A = tpu.vector_load_idx %arg8[%broadcast_in_dim3A_640, %add3A_643, %broadcast_in_dim3A_638] : memref<7x64x128xf32, #tpu.memory_space<vmem>>[vector<16xi32>, vector<16xi32>, vector<16xi32>], vector<16xf32>,
        %swap3A = arith.index_cast %while3A_632 : i32 to index
        %swap3A_644 = arith.constant 0 : index
        %swap3A_645 = tpu.vector_load %arg9[%swap3A, %swap3A_644] {strides = array<i32>} : memref<512x128xf32, #tpu.memory_space<vmem>>, vector<16xf32>,
        tpu.vector_store %arg9[%swap3A, %swap3A_644], %gather3A {strides = array<i32>} : memref<512x128xf32, #tpu.memory_space<vmem>>, vector<16xf32>,
        %add3A_646 = arith.constant 16 : i32
        %add3A_647 = vector.broadcast %add3A_646 : i32 to vector<16xi32>
        %add3A_648 = arith.addi %iota3A, %add3A_647 : vector<16xi32>
        %gather3A_649 = tpu.vector_load_idx %arg8[%broadcast_in_dim3A_640, %add3A_648, %broadcast_in_dim3A_638] : memref<7x64x128xf32, #tpu.memory_space<vmem>>[vector<16xi32>, vector<16xi32>, vector<16xi32>], vector<16xf32>,
        %swap3A_650 = arith.index_cast %while3A_632 : i32 to index
        %swap3A_651 = arith.constant 16 : index
        %swap3A_652 = tpu.vector_load %arg9[%swap3A_650, %swap3A_651] {strides = array<i32>} : memref<512x128xf32, #tpu.memory_space<vmem>>, vector<16xf32>,
        tpu.vector_store %arg9[%swap3A_650, %swap3A_651], %gather3A_649 {strides = array<i32>} : memref<512x128xf32, #tpu.memory_space<vmem>>, vector<16xf32>,
        %add3A_653 = arith.constant 32 : i32
        %add3A_654 = vector.broadcast %add3A_653 : i32 to vector<16xi32>
        %add3A_655 = arith.addi %iota3A, %add3A_654 : vector<16xi32>
        %gather3A_656 = tpu.vector_load_idx %arg8[%broadcast_in_dim3A_640, %add3A_655, %broadcast_in_dim3A_638] : memref<7x64x128xf32, #tpu.memory_space<vmem>>[vector<16xi32>, vector<16xi32>, vector<16xi32>], vector<16xf32>,
        %swap3A_657 = arith.index_cast %while3A_632 : i32 to index
        %swap3A_658 = arith.constant 32 : index
        %swap3A_659 = tpu.vector_load %arg9[%swap3A_657, %swap3A_658] {strides = array<i32>} : memref<512x128xf32, #tpu.memory_space<vmem>>, vector<16xf32>,
        tpu.vector_store %arg9[%swap3A_657, %swap3A_658], %gather3A_656 {strides = array<i32>} : memref<512x128xf32, #tpu.memory_space<vmem>>, vector<16xf32>,
        %add3A_660 = arith.constant 48 : i32
        %add3A_661 = vector.broadcast %add3A_660 : i32 to vector<16xi32>
        %add3A_662 = arith.addi %iota3A, %add3A_661 : vector<16xi32>
        %gather3A_663 = tpu.vector_load_idx %arg8[%broadcast_in_dim3A_640, %add3A_662, %broadcast_in_dim3A_638] : memref<7x64x128xf32, #tpu.memory_space<vmem>>[vector<16xi32>, vector<16xi32>, vector<16xi32>], vector<16xf32>,
        %swap3A_664 = arith.index_cast %while3A_632 : i32 to index
        %swap3A_665 = arith.constant 48 : index
        %swap3A_666 = tpu.vector_load %arg9[%swap3A_664, %swap3A_665] {strides = array<i32>} : memref<512x128xf32, #tpu.memory_space<vmem>>, vector<16xf32>,
        tpu.vector_store %arg9[%swap3A_664, %swap3A_665], %gather3A_663 {strides = array<i32>} : memref<512x128xf32, #tpu.memory_space<vmem>>, vector<16xf32>,
      }
      %slice3A_365 = vector.extract_strided_slice %get3A_288 {offsets = [1], sizes = [1], strides = [1]} : vector<16xi32> to vector<1xi32>
      %squeeze3A_366 = vector.extract %slice3A_365[0] : i32 from vector<1xi32>
      %min3A_367 = arith.constant 7812 : i32
      %min3A_368 = arith.minsi %squeeze3A_366, %min3A_367 : i32
      %max3A_369 = arith.constant 0 : i32
      %max3A_370 = arith.maxsi %min3A_368, %max3A_369 : i32
      %shift_left3A_371 = arith.constant 7 : i32
      %shift_left3A_372 = arith.shli %max3A_370, %shift_left3A_371 : i32
      %multiple_of3A_373 = tpu.assume_multiple %shift_left3A_372, 128 : i32
      %dma_start3A_374 = arith.constant 1 : i32
      %dma_start3A_375 = arith.constant 0 : i32
      %dma_start3A_376 = arith.constant 0 : i32
      %dma_start3A_377 = tpu.memref_slice %arg8[%dma_start3A_374, %dma_start3A_375, %dma_start3A_376] : memref<7x64x128xf32, #tpu.memory_space<vmem>> -> memref<1x64x128xf32, #tpu.memory_space<vmem>>
      %dma_start3A_378 = tpu.memref_squeeze %dma_start3A_377 : memref<1x64x128xf32, #tpu.memory_space<vmem>> -> memref<64x128xf32, #tpu.memory_space<vmem>>
      %dma_start3A_379 = arith.constant 0 : i32
      %dma_start3A_380 = tpu.memref_slice %arg3[%dma_start3A_379, %multiple_of3A_373] : memref<64x1000000xf32, #tpu.memory_space<hbm>> -> memref<64x128xf32, #tpu.memory_space<hbm>>
      %dma_start3A_381 = arith.constant 0 : i32
      %dma_start3A_382 = arith.constant 0 : i32
      %dma_start3A_383 = tpu.memref_slice %arg8[%dma_start3A_374, %dma_start3A_381, %dma_start3A_382] : memref<7x64x128xf32, #tpu.memory_space<vmem>> -> memref<1x64x128xf32, #tpu.memory_space<vmem>>
      %dma_start3A_384 = tpu.memref_squeeze %dma_start3A_383 : memref<1x64x128xf32, #tpu.memory_space<vmem>> -> memref<64x128xf32, #tpu.memory_space<vmem>>
      %dma_start3A_385 = arith.constant 0 : i32
      %dma_start3A_386 = tpu.memref_slice %arg3[%dma_start3A_385, %multiple_of3A_373] : memref<64x1000000xf32, #tpu.memory_space<hbm>> -> memref<64x128xf32, #tpu.memory_space<hbm>>
      tpu.enqueue_dma source(%dma_start3A_386 : memref<64x128xf32, #tpu.memory_space<hbm>>) target(%dma_start3A_384 : memref<64x128xf32, #tpu.memory_space<vmem>>) target_semaphore(%arg11 : memref<!tpu.dma_semaphore, #tpu.memory_space<semaphore_mem>>)
      %dma_wait3A_387 = arith.constant 2 : i32
      %dma_wait3A_388 = arith.constant 0 : i32
      %dma_wait3A_389 = arith.constant 0 : i32
      %dma_wait3A_390 = tpu.memref_slice %arg8[%dma_wait3A_387, %dma_wait3A_388, %dma_wait3A_389] : memref<7x64x128xf32, #tpu.memory_space<vmem>> -> memref<1x64x128xf32, #tpu.memory_space<vmem>>
      %dma_wait3A_391 = tpu.memref_squeeze %dma_wait3A_390 : memref<1x64x128xf32, #tpu.memory_space<vmem>> -> memref<64x128xf32, #tpu.memory_space<vmem>>
      %dma_wait3A_392 = arith.constant 0 : i32
      %dma_wait3A_393 = arith.constant 0 : i32
      %dma_wait3A_394 = tpu.memref_slice %arg3[%dma_wait3A_392, %dma_wait3A_393] : memref<64x1000000xf32, #tpu.memory_space<hbm>> -> memref<64x128xf32, #tpu.memory_space<hbm>>
      %dma_wait3A_395 = arith.constant 0 : i32
      %dma_wait3A_396 = arith.constant 0 : i32
      %dma_wait3A_397 = tpu.memref_slice %arg8[%dma_wait3A_387, %dma_wait3A_395, %dma_wait3A_396] : memref<7x64x128xf32, #tpu.memory_space<vmem>> -> memref<1x64x128xf32, #tpu.memory_space<vmem>>
      %dma_wait3A_398 = tpu.memref_squeeze %dma_wait3A_397 : memref<1x64x128xf32, #tpu.memory_space<vmem>> -> memref<64x128xf32, #tpu.memory_space<vmem>>
      %dma_wait3A_399 = arith.constant 0 : i32
      %dma_wait3A_400 = arith.constant 0 : i32
      %dma_wait3A_401 = tpu.memref_slice %arg3[%dma_wait3A_399, %dma_wait3A_400] : memref<64x1000000xf32, #tpu.memory_space<hbm>> -> memref<64x128xf32, #tpu.memory_space<hbm>>
      tpu.wait_dma2 semaphore(%arg12 : memref<!tpu.dma_semaphore, #tpu.memory_space<semaphore_mem>>) src(%dma_wait3A_401 : memref<64x128xf32, #tpu.memory_space<hbm>>) dst(%dma_wait3A_398 : memref<64x128xf32, #tpu.memory_space<vmem>>)
      %slice3A_402 = vector.extract_strided_slice %get3A_282 {offsets = [2], sizes = [1], strides = [1]} : vector<16xi32> to vector<1xi32>
      %squeeze3A_403 = vector.extract %slice3A_402[0] : i32 from vector<1xi32>
      %slice3A_404 = vector.extract_strided_slice %get3A_282 {offsets = [3], sizes = [1], strides = [1]} : vector<16xi32> to vector<1xi32>
      %squeeze3A_405 = vector.extract %slice3A_404[0] : i32 from vector<1xi32>
      %while3A_406 = arith.subi %squeeze3A_405, %squeeze3A_403 : i32
      %while3A_407 = arith.addi %squeeze3A_403, %while3A_406 : i32
      %while3A_408 = arith.constant 1 : i32
      %while3A_409 = arith.divsi %while3A_406, %while3A_408 : i32
      %while3A_410 = arith.muli %while3A_409, %while3A_408 : i32
      %while3A_411 = arith.addi %squeeze3A_403, %while3A_410 : i32
      %while3A_412 = arith.constant 1 : i32
      scf.for %while3A_632 = %squeeze3A_403 to %while3A_411 step %while3A_412  : i32 {
        %get3A_633 = arith.index_cast %while3A_632 : i32 to index
        %get3A_634 = tpu.vector_load %arg5[%get3A_633] {strides = array<i32>} : memref<528xi32, #tpu.memory_space<vmem>>, vector<16xi32>,
        %slice3A_635 = vector.extract_strided_slice %get3A_634 {offsets = [0], sizes = [1], strides = [1]} : vector<16xi32> to vector<1xi32>
        %squeeze3A_636 = vector.extract %slice3A_635[0] : i32 from vector<1xi32>
        %and3A = arith.constant 127 : i32
        %and3A_637 = arith.andi %squeeze3A_636, %and3A : i32
        %broadcast_in_dim3A_638 = vector.broadcast %and3A_637 : i32 to vector<16xi32>
        %broadcast_in_dim3A_639 = arith.constant 2 : i32
        %broadcast_in_dim3A_640 = vector.broadcast %broadcast_in_dim3A_639 : i32 to vector<16xi32>
        %add3A_641 = arith.constant 0 : i32
        %add3A_642 = vector.broadcast %add3A_641 : i32 to vector<16xi32>
        %add3A_643 = arith.addi %iota3A, %add3A_642 : vector<16xi32>
        %gather3A = tpu.vector_load_idx %arg8[%broadcast_in_dim3A_640, %add3A_643, %broadcast_in_dim3A_638] : memref<7x64x128xf32, #tpu.memory_space<vmem>>[vector<16xi32>, vector<16xi32>, vector<16xi32>], vector<16xf32>,
        %swap3A = arith.index_cast %while3A_632 : i32 to index
        %swap3A_644 = arith.constant 0 : index
        %swap3A_645 = tpu.vector_load %arg9[%swap3A, %swap3A_644] {strides = array<i32>} : memref<512x128xf32, #tpu.memory_space<vmem>>, vector<16xf32>,
        tpu.vector_store %arg9[%swap3A, %swap3A_644], %gather3A {strides = array<i32>} : memref<512x128xf32, #tpu.memory_space<vmem>>, vector<16xf32>,
        %add3A_646 = arith.constant 16 : i32
        %add3A_647 = vector.broadcast %add3A_646 : i32 to vector<16xi32>
        %add3A_648 = arith.addi %iota3A, %add3A_647 : vector<16xi32>
        %gather3A_649 = tpu.vector_load_idx %arg8[%broadcast_in_dim3A_640, %add3A_648, %broadcast_in_dim3A_638] : memref<7x64x128xf32, #tpu.memory_space<vmem>>[vector<16xi32>, vector<16xi32>, vector<16xi32>], vector<16xf32>,
        %swap3A_650 = arith.index_cast %while3A_632 : i32 to index
        %swap3A_651 = arith.constant 16 : index
        %swap3A_652 = tpu.vector_load %arg9[%swap3A_650, %swap3A_651] {strides = array<i32>} : memref<512x128xf32, #tpu.memory_space<vmem>>, vector<16xf32>,
        tpu.vector_store %arg9[%swap3A_650, %swap3A_651], %gather3A_649 {strides = array<i32>} : memref<512x128xf32, #tpu.memory_space<vmem>>, vector<16xf32>,
        %add3A_653 = arith.constant 32 : i32
        %add3A_654 = vector.broadcast %add3A_653 : i32 to vector<16xi32>
        %add3A_655 = arith.addi %iota3A, %add3A_654 : vector<16xi32>
        %gather3A_656 = tpu.vector_load_idx %arg8[%broadcast_in_dim3A_640, %add3A_655, %broadcast_in_dim3A_638] : memref<7x64x128xf32, #tpu.memory_space<vmem>>[vector<16xi32>, vector<16xi32>, vector<16xi32>], vector<16xf32>,
        %swap3A_657 = arith.index_cast %while3A_632 : i32 to index
        %swap3A_658 = arith.constant 32 : index
        %swap3A_659 = tpu.vector_load %arg9[%swap3A_657, %swap3A_658] {strides = array<i32>} : memref<512x128xf32, #tpu.memory_space<vmem>>, vector<16xf32>,
        tpu.vector_store %arg9[%swap3A_657, %swap3A_658], %gather3A_656 {strides = array<i32>} : memref<512x128xf32, #tpu.memory_space<vmem>>, vector<16xf32>,
        %add3A_660 = arith.constant 48 : i32
        %add3A_661 = vector.broadcast %add3A_660 : i32 to vector<16xi32>
        %add3A_662 = arith.addi %iota3A, %add3A_661 : vector<16xi32>
        %gather3A_663 = tpu.vector_load_idx %arg8[%broadcast_in_dim3A_640, %add3A_662, %broadcast_in_dim3A_638] : memref<7x64x128xf32, #tpu.memory_space<vmem>>[vector<16xi32>, vector<16xi32>, vector<16xi32>], vector<16xf32>,
        %swap3A_664 = arith.index_cast %while3A_632 : i32 to index
        %swap3A_665 = arith.constant 48 : index
        %swap3A_666 = tpu.vector_load %arg9[%swap3A_664, %swap3A_665] {strides = array<i32>} : memref<512x128xf32, #tpu.memory_space<vmem>>, vector<16xf32>,
        tpu.vector_store %arg9[%swap3A_664, %swap3A_665], %gather3A_663 {strides = array<i32>} : memref<512x128xf32, #tpu.memory_space<vmem>>, vector<16xf32>,
      }
      %while3A_413 = arith.constant 1 : i32
      scf.for %while3A_632 = %while3A_411 to %while3A_407 step %while3A_413  : i32 {
        %get3A_633 = arith.index_cast %while3A_632 : i32 to index
        %get3A_634 = tpu.vector_load %arg5[%get3A_633] {strides = array<i32>} : memref<528xi32, #tpu.memory_space<vmem>>, vector<16xi32>,
        %slice3A_635 = vector.extract_strided_slice %get3A_634 {offsets = [0], sizes = [1], strides = [1]} : vector<16xi32> to vector<1xi32>
        %squeeze3A_636 = vector.extract %slice3A_635[0] : i32 from vector<1xi32>
        %and3A = arith.constant 127 : i32
        %and3A_637 = arith.andi %squeeze3A_636, %and3A : i32
        %broadcast_in_dim3A_638 = vector.broadcast %and3A_637 : i32 to vector<16xi32>
        %broadcast_in_dim3A_639 = arith.constant 2 : i32
        %broadcast_in_dim3A_640 = vector.broadcast %broadcast_in_dim3A_639 : i32 to vector<16xi32>
        %add3A_641 = arith.constant 0 : i32
        %add3A_642 = vector.broadcast %add3A_641 : i32 to vector<16xi32>
        %add3A_643 = arith.addi %iota3A, %add3A_642 : vector<16xi32>
        %gather3A = tpu.vector_load_idx %arg8[%broadcast_in_dim3A_640, %add3A_643, %broadcast_in_dim3A_638] : memref<7x64x128xf32, #tpu.memory_space<vmem>>[vector<16xi32>, vector<16xi32>, vector<16xi32>], vector<16xf32>,
        %swap3A = arith.index_cast %while3A_632 : i32 to index
        %swap3A_644 = arith.constant 0 : index
        %swap3A_645 = tpu.vector_load %arg9[%swap3A, %swap3A_644] {strides = array<i32>} : memref<512x128xf32, #tpu.memory_space<vmem>>, vector<16xf32>,
        tpu.vector_store %arg9[%swap3A, %swap3A_644], %gather3A {strides = array<i32>} : memref<512x128xf32, #tpu.memory_space<vmem>>, vector<16xf32>,
        %add3A_646 = arith.constant 16 : i32
        %add3A_647 = vector.broadcast %add3A_646 : i32 to vector<16xi32>
        %add3A_648 = arith.addi %iota3A, %add3A_647 : vector<16xi32>
        %gather3A_649 = tpu.vector_load_idx %arg8[%broadcast_in_dim3A_640, %add3A_648, %broadcast_in_dim3A_638] : memref<7x64x128xf32, #tpu.memory_space<vmem>>[vector<16xi32>, vector<16xi32>, vector<16xi32>], vector<16xf32>,
        %swap3A_650 = arith.index_cast %while3A_632 : i32 to index
        %swap3A_651 = arith.constant 16 : index
        %swap3A_652 = tpu.vector_load %arg9[%swap3A_650, %swap3A_651] {strides = array<i32>} : memref<512x128xf32, #tpu.memory_space<vmem>>, vector<16xf32>,
        tpu.vector_store %arg9[%swap3A_650, %swap3A_651], %gather3A_649 {strides = array<i32>} : memref<512x128xf32, #tpu.memory_space<vmem>>, vector<16xf32>,
        %add3A_653 = arith.constant 32 : i32
        %add3A_654 = vector.broadcast %add3A_653 : i32 to vector<16xi32>
        %add3A_655 = arith.addi %iota3A, %add3A_654 : vector<16xi32>
        %gather3A_656 = tpu.vector_load_idx %arg8[%broadcast_in_dim3A_640, %add3A_655, %broadcast_in_dim3A_638] : memref<7x64x128xf32, #tpu.memory_space<vmem>>[vector<16xi32>, vector<16xi32>, vector<16xi32>], vector<16xf32>,
        %swap3A_657 = arith.index_cast %while3A_632 : i32 to index
        %swap3A_658 = arith.constant 32 : index
        %swap3A_659 = tpu.vector_load %arg9[%swap3A_657, %swap3A_658] {strides = array<i32>} : memref<512x128xf32, #tpu.memory_space<vmem>>, vector<16xf32>,
        tpu.vector_store %arg9[%swap3A_657, %swap3A_658], %gather3A_656 {strides = array<i32>} : memref<512x128xf32, #tpu.memory_space<vmem>>, vector<16xf32>,
        %add3A_660 = arith.constant 48 : i32
        %add3A_661 = vector.broadcast %add3A_660 : i32 to vector<16xi32>
        %add3A_662 = arith.addi %iota3A, %add3A_661 : vector<16xi32>
        %gather3A_663 = tpu.vector_load_idx %arg8[%broadcast_in_dim3A_640, %add3A_662, %broadcast_in_dim3A_638] : memref<7x64x128xf32, #tpu.memory_space<vmem>>[vector<16xi32>, vector<16xi32>, vector<16xi32>], vector<16xf32>,
        %swap3A_664 = arith.index_cast %while3A_632 : i32 to index
        %swap3A_665 = arith.constant 48 : index
        %swap3A_666 = tpu.vector_load %arg9[%swap3A_664, %swap3A_665] {strides = array<i32>} : memref<512x128xf32, #tpu.memory_space<vmem>>, vector<16xf32>,
        tpu.vector_store %arg9[%swap3A_664, %swap3A_665], %gather3A_663 {strides = array<i32>} : memref<512x128xf32, #tpu.memory_space<vmem>>, vector<16xf32>,
      }
      %slice3A_414 = vector.extract_strided_slice %get3A_288 {offsets = [2], sizes = [1], strides = [1]} : vector<16xi32> to vector<1xi32>
      %squeeze3A_415 = vector.extract %slice3A_414[0] : i32 from vector<1xi32>
      %min3A_416 = arith.constant 7812 : i32
      %min3A_417 = arith.minsi %squeeze3A_415, %min3A_416 : i32
      %max3A_418 = arith.constant 0 : i32
      %max3A_419 = arith.maxsi %min3A_417, %max3A_418 : i32
      %shift_left3A_420 = arith.constant 7 : i32
      %shift_left3A_421 = arith.shli %max3A_419, %shift_left3A_420 : i32
      %multiple_of3A_422 = tpu.assume_multiple %shift_left3A_421, 128 : i32
      %dma_start3A_423 = arith.constant 2 : i32
      %dma_start3A_424 = arith.constant 0 : i32
      %dma_start3A_425 = arith.constant 0 : i32
      %dma_start3A_426 = tpu.memref_slice %arg8[%dma_start3A_423, %dma_start3A_424, %dma_start3A_425] : memref<7x64x128xf32, #tpu.memory_space<vmem>> -> memref<1x64x128xf32, #tpu.memory_space<vmem>>
      %dma_start3A_427 = tpu.memref_squeeze %dma_start3A_426 : memref<1x64x128xf32, #tpu.memory_space<vmem>> -> memref<64x128xf32, #tpu.memory_space<vmem>>
      %dma_start3A_428 = arith.constant 0 : i32
      %dma_start3A_429 = tpu.memref_slice %arg3[%dma_start3A_428, %multiple_of3A_422] : memref<64x1000000xf32, #tpu.memory_space<hbm>> -> memref<64x128xf32, #tpu.memory_space<hbm>>
      %dma_start3A_430 = arith.constant 0 : i32
      %dma_start3A_431 = arith.constant 0 : i32
      %dma_start3A_432 = tpu.memref_slice %arg8[%dma_start3A_423, %dma_start3A_430, %dma_start3A_431] : memref<7x64x128xf32, #tpu.memory_space<vmem>> -> memref<1x64x128xf32, #tpu.memory_space<vmem>>
      %dma_start3A_433 = tpu.memref_squeeze %dma_start3A_432 : memref<1x64x128xf32, #tpu.memory_space<vmem>> -> memref<64x128xf32, #tpu.memory_space<vmem>>
      %dma_start3A_434 = arith.constant 0 : i32
      %dma_start3A_435 = tpu.memref_slice %arg3[%dma_start3A_434, %multiple_of3A_422] : memref<64x1000000xf32, #tpu.memory_space<hbm>> -> memref<64x128xf32, #tpu.memory_space<hbm>>
      tpu.enqueue_dma source(%dma_start3A_435 : memref<64x128xf32, #tpu.memory_space<hbm>>) target(%dma_start3A_433 : memref<64x128xf32, #tpu.memory_space<vmem>>) target_semaphore(%arg12 : memref<!tpu.dma_semaphore, #tpu.memory_space<semaphore_mem>>)
      %dma_wait3A_436 = arith.constant 3 : i32
      %dma_wait3A_437 = arith.constant 0 : i32
      %dma_wait3A_438 = arith.constant 0 : i32
      %dma_wait3A_439 = tpu.memref_slice %arg8[%dma_wait3A_436, %dma_wait3A_437, %dma_wait3A_438] : memref<7x64x128xf32, #tpu.memory_space<vmem>> -> memref<1x64x128xf32, #tpu.memory_space<vmem>>
      %dma_wait3A_440 = tpu.memref_squeeze %dma_wait3A_439 : memref<1x64x128xf32, #tpu.memory_space<vmem>> -> memref<64x128xf32, #tpu.memory_space<vmem>>
      %dma_wait3A_441 = arith.constant 0 : i32
      %dma_wait3A_442 = arith.constant 0 : i32
      %dma_wait3A_443 = tpu.memref_slice %arg3[%dma_wait3A_441, %dma_wait3A_442] : memref<64x1000000xf32, #tpu.memory_space<hbm>> -> memref<64x128xf32, #tpu.memory_space<hbm>>
      %dma_wait3A_444 = arith.constant 0 : i32
      %dma_wait3A_445 = arith.constant 0 : i32
      %dma_wait3A_446 = tpu.memref_slice %arg8[%dma_wait3A_436, %dma_wait3A_444, %dma_wait3A_445] : memref<7x64x128xf32, #tpu.memory_space<vmem>> -> memref<1x64x128xf32, #tpu.memory_space<vmem>>
      %dma_wait3A_447 = tpu.memref_squeeze %dma_wait3A_446 : memref<1x64x128xf32, #tpu.memory_space<vmem>> -> memref<64x128xf32, #tpu.memory_space<vmem>>
      %dma_wait3A_448 = arith.constant 0 : i32
      %dma_wait3A_449 = arith.constant 0 : i32
      %dma_wait3A_450 = tpu.memref_slice %arg3[%dma_wait3A_448, %dma_wait3A_449] : memref<64x1000000xf32, #tpu.memory_space<hbm>> -> memref<64x128xf32, #tpu.memory_space<hbm>>
      tpu.wait_dma2 semaphore(%arg13 : memref<!tpu.dma_semaphore, #tpu.memory_space<semaphore_mem>>) src(%dma_wait3A_450 : memref<64x128xf32, #tpu.memory_space<hbm>>) dst(%dma_wait3A_447 : memref<64x128xf32, #tpu.memory_space<vmem>>)
      %slice3A_451 = vector.extract_strided_slice %get3A_282 {offsets = [3], sizes = [1], strides = [1]} : vector<16xi32> to vector<1xi32>
      %squeeze3A_452 = vector.extract %slice3A_451[0] : i32 from vector<1xi32>
      %slice3A_453 = vector.extract_strided_slice %get3A_282 {offsets = [4], sizes = [1], strides = [1]} : vector<16xi32> to vector<1xi32>
      %squeeze3A_454 = vector.extract %slice3A_453[0] : i32 from vector<1xi32>
      %while3A_455 = arith.subi %squeeze3A_454, %squeeze3A_452 : i32
      %while3A_456 = arith.addi %squeeze3A_452, %while3A_455 : i32
      %while3A_457 = arith.constant 1 : i32
      %while3A_458 = arith.divsi %while3A_455, %while3A_457 : i32
      %while3A_459 = arith.muli %while3A_458, %while3A_457 : i32
      %while3A_460 = arith.addi %squeeze3A_452, %while3A_459 : i32
      %while3A_461 = arith.constant 1 : i32
      scf.for %while3A_632 = %squeeze3A_452 to %while3A_460 step %while3A_461  : i32 {
        %get3A_633 = arith.index_cast %while3A_632 : i32 to index
        %get3A_634 = tpu.vector_load %arg5[%get3A_633] {strides = array<i32>} : memref<528xi32, #tpu.memory_space<vmem>>, vector<16xi32>,
        %slice3A_635 = vector.extract_strided_slice %get3A_634 {offsets = [0], sizes = [1], strides = [1]} : vector<16xi32> to vector<1xi32>
        %squeeze3A_636 = vector.extract %slice3A_635[0] : i32 from vector<1xi32>
        %and3A = arith.constant 127 : i32
        %and3A_637 = arith.andi %squeeze3A_636, %and3A : i32
        %broadcast_in_dim3A_638 = vector.broadcast %and3A_637 : i32 to vector<16xi32>
        %broadcast_in_dim3A_639 = arith.constant 3 : i32
        %broadcast_in_dim3A_640 = vector.broadcast %broadcast_in_dim3A_639 : i32 to vector<16xi32>
        %add3A_641 = arith.constant 0 : i32
        %add3A_642 = vector.broadcast %add3A_641 : i32 to vector<16xi32>
        %add3A_643 = arith.addi %iota3A, %add3A_642 : vector<16xi32>
        %gather3A = tpu.vector_load_idx %arg8[%broadcast_in_dim3A_640, %add3A_643, %broadcast_in_dim3A_638] : memref<7x64x128xf32, #tpu.memory_space<vmem>>[vector<16xi32>, vector<16xi32>, vector<16xi32>], vector<16xf32>,
        %swap3A = arith.index_cast %while3A_632 : i32 to index
        %swap3A_644 = arith.constant 0 : index
        %swap3A_645 = tpu.vector_load %arg9[%swap3A, %swap3A_644] {strides = array<i32>} : memref<512x128xf32, #tpu.memory_space<vmem>>, vector<16xf32>,
        tpu.vector_store %arg9[%swap3A, %swap3A_644], %gather3A {strides = array<i32>} : memref<512x128xf32, #tpu.memory_space<vmem>>, vector<16xf32>,
        %add3A_646 = arith.constant 16 : i32
        %add3A_647 = vector.broadcast %add3A_646 : i32 to vector<16xi32>
        %add3A_648 = arith.addi %iota3A, %add3A_647 : vector<16xi32>
        %gather3A_649 = tpu.vector_load_idx %arg8[%broadcast_in_dim3A_640, %add3A_648, %broadcast_in_dim3A_638] : memref<7x64x128xf32, #tpu.memory_space<vmem>>[vector<16xi32>, vector<16xi32>, vector<16xi32>], vector<16xf32>,
        %swap3A_650 = arith.index_cast %while3A_632 : i32 to index
        %swap3A_651 = arith.constant 16 : index
        %swap3A_652 = tpu.vector_load %arg9[%swap3A_650, %swap3A_651] {strides = array<i32>} : memref<512x128xf32, #tpu.memory_space<vmem>>, vector<16xf32>,
        tpu.vector_store %arg9[%swap3A_650, %swap3A_651], %gather3A_649 {strides = array<i32>} : memref<512x128xf32, #tpu.memory_space<vmem>>, vector<16xf32>,
        %add3A_653 = arith.constant 32 : i32
        %add3A_654 = vector.broadcast %add3A_653 : i32 to vector<16xi32>
        %add3A_655 = arith.addi %iota3A, %add3A_654 : vector<16xi32>
        %gather3A_656 = tpu.vector_load_idx %arg8[%broadcast_in_dim3A_640, %add3A_655, %broadcast_in_dim3A_638] : memref<7x64x128xf32, #tpu.memory_space<vmem>>[vector<16xi32>, vector<16xi32>, vector<16xi32>], vector<16xf32>,
        %swap3A_657 = arith.index_cast %while3A_632 : i32 to index
        %swap3A_658 = arith.constant 32 : index
        %swap3A_659 = tpu.vector_load %arg9[%swap3A_657, %swap3A_658] {strides = array<i32>} : memref<512x128xf32, #tpu.memory_space<vmem>>, vector<16xf32>,
        tpu.vector_store %arg9[%swap3A_657, %swap3A_658], %gather3A_656 {strides = array<i32>} : memref<512x128xf32, #tpu.memory_space<vmem>>, vector<16xf32>,
        %add3A_660 = arith.constant 48 : i32
        %add3A_661 = vector.broadcast %add3A_660 : i32 to vector<16xi32>
        %add3A_662 = arith.addi %iota3A, %add3A_661 : vector<16xi32>
        %gather3A_663 = tpu.vector_load_idx %arg8[%broadcast_in_dim3A_640, %add3A_662, %broadcast_in_dim3A_638] : memref<7x64x128xf32, #tpu.memory_space<vmem>>[vector<16xi32>, vector<16xi32>, vector<16xi32>], vector<16xf32>,
        %swap3A_664 = arith.index_cast %while3A_632 : i32 to index
        %swap3A_665 = arith.constant 48 : index
        %swap3A_666 = tpu.vector_load %arg9[%swap3A_664, %swap3A_665] {strides = array<i32>} : memref<512x128xf32, #tpu.memory_space<vmem>>, vector<16xf32>,
        tpu.vector_store %arg9[%swap3A_664, %swap3A_665], %gather3A_663 {strides = array<i32>} : memref<512x128xf32, #tpu.memory_space<vmem>>, vector<16xf32>,
      }
      %while3A_462 = arith.constant 1 : i32
      scf.for %while3A_632 = %while3A_460 to %while3A_456 step %while3A_462  : i32 {
        %get3A_633 = arith.index_cast %while3A_632 : i32 to index
        %get3A_634 = tpu.vector_load %arg5[%get3A_633] {strides = array<i32>} : memref<528xi32, #tpu.memory_space<vmem>>, vector<16xi32>,
        %slice3A_635 = vector.extract_strided_slice %get3A_634 {offsets = [0], sizes = [1], strides = [1]} : vector<16xi32> to vector<1xi32>
        %squeeze3A_636 = vector.extract %slice3A_635[0] : i32 from vector<1xi32>
        %and3A = arith.constant 127 : i32
        %and3A_637 = arith.andi %squeeze3A_636, %and3A : i32
        %broadcast_in_dim3A_638 = vector.broadcast %and3A_637 : i32 to vector<16xi32>
        %broadcast_in_dim3A_639 = arith.constant 3 : i32
        %broadcast_in_dim3A_640 = vector.broadcast %broadcast_in_dim3A_639 : i32 to vector<16xi32>
        %add3A_641 = arith.constant 0 : i32
        %add3A_642 = vector.broadcast %add3A_641 : i32 to vector<16xi32>
        %add3A_643 = arith.addi %iota3A, %add3A_642 : vector<16xi32>
        %gather3A = tpu.vector_load_idx %arg8[%broadcast_in_dim3A_640, %add3A_643, %broadcast_in_dim3A_638] : memref<7x64x128xf32, #tpu.memory_space<vmem>>[vector<16xi32>, vector<16xi32>, vector<16xi32>], vector<16xf32>,
        %swap3A = arith.index_cast %while3A_632 : i32 to index
        %swap3A_644 = arith.constant 0 : index
        %swap3A_645 = tpu.vector_load %arg9[%swap3A, %swap3A_644] {strides = array<i32>} : memref<512x128xf32, #tpu.memory_space<vmem>>, vector<16xf32>,
        tpu.vector_store %arg9[%swap3A, %swap3A_644], %gather3A {strides = array<i32>} : memref<512x128xf32, #tpu.memory_space<vmem>>, vector<16xf32>,
        %add3A_646 = arith.constant 16 : i32
        %add3A_647 = vector.broadcast %add3A_646 : i32 to vector<16xi32>
        %add3A_648 = arith.addi %iota3A, %add3A_647 : vector<16xi32>
        %gather3A_649 = tpu.vector_load_idx %arg8[%broadcast_in_dim3A_640, %add3A_648, %broadcast_in_dim3A_638] : memref<7x64x128xf32, #tpu.memory_space<vmem>>[vector<16xi32>, vector<16xi32>, vector<16xi32>], vector<16xf32>,
        %swap3A_650 = arith.index_cast %while3A_632 : i32 to index
        %swap3A_651 = arith.constant 16 : index
        %swap3A_652 = tpu.vector_load %arg9[%swap3A_650, %swap3A_651] {strides = array<i32>} : memref<512x128xf32, #tpu.memory_space<vmem>>, vector<16xf32>,
        tpu.vector_store %arg9[%swap3A_650, %swap3A_651], %gather3A_649 {strides = array<i32>} : memref<512x128xf32, #tpu.memory_space<vmem>>, vector<16xf32>,
        %add3A_653 = arith.constant 32 : i32
        %add3A_654 = vector.broadcast %add3A_653 : i32 to vector<16xi32>
        %add3A_655 = arith.addi %iota3A, %add3A_654 : vector<16xi32>
        %gather3A_656 = tpu.vector_load_idx %arg8[%broadcast_in_dim3A_640, %add3A_655, %broadcast_in_dim3A_638] : memref<7x64x128xf32, #tpu.memory_space<vmem>>[vector<16xi32>, vector<16xi32>, vector<16xi32>], vector<16xf32>,
        %swap3A_657 = arith.index_cast %while3A_632 : i32 to index
        %swap3A_658 = arith.constant 32 : index
        %swap3A_659 = tpu.vector_load %arg9[%swap3A_657, %swap3A_658] {strides = array<i32>} : memref<512x128xf32, #tpu.memory_space<vmem>>, vector<16xf32>,
        tpu.vector_store %arg9[%swap3A_657, %swap3A_658], %gather3A_656 {strides = array<i32>} : memref<512x128xf32, #tpu.memory_space<vmem>>, vector<16xf32>,
        %add3A_660 = arith.constant 48 : i32
        %add3A_661 = vector.broadcast %add3A_660 : i32 to vector<16xi32>
        %add3A_662 = arith.addi %iota3A, %add3A_661 : vector<16xi32>
        %gather3A_663 = tpu.vector_load_idx %arg8[%broadcast_in_dim3A_640, %add3A_662, %broadcast_in_dim3A_638] : memref<7x64x128xf32, #tpu.memory_space<vmem>>[vector<16xi32>, vector<16xi32>, vector<16xi32>], vector<16xf32>,
        %swap3A_664 = arith.index_cast %while3A_632 : i32 to index
        %swap3A_665 = arith.constant 48 : index
        %swap3A_666 = tpu.vector_load %arg9[%swap3A_664, %swap3A_665] {strides = array<i32>} : memref<512x128xf32, #tpu.memory_space<vmem>>, vector<16xf32>,
        tpu.vector_store %arg9[%swap3A_664, %swap3A_665], %gather3A_663 {strides = array<i32>} : memref<512x128xf32, #tpu.memory_space<vmem>>, vector<16xf32>,
      }
      %slice3A_463 = vector.extract_strided_slice %get3A_288 {offsets = [3], sizes = [1], strides = [1]} : vector<16xi32> to vector<1xi32>
      %squeeze3A_464 = vector.extract %slice3A_463[0] : i32 from vector<1xi32>
      %min3A_465 = arith.constant 7812 : i32
      %min3A_466 = arith.minsi %squeeze3A_464, %min3A_465 : i32
      %max3A_467 = arith.constant 0 : i32
      %max3A_468 = arith.maxsi %min3A_466, %max3A_467 : i32
      %shift_left3A_469 = arith.constant 7 : i32
      %shift_left3A_470 = arith.shli %max3A_468, %shift_left3A_469 : i32
      %multiple_of3A_471 = tpu.assume_multiple %shift_left3A_470, 128 : i32
      %dma_start3A_472 = arith.constant 3 : i32
      %dma_start3A_473 = arith.constant 0 : i32
      %dma_start3A_474 = arith.constant 0 : i32
      %dma_start3A_475 = tpu.memref_slice %arg8[%dma_start3A_472, %dma_start3A_473, %dma_start3A_474] : memref<7x64x128xf32, #tpu.memory_space<vmem>> -> memref<1x64x128xf32, #tpu.memory_space<vmem>>
      %dma_start3A_476 = tpu.memref_squeeze %dma_start3A_475 : memref<1x64x128xf32, #tpu.memory_space<vmem>> -> memref<64x128xf32, #tpu.memory_space<vmem>>
      %dma_start3A_477 = arith.constant 0 : i32
      %dma_start3A_478 = tpu.memref_slice %arg3[%dma_start3A_477, %multiple_of3A_471] : memref<64x1000000xf32, #tpu.memory_space<hbm>> -> memref<64x128xf32, #tpu.memory_space<hbm>>
      %dma_start3A_479 = arith.constant 0 : i32
      %dma_start3A_480 = arith.constant 0 : i32
      %dma_start3A_481 = tpu.memref_slice %arg8[%dma_start3A_472, %dma_start3A_479, %dma_start3A_480] : memref<7x64x128xf32, #tpu.memory_space<vmem>> -> memref<1x64x128xf32, #tpu.memory_space<vmem>>
      %dma_start3A_482 = tpu.memref_squeeze %dma_start3A_481 : memref<1x64x128xf32, #tpu.memory_space<vmem>> -> memref<64x128xf32, #tpu.memory_space<vmem>>
      %dma_start3A_483 = arith.constant 0 : i32
      %dma_start3A_484 = tpu.memref_slice %arg3[%dma_start3A_483, %multiple_of3A_471] : memref<64x1000000xf32, #tpu.memory_space<hbm>> -> memref<64x128xf32, #tpu.memory_space<hbm>>
      tpu.enqueue_dma source(%dma_start3A_484 : memref<64x128xf32, #tpu.memory_space<hbm>>) target(%dma_start3A_482 : memref<64x128xf32, #tpu.memory_space<vmem>>) target_semaphore(%arg13 : memref<!tpu.dma_semaphore, #tpu.memory_space<semaphore_mem>>)
      %dma_wait3A_485 = arith.constant 4 : i32
      %dma_wait3A_486 = arith.constant 0 : i32
      %dma_wait3A_487 = arith.constant 0 : i32
      %dma_wait3A_488 = tpu.memref_slice %arg8[%dma_wait3A_485, %dma_wait3A_486, %dma_wait3A_487] : memref<7x64x128xf32, #tpu.memory_space<vmem>> -> memref<1x64x128xf32, #tpu.memory_space<vmem>>
      %dma_wait3A_489 = tpu.memref_squeeze %dma_wait3A_488 : memref<1x64x128xf32, #tpu.memory_space<vmem>> -> memref<64x128xf32, #tpu.memory_space<vmem>>
      %dma_wait3A_490 = arith.constant 0 : i32
      %dma_wait3A_491 = arith.constant 0 : i32
      %dma_wait3A_492 = tpu.memref_slice %arg3[%dma_wait3A_490, %dma_wait3A_491] : memref<64x1000000xf32, #tpu.memory_space<hbm>> -> memref<64x128xf32, #tpu.memory_space<hbm>>
      %dma_wait3A_493 = arith.constant 0 : i32
      %dma_wait3A_494 = arith.constant 0 : i32
      %dma_wait3A_495 = tpu.memref_slice %arg8[%dma_wait3A_485, %dma_wait3A_493, %dma_wait3A_494] : memref<7x64x128xf32, #tpu.memory_space<vmem>> -> memref<1x64x128xf32, #tpu.memory_space<vmem>>
      %dma_wait3A_496 = tpu.memref_squeeze %dma_wait3A_495 : memref<1x64x128xf32, #tpu.memory_space<vmem>> -> memref<64x128xf32, #tpu.memory_space<vmem>>
      %dma_wait3A_497 = arith.constant 0 : i32
      %dma_wait3A_498 = arith.constant 0 : i32
      %dma_wait3A_499 = tpu.memref_slice %arg3[%dma_wait3A_497, %dma_wait3A_498] : memref<64x1000000xf32, #tpu.memory_space<hbm>> -> memref<64x128xf32, #tpu.memory_space<hbm>>
      tpu.wait_dma2 semaphore(%arg14 : memref<!tpu.dma_semaphore, #tpu.memory_space<semaphore_mem>>) src(%dma_wait3A_499 : memref<64x128xf32, #tpu.memory_space<hbm>>) dst(%dma_wait3A_496 : memref<64x128xf32, #tpu.memory_space<vmem>>)
      %slice3A_500 = vector.extract_strided_slice %get3A_282 {offsets = [4], sizes = [1], strides = [1]} : vector<16xi32> to vector<1xi32>
      %squeeze3A_501 = vector.extract %slice3A_500[0] : i32 from vector<1xi32>
      %slice3A_502 = vector.extract_strided_slice %get3A_282 {offsets = [5], sizes = [1], strides = [1]} : vector<16xi32> to vector<1xi32>
      %squeeze3A_503 = vector.extract %slice3A_502[0] : i32 from vector<1xi32>
      %while3A_504 = arith.subi %squeeze3A_503, %squeeze3A_501 : i32
      %while3A_505 = arith.addi %squeeze3A_501, %while3A_504 : i32
      %while3A_506 = arith.constant 1 : i32
      %while3A_507 = arith.divsi %while3A_504, %while3A_506 : i32
      %while3A_508 = arith.muli %while3A_507, %while3A_506 : i32
      %while3A_509 = arith.addi %squeeze3A_501, %while3A_508 : i32
      %while3A_510 = arith.constant 1 : i32
      scf.for %while3A_632 = %squeeze3A_501 to %while3A_509 step %while3A_510  : i32 {
        %get3A_633 = arith.index_cast %while3A_632 : i32 to index
        %get3A_634 = tpu.vector_load %arg5[%get3A_633] {strides = array<i32>} : memref<528xi32, #tpu.memory_space<vmem>>, vector<16xi32>,
        %slice3A_635 = vector.extract_strided_slice %get3A_634 {offsets = [0], sizes = [1], strides = [1]} : vector<16xi32> to vector<1xi32>
        %squeeze3A_636 = vector.extract %slice3A_635[0] : i32 from vector<1xi32>
        %and3A = arith.constant 127 : i32
        %and3A_637 = arith.andi %squeeze3A_636, %and3A : i32
        %broadcast_in_dim3A_638 = vector.broadcast %and3A_637 : i32 to vector<16xi32>
        %broadcast_in_dim3A_639 = arith.constant 4 : i32
        %broadcast_in_dim3A_640 = vector.broadcast %broadcast_in_dim3A_639 : i32 to vector<16xi32>
        %add3A_641 = arith.constant 0 : i32
        %add3A_642 = vector.broadcast %add3A_641 : i32 to vector<16xi32>
        %add3A_643 = arith.addi %iota3A, %add3A_642 : vector<16xi32>
        %gather3A = tpu.vector_load_idx %arg8[%broadcast_in_dim3A_640, %add3A_643, %broadcast_in_dim3A_638] : memref<7x64x128xf32, #tpu.memory_space<vmem>>[vector<16xi32>, vector<16xi32>, vector<16xi32>], vector<16xf32>,
        %swap3A = arith.index_cast %while3A_632 : i32 to index
        %swap3A_644 = arith.constant 0 : index
        %swap3A_645 = tpu.vector_load %arg9[%swap3A, %swap3A_644] {strides = array<i32>} : memref<512x128xf32, #tpu.memory_space<vmem>>, vector<16xf32>,
        tpu.vector_store %arg9[%swap3A, %swap3A_644], %gather3A {strides = array<i32>} : memref<512x128xf32, #tpu.memory_space<vmem>>, vector<16xf32>,
        %add3A_646 = arith.constant 16 : i32
        %add3A_647 = vector.broadcast %add3A_646 : i32 to vector<16xi32>
        %add3A_648 = arith.addi %iota3A, %add3A_647 : vector<16xi32>
        %gather3A_649 = tpu.vector_load_idx %arg8[%broadcast_in_dim3A_640, %add3A_648, %broadcast_in_dim3A_638] : memref<7x64x128xf32, #tpu.memory_space<vmem>>[vector<16xi32>, vector<16xi32>, vector<16xi32>], vector<16xf32>,
        %swap3A_650 = arith.index_cast %while3A_632 : i32 to index
        %swap3A_651 = arith.constant 16 : index
        %swap3A_652 = tpu.vector_load %arg9[%swap3A_650, %swap3A_651] {strides = array<i32>} : memref<512x128xf32, #tpu.memory_space<vmem>>, vector<16xf32>,
        tpu.vector_store %arg9[%swap3A_650, %swap3A_651], %gather3A_649 {strides = array<i32>} : memref<512x128xf32, #tpu.memory_space<vmem>>, vector<16xf32>,
        %add3A_653 = arith.constant 32 : i32
        %add3A_654 = vector.broadcast %add3A_653 : i32 to vector<16xi32>
        %add3A_655 = arith.addi %iota3A, %add3A_654 : vector<16xi32>
        %gather3A_656 = tpu.vector_load_idx %arg8[%broadcast_in_dim3A_640, %add3A_655, %broadcast_in_dim3A_638] : memref<7x64x128xf32, #tpu.memory_space<vmem>>[vector<16xi32>, vector<16xi32>, vector<16xi32>], vector<16xf32>,
        %swap3A_657 = arith.index_cast %while3A_632 : i32 to index
        %swap3A_658 = arith.constant 32 : index
        %swap3A_659 = tpu.vector_load %arg9[%swap3A_657, %swap3A_658] {strides = array<i32>} : memref<512x128xf32, #tpu.memory_space<vmem>>, vector<16xf32>,
        tpu.vector_store %arg9[%swap3A_657, %swap3A_658], %gather3A_656 {strides = array<i32>} : memref<512x128xf32, #tpu.memory_space<vmem>>, vector<16xf32>,
        %add3A_660 = arith.constant 48 : i32
        %add3A_661 = vector.broadcast %add3A_660 : i32 to vector<16xi32>
        %add3A_662 = arith.addi %iota3A, %add3A_661 : vector<16xi32>
        %gather3A_663 = tpu.vector_load_idx %arg8[%broadcast_in_dim3A_640, %add3A_662, %broadcast_in_dim3A_638] : memref<7x64x128xf32, #tpu.memory_space<vmem>>[vector<16xi32>, vector<16xi32>, vector<16xi32>], vector<16xf32>,
        %swap3A_664 = arith.index_cast %while3A_632 : i32 to index
        %swap3A_665 = arith.constant 48 : index
        %swap3A_666 = tpu.vector_load %arg9[%swap3A_664, %swap3A_665] {strides = array<i32>} : memref<512x128xf32, #tpu.memory_space<vmem>>, vector<16xf32>,
        tpu.vector_store %arg9[%swap3A_664, %swap3A_665], %gather3A_663 {strides = array<i32>} : memref<512x128xf32, #tpu.memory_space<vmem>>, vector<16xf32>,
      }
      %while3A_511 = arith.constant 1 : i32
      scf.for %while3A_632 = %while3A_509 to %while3A_505 step %while3A_511  : i32 {
        %get3A_633 = arith.index_cast %while3A_632 : i32 to index
        %get3A_634 = tpu.vector_load %arg5[%get3A_633] {strides = array<i32>} : memref<528xi32, #tpu.memory_space<vmem>>, vector<16xi32>,
        %slice3A_635 = vector.extract_strided_slice %get3A_634 {offsets = [0], sizes = [1], strides = [1]} : vector<16xi32> to vector<1xi32>
        %squeeze3A_636 = vector.extract %slice3A_635[0] : i32 from vector<1xi32>
        %and3A = arith.constant 127 : i32
        %and3A_637 = arith.andi %squeeze3A_636, %and3A : i32
        %broadcast_in_dim3A_638 = vector.broadcast %and3A_637 : i32 to vector<16xi32>
        %broadcast_in_dim3A_639 = arith.constant 4 : i32
        %broadcast_in_dim3A_640 = vector.broadcast %broadcast_in_dim3A_639 : i32 to vector<16xi32>
        %add3A_641 = arith.constant 0 : i32
        %add3A_642 = vector.broadcast %add3A_641 : i32 to vector<16xi32>
        %add3A_643 = arith.addi %iota3A, %add3A_642 : vector<16xi32>
        %gather3A = tpu.vector_load_idx %arg8[%broadcast_in_dim3A_640, %add3A_643, %broadcast_in_dim3A_638] : memref<7x64x128xf32, #tpu.memory_space<vmem>>[vector<16xi32>, vector<16xi32>, vector<16xi32>], vector<16xf32>,
        %swap3A = arith.index_cast %while3A_632 : i32 to index
        %swap3A_644 = arith.constant 0 : index
        %swap3A_645 = tpu.vector_load %arg9[%swap3A, %swap3A_644] {strides = array<i32>} : memref<512x128xf32, #tpu.memory_space<vmem>>, vector<16xf32>,
        tpu.vector_store %arg9[%swap3A, %swap3A_644], %gather3A {strides = array<i32>} : memref<512x128xf32, #tpu.memory_space<vmem>>, vector<16xf32>,
        %add3A_646 = arith.constant 16 : i32
        %add3A_647 = vector.broadcast %add3A_646 : i32 to vector<16xi32>
        %add3A_648 = arith.addi %iota3A, %add3A_647 : vector<16xi32>
        %gather3A_649 = tpu.vector_load_idx %arg8[%broadcast_in_dim3A_640, %add3A_648, %broadcast_in_dim3A_638] : memref<7x64x128xf32, #tpu.memory_space<vmem>>[vector<16xi32>, vector<16xi32>, vector<16xi32>], vector<16xf32>,
        %swap3A_650 = arith.index_cast %while3A_632 : i32 to index
        %swap3A_651 = arith.constant 16 : index
        %swap3A_652 = tpu.vector_load %arg9[%swap3A_650, %swap3A_651] {strides = array<i32>} : memref<512x128xf32, #tpu.memory_space<vmem>>, vector<16xf32>,
        tpu.vector_store %arg9[%swap3A_650, %swap3A_651], %gather3A_649 {strides = array<i32>} : memref<512x128xf32, #tpu.memory_space<vmem>>, vector<16xf32>,
        %add3A_653 = arith.constant 32 : i32
        %add3A_654 = vector.broadcast %add3A_653 : i32 to vector<16xi32>
        %add3A_655 = arith.addi %iota3A, %add3A_654 : vector<16xi32>
        %gather3A_656 = tpu.vector_load_idx %arg8[%broadcast_in_dim3A_640, %add3A_655, %broadcast_in_dim3A_638] : memref<7x64x128xf32, #tpu.memory_space<vmem>>[vector<16xi32>, vector<16xi32>, vector<16xi32>], vector<16xf32>,
        %swap3A_657 = arith.index_cast %while3A_632 : i32 to index
        %swap3A_658 = arith.constant 32 : index
        %swap3A_659 = tpu.vector_load %arg9[%swap3A_657, %swap3A_658] {strides = array<i32>} : memref<512x128xf32, #tpu.memory_space<vmem>>, vector<16xf32>,
        tpu.vector_store %arg9[%swap3A_657, %swap3A_658], %gather3A_656 {strides = array<i32>} : memref<512x128xf32, #tpu.memory_space<vmem>>, vector<16xf32>,
        %add3A_660 = arith.constant 48 : i32
        %add3A_661 = vector.broadcast %add3A_660 : i32 to vector<16xi32>
        %add3A_662 = arith.addi %iota3A, %add3A_661 : vector<16xi32>
        %gather3A_663 = tpu.vector_load_idx %arg8[%broadcast_in_dim3A_640, %add3A_662, %broadcast_in_dim3A_638] : memref<7x64x128xf32, #tpu.memory_space<vmem>>[vector<16xi32>, vector<16xi32>, vector<16xi32>], vector<16xf32>,
        %swap3A_664 = arith.index_cast %while3A_632 : i32 to index
        %swap3A_665 = arith.constant 48 : index
        %swap3A_666 = tpu.vector_load %arg9[%swap3A_664, %swap3A_665] {strides = array<i32>} : memref<512x128xf32, #tpu.memory_space<vmem>>, vector<16xf32>,
        tpu.vector_store %arg9[%swap3A_664, %swap3A_665], %gather3A_663 {strides = array<i32>} : memref<512x128xf32, #tpu.memory_space<vmem>>, vector<16xf32>,
      }
      %slice3A_512 = vector.extract_strided_slice %get3A_288 {offsets = [4], sizes = [1], strides = [1]} : vector<16xi32> to vector<1xi32>
      %squeeze3A_513 = vector.extract %slice3A_512[0] : i32 from vector<1xi32>
      %min3A_514 = arith.constant 7812 : i32
      %min3A_515 = arith.minsi %squeeze3A_513, %min3A_514 : i32
      %max3A_516 = arith.constant 0 : i32
      %max3A_517 = arith.maxsi %min3A_515, %max3A_516 : i32
      %shift_left3A_518 = arith.constant 7 : i32
      %shift_left3A_519 = arith.shli %max3A_517, %shift_left3A_518 : i32
      %multiple_of3A_520 = tpu.assume_multiple %shift_left3A_519, 128 : i32
      %dma_start3A_521 = arith.constant 4 : i32
      %dma_start3A_522 = arith.constant 0 : i32
      %dma_start3A_523 = arith.constant 0 : i32
      %dma_start3A_524 = tpu.memref_slice %arg8[%dma_start3A_521, %dma_start3A_522, %dma_start3A_523] : memref<7x64x128xf32, #tpu.memory_space<vmem>> -> memref<1x64x128xf32, #tpu.memory_space<vmem>>
      %dma_start3A_525 = tpu.memref_squeeze %dma_start3A_524 : memref<1x64x128xf32, #tpu.memory_space<vmem>> -> memref<64x128xf32, #tpu.memory_space<vmem>>
      %dma_start3A_526 = arith.constant 0 : i32
      %dma_start3A_527 = tpu.memref_slice %arg3[%dma_start3A_526, %multiple_of3A_520] : memref<64x1000000xf32, #tpu.memory_space<hbm>> -> memref<64x128xf32, #tpu.memory_space<hbm>>
      %dma_start3A_528 = arith.constant 0 : i32
      %dma_start3A_529 = arith.constant 0 : i32
      %dma_start3A_530 = tpu.memref_slice %arg8[%dma_start3A_521, %dma_start3A_528, %dma_start3A_529] : memref<7x64x128xf32, #tpu.memory_space<vmem>> -> memref<1x64x128xf32, #tpu.memory_space<vmem>>
      %dma_start3A_531 = tpu.memref_squeeze %dma_start3A_530 : memref<1x64x128xf32, #tpu.memory_space<vmem>> -> memref<64x128xf32, #tpu.memory_space<vmem>>
      %dma_start3A_532 = arith.constant 0 : i32
      %dma_start3A_533 = tpu.memref_slice %arg3[%dma_start3A_532, %multiple_of3A_520] : memref<64x1000000xf32, #tpu.memory_space<hbm>> -> memref<64x128xf32, #tpu.memory_space<hbm>>
      tpu.enqueue_dma source(%dma_start3A_533 : memref<64x128xf32, #tpu.memory_space<hbm>>) target(%dma_start3A_531 : memref<64x128xf32, #tpu.memory_space<vmem>>) target_semaphore(%arg14 : memref<!tpu.dma_semaphore, #tpu.memory_space<semaphore_mem>>)
      %dma_wait3A_534 = arith.constant 5 : i32
      %dma_wait3A_535 = arith.constant 0 : i32
      %dma_wait3A_536 = arith.constant 0 : i32
      %dma_wait3A_537 = tpu.memref_slice %arg8[%dma_wait3A_534, %dma_wait3A_535, %dma_wait3A_536] : memref<7x64x128xf32, #tpu.memory_space<vmem>> -> memref<1x64x128xf32, #tpu.memory_space<vmem>>
      %dma_wait3A_538 = tpu.memref_squeeze %dma_wait3A_537 : memref<1x64x128xf32, #tpu.memory_space<vmem>> -> memref<64x128xf32, #tpu.memory_space<vmem>>
      %dma_wait3A_539 = arith.constant 0 : i32
      %dma_wait3A_540 = arith.constant 0 : i32
      %dma_wait3A_541 = tpu.memref_slice %arg3[%dma_wait3A_539, %dma_wait3A_540] : memref<64x1000000xf32, #tpu.memory_space<hbm>> -> memref<64x128xf32, #tpu.memory_space<hbm>>
      %dma_wait3A_542 = arith.constant 0 : i32
      %dma_wait3A_543 = arith.constant 0 : i32
      %dma_wait3A_544 = tpu.memref_slice %arg8[%dma_wait3A_534, %dma_wait3A_542, %dma_wait3A_543] : memref<7x64x128xf32, #tpu.memory_space<vmem>> -> memref<1x64x128xf32, #tpu.memory_space<vmem>>
      %dma_wait3A_545 = tpu.memref_squeeze %dma_wait3A_544 : memref<1x64x128xf32, #tpu.memory_space<vmem>> -> memref<64x128xf32, #tpu.memory_space<vmem>>
      %dma_wait3A_546 = arith.constant 0 : i32
      %dma_wait3A_547 = arith.constant 0 : i32
      %dma_wait3A_548 = tpu.memref_slice %arg3[%dma_wait3A_546, %dma_wait3A_547] : memref<64x1000000xf32, #tpu.memory_space<hbm>> -> memref<64x128xf32, #tpu.memory_space<hbm>>
      tpu.wait_dma2 semaphore(%arg15 : memref<!tpu.dma_semaphore, #tpu.memory_space<semaphore_mem>>) src(%dma_wait3A_548 : memref<64x128xf32, #tpu.memory_space<hbm>>) dst(%dma_wait3A_545 : memref<64x128xf32, #tpu.memory_space<vmem>>)
      %slice3A_549 = vector.extract_strided_slice %get3A_282 {offsets = [5], sizes = [1], strides = [1]} : vector<16xi32> to vector<1xi32>
      %squeeze3A_550 = vector.extract %slice3A_549[0] : i32 from vector<1xi32>
      %slice3A_551 = vector.extract_strided_slice %get3A_282 {offsets = [6], sizes = [1], strides = [1]} : vector<16xi32> to vector<1xi32>
      %squeeze3A_552 = vector.extract %slice3A_551[0] : i32 from vector<1xi32>
      %while3A_553 = arith.subi %squeeze3A_552, %squeeze3A_550 : i32
      %while3A_554 = arith.addi %squeeze3A_550, %while3A_553 : i32
      %while3A_555 = arith.constant 1 : i32
      %while3A_556 = arith.divsi %while3A_553, %while3A_555 : i32
      %while3A_557 = arith.muli %while3A_556, %while3A_555 : i32
      %while3A_558 = arith.addi %squeeze3A_550, %while3A_557 : i32
      %while3A_559 = arith.constant 1 : i32
      scf.for %while3A_632 = %squeeze3A_550 to %while3A_558 step %while3A_559  : i32 {
        %get3A_633 = arith.index_cast %while3A_632 : i32 to index
        %get3A_634 = tpu.vector_load %arg5[%get3A_633] {strides = array<i32>} : memref<528xi32, #tpu.memory_space<vmem>>, vector<16xi32>,
        %slice3A_635 = vector.extract_strided_slice %get3A_634 {offsets = [0], sizes = [1], strides = [1]} : vector<16xi32> to vector<1xi32>
        %squeeze3A_636 = vector.extract %slice3A_635[0] : i32 from vector<1xi32>
        %and3A = arith.constant 127 : i32
        %and3A_637 = arith.andi %squeeze3A_636, %and3A : i32
        %broadcast_in_dim3A_638 = vector.broadcast %and3A_637 : i32 to vector<16xi32>
        %broadcast_in_dim3A_639 = arith.constant 5 : i32
        %broadcast_in_dim3A_640 = vector.broadcast %broadcast_in_dim3A_639 : i32 to vector<16xi32>
        %add3A_641 = arith.constant 0 : i32
        %add3A_642 = vector.broadcast %add3A_641 : i32 to vector<16xi32>
        %add3A_643 = arith.addi %iota3A, %add3A_642 : vector<16xi32>
        %gather3A = tpu.vector_load_idx %arg8[%broadcast_in_dim3A_640, %add3A_643, %broadcast_in_dim3A_638] : memref<7x64x128xf32, #tpu.memory_space<vmem>>[vector<16xi32>, vector<16xi32>, vector<16xi32>], vector<16xf32>,
        %swap3A = arith.index_cast %while3A_632 : i32 to index
        %swap3A_644 = arith.constant 0 : index
        %swap3A_645 = tpu.vector_load %arg9[%swap3A, %swap3A_644] {strides = array<i32>} : memref<512x128xf32, #tpu.memory_space<vmem>>, vector<16xf32>,
        tpu.vector_store %arg9[%swap3A, %swap3A_644], %gather3A {strides = array<i32>} : memref<512x128xf32, #tpu.memory_space<vmem>>, vector<16xf32>,
        %add3A_646 = arith.constant 16 : i32
        %add3A_647 = vector.broadcast %add3A_646 : i32 to vector<16xi32>
        %add3A_648 = arith.addi %iota3A, %add3A_647 : vector<16xi32>
        %gather3A_649 = tpu.vector_load_idx %arg8[%broadcast_in_dim3A_640, %add3A_648, %broadcast_in_dim3A_638] : memref<7x64x128xf32, #tpu.memory_space<vmem>>[vector<16xi32>, vector<16xi32>, vector<16xi32>], vector<16xf32>,
        %swap3A_650 = arith.index_cast %while3A_632 : i32 to index
        %swap3A_651 = arith.constant 16 : index
        %swap3A_652 = tpu.vector_load %arg9[%swap3A_650, %swap3A_651] {strides = array<i32>} : memref<512x128xf32, #tpu.memory_space<vmem>>, vector<16xf32>,
        tpu.vector_store %arg9[%swap3A_650, %swap3A_651], %gather3A_649 {strides = array<i32>} : memref<512x128xf32, #tpu.memory_space<vmem>>, vector<16xf32>,
        %add3A_653 = arith.constant 32 : i32
        %add3A_654 = vector.broadcast %add3A_653 : i32 to vector<16xi32>
        %add3A_655 = arith.addi %iota3A, %add3A_654 : vector<16xi32>
        %gather3A_656 = tpu.vector_load_idx %arg8[%broadcast_in_dim3A_640, %add3A_655, %broadcast_in_dim3A_638] : memref<7x64x128xf32, #tpu.memory_space<vmem>>[vector<16xi32>, vector<16xi32>, vector<16xi32>], vector<16xf32>,
        %swap3A_657 = arith.index_cast %while3A_632 : i32 to index
        %swap3A_658 = arith.constant 32 : index
        %swap3A_659 = tpu.vector_load %arg9[%swap3A_657, %swap3A_658] {strides = array<i32>} : memref<512x128xf32, #tpu.memory_space<vmem>>, vector<16xf32>,
        tpu.vector_store %arg9[%swap3A_657, %swap3A_658], %gather3A_656 {strides = array<i32>} : memref<512x128xf32, #tpu.memory_space<vmem>>, vector<16xf32>,
        %add3A_660 = arith.constant 48 : i32
        %add3A_661 = vector.broadcast %add3A_660 : i32 to vector<16xi32>
        %add3A_662 = arith.addi %iota3A, %add3A_661 : vector<16xi32>
        %gather3A_663 = tpu.vector_load_idx %arg8[%broadcast_in_dim3A_640, %add3A_662, %broadcast_in_dim3A_638] : memref<7x64x128xf32, #tpu.memory_space<vmem>>[vector<16xi32>, vector<16xi32>, vector<16xi32>], vector<16xf32>,
        %swap3A_664 = arith.index_cast %while3A_632 : i32 to index
        %swap3A_665 = arith.constant 48 : index
        %swap3A_666 = tpu.vector_load %arg9[%swap3A_664, %swap3A_665] {strides = array<i32>} : memref<512x128xf32, #tpu.memory_space<vmem>>, vector<16xf32>,
        tpu.vector_store %arg9[%swap3A_664, %swap3A_665], %gather3A_663 {strides = array<i32>} : memref<512x128xf32, #tpu.memory_space<vmem>>, vector<16xf32>,
      }
      %while3A_560 = arith.constant 1 : i32
      scf.for %while3A_632 = %while3A_558 to %while3A_554 step %while3A_560  : i32 {
        %get3A_633 = arith.index_cast %while3A_632 : i32 to index
        %get3A_634 = tpu.vector_load %arg5[%get3A_633] {strides = array<i32>} : memref<528xi32, #tpu.memory_space<vmem>>, vector<16xi32>,
        %slice3A_635 = vector.extract_strided_slice %get3A_634 {offsets = [0], sizes = [1], strides = [1]} : vector<16xi32> to vector<1xi32>
        %squeeze3A_636 = vector.extract %slice3A_635[0] : i32 from vector<1xi32>
        %and3A = arith.constant 127 : i32
        %and3A_637 = arith.andi %squeeze3A_636, %and3A : i32
        %broadcast_in_dim3A_638 = vector.broadcast %and3A_637 : i32 to vector<16xi32>
        %broadcast_in_dim3A_639 = arith.constant 5 : i32
        %broadcast_in_dim3A_640 = vector.broadcast %broadcast_in_dim3A_639 : i32 to vector<16xi32>
        %add3A_641 = arith.constant 0 : i32
        %add3A_642 = vector.broadcast %add3A_641 : i32 to vector<16xi32>
        %add3A_643 = arith.addi %iota3A, %add3A_642 : vector<16xi32>
        %gather3A = tpu.vector_load_idx %arg8[%broadcast_in_dim3A_640, %add3A_643, %broadcast_in_dim3A_638] : memref<7x64x128xf32, #tpu.memory_space<vmem>>[vector<16xi32>, vector<16xi32>, vector<16xi32>], vector<16xf32>,
        %swap3A = arith.index_cast %while3A_632 : i32 to index
        %swap3A_644 = arith.constant 0 : index
        %swap3A_645 = tpu.vector_load %arg9[%swap3A, %swap3A_644] {strides = array<i32>} : memref<512x128xf32, #tpu.memory_space<vmem>>, vector<16xf32>,
        tpu.vector_store %arg9[%swap3A, %swap3A_644], %gather3A {strides = array<i32>} : memref<512x128xf32, #tpu.memory_space<vmem>>, vector<16xf32>,
        %add3A_646 = arith.constant 16 : i32
        %add3A_647 = vector.broadcast %add3A_646 : i32 to vector<16xi32>
        %add3A_648 = arith.addi %iota3A, %add3A_647 : vector<16xi32>
        %gather3A_649 = tpu.vector_load_idx %arg8[%broadcast_in_dim3A_640, %add3A_648, %broadcast_in_dim3A_638] : memref<7x64x128xf32, #tpu.memory_space<vmem>>[vector<16xi32>, vector<16xi32>, vector<16xi32>], vector<16xf32>,
        %swap3A_650 = arith.index_cast %while3A_632 : i32 to index
        %swap3A_651 = arith.constant 16 : index
        %swap3A_652 = tpu.vector_load %arg9[%swap3A_650, %swap3A_651] {strides = array<i32>} : memref<512x128xf32, #tpu.memory_space<vmem>>, vector<16xf32>,
        tpu.vector_store %arg9[%swap3A_650, %swap3A_651], %gather3A_649 {strides = array<i32>} : memref<512x128xf32, #tpu.memory_space<vmem>>, vector<16xf32>,
        %add3A_653 = arith.constant 32 : i32
        %add3A_654 = vector.broadcast %add3A_653 : i32 to vector<16xi32>
        %add3A_655 = arith.addi %iota3A, %add3A_654 : vector<16xi32>
        %gather3A_656 = tpu.vector_load_idx %arg8[%broadcast_in_dim3A_640, %add3A_655, %broadcast_in_dim3A_638] : memref<7x64x128xf32, #tpu.memory_space<vmem>>[vector<16xi32>, vector<16xi32>, vector<16xi32>], vector<16xf32>,
        %swap3A_657 = arith.index_cast %while3A_632 : i32 to index
        %swap3A_658 = arith.constant 32 : index
        %swap3A_659 = tpu.vector_load %arg9[%swap3A_657, %swap3A_658] {strides = array<i32>} : memref<512x128xf32, #tpu.memory_space<vmem>>, vector<16xf32>,
        tpu.vector_store %arg9[%swap3A_657, %swap3A_658], %gather3A_656 {strides = array<i32>} : memref<512x128xf32, #tpu.memory_space<vmem>>, vector<16xf32>,
        %add3A_660 = arith.constant 48 : i32
        %add3A_661 = vector.broadcast %add3A_660 : i32 to vector<16xi32>
        %add3A_662 = arith.addi %iota3A, %add3A_661 : vector<16xi32>
        %gather3A_663 = tpu.vector_load_idx %arg8[%broadcast_in_dim3A_640, %add3A_662, %broadcast_in_dim3A_638] : memref<7x64x128xf32, #tpu.memory_space<vmem>>[vector<16xi32>, vector<16xi32>, vector<16xi32>], vector<16xf32>,
        %swap3A_664 = arith.index_cast %while3A_632 : i32 to index
        %swap3A_665 = arith.constant 48 : index
        %swap3A_666 = tpu.vector_load %arg9[%swap3A_664, %swap3A_665] {strides = array<i32>} : memref<512x128xf32, #tpu.memory_space<vmem>>, vector<16xf32>,
        tpu.vector_store %arg9[%swap3A_664, %swap3A_665], %gather3A_663 {strides = array<i32>} : memref<512x128xf32, #tpu.memory_space<vmem>>, vector<16xf32>,
      }
      %slice3A_561 = vector.extract_strided_slice %get3A_288 {offsets = [5], sizes = [1], strides = [1]} : vector<16xi32> to vector<1xi32>
      %squeeze3A_562 = vector.extract %slice3A_561[0] : i32 from vector<1xi32>
      %min3A_563 = arith.constant 7812 : i32
      %min3A_564 = arith.minsi %squeeze3A_562, %min3A_563 : i32
      %max3A_565 = arith.constant 0 : i32
      %max3A_566 = arith.maxsi %min3A_564, %max3A_565 : i32
      %shift_left3A_567 = arith.constant 7 : i32
      %shift_left3A_568 = arith.shli %max3A_566, %shift_left3A_567 : i32
      %multiple_of3A_569 = tpu.assume_multiple %shift_left3A_568, 128 : i32
      %dma_start3A_570 = arith.constant 5 : i32
      %dma_start3A_571 = arith.constant 0 : i32
      %dma_start3A_572 = arith.constant 0 : i32
      %dma_start3A_573 = tpu.memref_slice %arg8[%dma_start3A_570, %dma_start3A_571, %dma_start3A_572] : memref<7x64x128xf32, #tpu.memory_space<vmem>> -> memref<1x64x128xf32, #tpu.memory_space<vmem>>
      %dma_start3A_574 = tpu.memref_squeeze %dma_start3A_573 : memref<1x64x128xf32, #tpu.memory_space<vmem>> -> memref<64x128xf32, #tpu.memory_space<vmem>>
      %dma_start3A_575 = arith.constant 0 : i32
      %dma_start3A_576 = tpu.memref_slice %arg3[%dma_start3A_575, %multiple_of3A_569] : memref<64x1000000xf32, #tpu.memory_space<hbm>> -> memref<64x128xf32, #tpu.memory_space<hbm>>
      %dma_start3A_577 = arith.constant 0 : i32
      %dma_start3A_578 = arith.constant 0 : i32
      %dma_start3A_579 = tpu.memref_slice %arg8[%dma_start3A_570, %dma_start3A_577, %dma_start3A_578] : memref<7x64x128xf32, #tpu.memory_space<vmem>> -> memref<1x64x128xf32, #tpu.memory_space<vmem>>
      %dma_start3A_580 = tpu.memref_squeeze %dma_start3A_579 : memref<1x64x128xf32, #tpu.memory_space<vmem>> -> memref<64x128xf32, #tpu.memory_space<vmem>>
      %dma_start3A_581 = arith.constant 0 : i32
      %dma_start3A_582 = tpu.memref_slice %arg3[%dma_start3A_581, %multiple_of3A_569] : memref<64x1000000xf32, #tpu.memory_space<hbm>> -> memref<64x128xf32, #tpu.memory_space<hbm>>
      tpu.enqueue_dma source(%dma_start3A_582 : memref<64x128xf32, #tpu.memory_space<hbm>>) target(%dma_start3A_580 : memref<64x128xf32, #tpu.memory_space<vmem>>) target_semaphore(%arg15 : memref<!tpu.dma_semaphore, #tpu.memory_space<semaphore_mem>>)
      %dma_wait3A_583 = arith.constant 6 : i32
      %dma_wait3A_584 = arith.constant 0 : i32
      %dma_wait3A_585 = arith.constant 0 : i32
      %dma_wait3A_586 = tpu.memref_slice %arg8[%dma_wait3A_583, %dma_wait3A_584, %dma_wait3A_585] : memref<7x64x128xf32, #tpu.memory_space<vmem>> -> memref<1x64x128xf32, #tpu.memory_space<vmem>>
      %dma_wait3A_587 = tpu.memref_squeeze %dma_wait3A_586 : memref<1x64x128xf32, #tpu.memory_space<vmem>> -> memref<64x128xf32, #tpu.memory_space<vmem>>
      %dma_wait3A_588 = arith.constant 0 : i32
      %dma_wait3A_589 = arith.constant 0 : i32
      %dma_wait3A_590 = tpu.memref_slice %arg3[%dma_wait3A_588, %dma_wait3A_589] : memref<64x1000000xf32, #tpu.memory_space<hbm>> -> memref<64x128xf32, #tpu.memory_space<hbm>>
      %dma_wait3A_591 = arith.constant 0 : i32
      %dma_wait3A_592 = arith.constant 0 : i32
      %dma_wait3A_593 = tpu.memref_slice %arg8[%dma_wait3A_583, %dma_wait3A_591, %dma_wait3A_592] : memref<7x64x128xf32, #tpu.memory_space<vmem>> -> memref<1x64x128xf32, #tpu.memory_space<vmem>>
      %dma_wait3A_594 = tpu.memref_squeeze %dma_wait3A_593 : memref<1x64x128xf32, #tpu.memory_space<vmem>> -> memref<64x128xf32, #tpu.memory_space<vmem>>
      %dma_wait3A_595 = arith.constant 0 : i32
      %dma_wait3A_596 = arith.constant 0 : i32
      %dma_wait3A_597 = tpu.memref_slice %arg3[%dma_wait3A_595, %dma_wait3A_596] : memref<64x1000000xf32, #tpu.memory_space<hbm>> -> memref<64x128xf32, #tpu.memory_space<hbm>>
      tpu.wait_dma2 semaphore(%arg16 : memref<!tpu.dma_semaphore, #tpu.memory_space<semaphore_mem>>) src(%dma_wait3A_597 : memref<64x128xf32, #tpu.memory_space<hbm>>) dst(%dma_wait3A_594 : memref<64x128xf32, #tpu.memory_space<vmem>>)
      %slice3A_598 = vector.extract_strided_slice %get3A_282 {offsets = [6], sizes = [1], strides = [1]} : vector<16xi32> to vector<1xi32>
      %squeeze3A_599 = vector.extract %slice3A_598[0] : i32 from vector<1xi32>
      %slice3A_600 = vector.extract_strided_slice %get3A_282 {offsets = [7], sizes = [1], strides = [1]} : vector<16xi32> to vector<1xi32>
      %squeeze3A_601 = vector.extract %slice3A_600[0] : i32 from vector<1xi32>
      %while3A_602 = arith.subi %squeeze3A_601, %squeeze3A_599 : i32
      %while3A_603 = arith.addi %squeeze3A_599, %while3A_602 : i32
      %while3A_604 = arith.constant 1 : i32
      %while3A_605 = arith.divsi %while3A_602, %while3A_604 : i32
      %while3A_606 = arith.muli %while3A_605, %while3A_604 : i32
      %while3A_607 = arith.addi %squeeze3A_599, %while3A_606 : i32
      %while3A_608 = arith.constant 1 : i32
      scf.for %while3A_632 = %squeeze3A_599 to %while3A_607 step %while3A_608  : i32 {
        %get3A_633 = arith.index_cast %while3A_632 : i32 to index
        %get3A_634 = tpu.vector_load %arg5[%get3A_633] {strides = array<i32>} : memref<528xi32, #tpu.memory_space<vmem>>, vector<16xi32>,
        %slice3A_635 = vector.extract_strided_slice %get3A_634 {offsets = [0], sizes = [1], strides = [1]} : vector<16xi32> to vector<1xi32>
        %squeeze3A_636 = vector.extract %slice3A_635[0] : i32 from vector<1xi32>
        %and3A = arith.constant 127 : i32
        %and3A_637 = arith.andi %squeeze3A_636, %and3A : i32
        %broadcast_in_dim3A_638 = vector.broadcast %and3A_637 : i32 to vector<16xi32>
        %broadcast_in_dim3A_639 = arith.constant 6 : i32
        %broadcast_in_dim3A_640 = vector.broadcast %broadcast_in_dim3A_639 : i32 to vector<16xi32>
        %add3A_641 = arith.constant 0 : i32
        %add3A_642 = vector.broadcast %add3A_641 : i32 to vector<16xi32>
        %add3A_643 = arith.addi %iota3A, %add3A_642 : vector<16xi32>
        %gather3A = tpu.vector_load_idx %arg8[%broadcast_in_dim3A_640, %add3A_643, %broadcast_in_dim3A_638] : memref<7x64x128xf32, #tpu.memory_space<vmem>>[vector<16xi32>, vector<16xi32>, vector<16xi32>], vector<16xf32>,
        %swap3A = arith.index_cast %while3A_632 : i32 to index
        %swap3A_644 = arith.constant 0 : index
        %swap3A_645 = tpu.vector_load %arg9[%swap3A, %swap3A_644] {strides = array<i32>} : memref<512x128xf32, #tpu.memory_space<vmem>>, vector<16xf32>,
        tpu.vector_store %arg9[%swap3A, %swap3A_644], %gather3A {strides = array<i32>} : memref<512x128xf32, #tpu.memory_space<vmem>>, vector<16xf32>,
        %add3A_646 = arith.constant 16 : i32
        %add3A_647 = vector.broadcast %add3A_646 : i32 to vector<16xi32>
        %add3A_648 = arith.addi %iota3A, %add3A_647 : vector<16xi32>
        %gather3A_649 = tpu.vector_load_idx %arg8[%broadcast_in_dim3A_640, %add3A_648, %broadcast_in_dim3A_638] : memref<7x64x128xf32, #tpu.memory_space<vmem>>[vector<16xi32>, vector<16xi32>, vector<16xi32>], vector<16xf32>,
        %swap3A_650 = arith.index_cast %while3A_632 : i32 to index
        %swap3A_651 = arith.constant 16 : index
        %swap3A_652 = tpu.vector_load %arg9[%swap3A_650, %swap3A_651] {strides = array<i32>} : memref<512x128xf32, #tpu.memory_space<vmem>>, vector<16xf32>,
        tpu.vector_store %arg9[%swap3A_650, %swap3A_651], %gather3A_649 {strides = array<i32>} : memref<512x128xf32, #tpu.memory_space<vmem>>, vector<16xf32>,
        %add3A_653 = arith.constant 32 : i32
        %add3A_654 = vector.broadcast %add3A_653 : i32 to vector<16xi32>
        %add3A_655 = arith.addi %iota3A, %add3A_654 : vector<16xi32>
        %gather3A_656 = tpu.vector_load_idx %arg8[%broadcast_in_dim3A_640, %add3A_655, %broadcast_in_dim3A_638] : memref<7x64x128xf32, #tpu.memory_space<vmem>>[vector<16xi32>, vector<16xi32>, vector<16xi32>], vector<16xf32>,
        %swap3A_657 = arith.index_cast %while3A_632 : i32 to index
        %swap3A_658 = arith.constant 32 : index
        %swap3A_659 = tpu.vector_load %arg9[%swap3A_657, %swap3A_658] {strides = array<i32>} : memref<512x128xf32, #tpu.memory_space<vmem>>, vector<16xf32>,
        tpu.vector_store %arg9[%swap3A_657, %swap3A_658], %gather3A_656 {strides = array<i32>} : memref<512x128xf32, #tpu.memory_space<vmem>>, vector<16xf32>,
        %add3A_660 = arith.constant 48 : i32
        %add3A_661 = vector.broadcast %add3A_660 : i32 to vector<16xi32>
        %add3A_662 = arith.addi %iota3A, %add3A_661 : vector<16xi32>
        %gather3A_663 = tpu.vector_load_idx %arg8[%broadcast_in_dim3A_640, %add3A_662, %broadcast_in_dim3A_638] : memref<7x64x128xf32, #tpu.memory_space<vmem>>[vector<16xi32>, vector<16xi32>, vector<16xi32>], vector<16xf32>,
        %swap3A_664 = arith.index_cast %while3A_632 : i32 to index
        %swap3A_665 = arith.constant 48 : index
        %swap3A_666 = tpu.vector_load %arg9[%swap3A_664, %swap3A_665] {strides = array<i32>} : memref<512x128xf32, #tpu.memory_space<vmem>>, vector<16xf32>,
        tpu.vector_store %arg9[%swap3A_664, %swap3A_665], %gather3A_663 {strides = array<i32>} : memref<512x128xf32, #tpu.memory_space<vmem>>, vector<16xf32>,
      }
      %while3A_609 = arith.constant 1 : i32
      scf.for %while3A_632 = %while3A_607 to %while3A_603 step %while3A_609  : i32 {
        %get3A_633 = arith.index_cast %while3A_632 : i32 to index
        %get3A_634 = tpu.vector_load %arg5[%get3A_633] {strides = array<i32>} : memref<528xi32, #tpu.memory_space<vmem>>, vector<16xi32>,
        %slice3A_635 = vector.extract_strided_slice %get3A_634 {offsets = [0], sizes = [1], strides = [1]} : vector<16xi32> to vector<1xi32>
        %squeeze3A_636 = vector.extract %slice3A_635[0] : i32 from vector<1xi32>
        %and3A = arith.constant 127 : i32
        %and3A_637 = arith.andi %squeeze3A_636, %and3A : i32
        %broadcast_in_dim3A_638 = vector.broadcast %and3A_637 : i32 to vector<16xi32>
        %broadcast_in_dim3A_639 = arith.constant 6 : i32
        %broadcast_in_dim3A_640 = vector.broadcast %broadcast_in_dim3A_639 : i32 to vector<16xi32>
        %add3A_641 = arith.constant 0 : i32
        %add3A_642 = vector.broadcast %add3A_641 : i32 to vector<16xi32>
        %add3A_643 = arith.addi %iota3A, %add3A_642 : vector<16xi32>
        %gather3A = tpu.vector_load_idx %arg8[%broadcast_in_dim3A_640, %add3A_643, %broadcast_in_dim3A_638] : memref<7x64x128xf32, #tpu.memory_space<vmem>>[vector<16xi32>, vector<16xi32>, vector<16xi32>], vector<16xf32>,
        %swap3A = arith.index_cast %while3A_632 : i32 to index
        %swap3A_644 = arith.constant 0 : index
        %swap3A_645 = tpu.vector_load %arg9[%swap3A, %swap3A_644] {strides = array<i32>} : memref<512x128xf32, #tpu.memory_space<vmem>>, vector<16xf32>,
        tpu.vector_store %arg9[%swap3A, %swap3A_644], %gather3A {strides = array<i32>} : memref<512x128xf32, #tpu.memory_space<vmem>>, vector<16xf32>,
        %add3A_646 = arith.constant 16 : i32
        %add3A_647 = vector.broadcast %add3A_646 : i32 to vector<16xi32>
        %add3A_648 = arith.addi %iota3A, %add3A_647 : vector<16xi32>
        %gather3A_649 = tpu.vector_load_idx %arg8[%broadcast_in_dim3A_640, %add3A_648, %broadcast_in_dim3A_638] : memref<7x64x128xf32, #tpu.memory_space<vmem>>[vector<16xi32>, vector<16xi32>, vector<16xi32>], vector<16xf32>,
        %swap3A_650 = arith.index_cast %while3A_632 : i32 to index
        %swap3A_651 = arith.constant 16 : index
        %swap3A_652 = tpu.vector_load %arg9[%swap3A_650, %swap3A_651] {strides = array<i32>} : memref<512x128xf32, #tpu.memory_space<vmem>>, vector<16xf32>,
        tpu.vector_store %arg9[%swap3A_650, %swap3A_651], %gather3A_649 {strides = array<i32>} : memref<512x128xf32, #tpu.memory_space<vmem>>, vector<16xf32>,
        %add3A_653 = arith.constant 32 : i32
        %add3A_654 = vector.broadcast %add3A_653 : i32 to vector<16xi32>
        %add3A_655 = arith.addi %iota3A, %add3A_654 : vector<16xi32>
        %gather3A_656 = tpu.vector_load_idx %arg8[%broadcast_in_dim3A_640, %add3A_655, %broadcast_in_dim3A_638] : memref<7x64x128xf32, #tpu.memory_space<vmem>>[vector<16xi32>, vector<16xi32>, vector<16xi32>], vector<16xf32>,
        %swap3A_657 = arith.index_cast %while3A_632 : i32 to index
        %swap3A_658 = arith.constant 32 : index
        %swap3A_659 = tpu.vector_load %arg9[%swap3A_657, %swap3A_658] {strides = array<i32>} : memref<512x128xf32, #tpu.memory_space<vmem>>, vector<16xf32>,
        tpu.vector_store %arg9[%swap3A_657, %swap3A_658], %gather3A_656 {strides = array<i32>} : memref<512x128xf32, #tpu.memory_space<vmem>>, vector<16xf32>,
        %add3A_660 = arith.constant 48 : i32
        %add3A_661 = vector.broadcast %add3A_660 : i32 to vector<16xi32>
        %add3A_662 = arith.addi %iota3A, %add3A_661 : vector<16xi32>
        %gather3A_663 = tpu.vector_load_idx %arg8[%broadcast_in_dim3A_640, %add3A_662, %broadcast_in_dim3A_638] : memref<7x64x128xf32, #tpu.memory_space<vmem>>[vector<16xi32>, vector<16xi32>, vector<16xi32>], vector<16xf32>,
        %swap3A_664 = arith.index_cast %while3A_632 : i32 to index
        %swap3A_665 = arith.constant 48 : index
        %swap3A_666 = tpu.vector_load %arg9[%swap3A_664, %swap3A_665] {strides = array<i32>} : memref<512x128xf32, #tpu.memory_space<vmem>>, vector<16xf32>,
        tpu.vector_store %arg9[%swap3A_664, %swap3A_665], %gather3A_663 {strides = array<i32>} : memref<512x128xf32, #tpu.memory_space<vmem>>, vector<16xf32>,
      }
      %slice3A_610 = vector.extract_strided_slice %get3A_288 {offsets = [6], sizes = [1], strides = [1]} : vector<16xi32> to vector<1xi32>
      %squeeze3A_611 = vector.extract %slice3A_610[0] : i32 from vector<1xi32>
      %min3A_612 = arith.constant 7812 : i32
      %min3A_613 = arith.minsi %squeeze3A_611, %min3A_612 : i32
      %max3A_614 = arith.constant 0 : i32
      %max3A_615 = arith.maxsi %min3A_613, %max3A_614 : i32
      %shift_left3A_616 = arith.constant 7 : i32
      %shift_left3A_617 = arith.shli %max3A_615, %shift_left3A_616 : i32
      %multiple_of3A_618 = tpu.assume_multiple %shift_left3A_617, 128 : i32
      %dma_start3A_619 = arith.constant 6 : i32
      %dma_start3A_620 = arith.constant 0 : i32
      %dma_start3A_621 = arith.constant 0 : i32
      %dma_start3A_622 = tpu.memref_slice %arg8[%dma_start3A_619, %dma_start3A_620, %dma_start3A_621] : memref<7x64x128xf32, #tpu.memory_space<vmem>> -> memref<1x64x128xf32, #tpu.memory_space<vmem>>
      %dma_start3A_623 = tpu.memref_squeeze %dma_start3A_622 : memref<1x64x128xf32, #tpu.memory_space<vmem>> -> memref<64x128xf32, #tpu.memory_space<vmem>>
      %dma_start3A_624 = arith.constant 0 : i32
      %dma_start3A_625 = tpu.memref_slice %arg3[%dma_start3A_624, %multiple_of3A_618] : memref<64x1000000xf32, #tpu.memory_space<hbm>> -> memref<64x128xf32, #tpu.memory_space<hbm>>
      %dma_start3A_626 = arith.constant 0 : i32
      %dma_start3A_627 = arith.constant 0 : i32
      %dma_start3A_628 = tpu.memref_slice %arg8[%dma_start3A_619, %dma_start3A_626, %dma_start3A_627] : memref<7x64x128xf32, #tpu.memory_space<vmem>> -> memref<1x64x128xf32, #tpu.memory_space<vmem>>
      %dma_start3A_629 = tpu.memref_squeeze %dma_start3A_628 : memref<1x64x128xf32, #tpu.memory_space<vmem>> -> memref<64x128xf32, #tpu.memory_space<vmem>>
      %dma_start3A_630 = arith.constant 0 : i32
      %dma_start3A_631 = tpu.memref_slice %arg3[%dma_start3A_630, %multiple_of3A_618] : memref<64x1000000xf32, #tpu.memory_space<hbm>> -> memref<64x128xf32, #tpu.memory_space<hbm>>
      tpu.enqueue_dma source(%dma_start3A_631 : memref<64x128xf32, #tpu.memory_space<hbm>>) target(%dma_start3A_629 : memref<64x128xf32, #tpu.memory_space<vmem>>) target_semaphore(%arg16 : memref<!tpu.dma_semaphore, #tpu.memory_space<semaphore_mem>>)
    }
    %dma_wait3A = arith.constant 0 : i32
    %dma_wait3A_174 = arith.constant 0 : i32
    %dma_wait3A_175 = arith.constant 0 : i32
    %dma_wait3A_176 = tpu.memref_slice %arg8[%dma_wait3A, %dma_wait3A_174, %dma_wait3A_175] : memref<7x64x128xf32, #tpu.memory_space<vmem>> -> memref<1x64x128xf32, #tpu.memory_space<vmem>>
    %dma_wait3A_177 = tpu.memref_squeeze %dma_wait3A_176 : memref<1x64x128xf32, #tpu.memory_space<vmem>> -> memref<64x128xf32, #tpu.memory_space<vmem>>
    %dma_wait3A_178 = arith.constant 0 : i32
    %dma_wait3A_179 = arith.constant 0 : i32
    %dma_wait3A_180 = tpu.memref_slice %arg3[%dma_wait3A_178, %dma_wait3A_179] : memref<64x1000000xf32, #tpu.memory_space<hbm>> -> memref<64x128xf32, #tpu.memory_space<hbm>>
    %dma_wait3A_181 = arith.constant 0 : i32
    %dma_wait3A_182 = arith.constant 0 : i32
    %dma_wait3A_183 = tpu.memref_slice %arg8[%dma_wait3A, %dma_wait3A_181, %dma_wait3A_182] : memref<7x64x128xf32, #tpu.memory_space<vmem>> -> memref<1x64x128xf32, #tpu.memory_space<vmem>>
    %dma_wait3A_184 = tpu.memref_squeeze %dma_wait3A_183 : memref<1x64x128xf32, #tpu.memory_space<vmem>> -> memref<64x128xf32, #tpu.memory_space<vmem>>
    %dma_wait3A_185 = arith.constant 0 : i32
    %dma_wait3A_186 = arith.constant 0 : i32
    %dma_wait3A_187 = tpu.memref_slice %arg3[%dma_wait3A_185, %dma_wait3A_186] : memref<64x1000000xf32, #tpu.memory_space<hbm>> -> memref<64x128xf32, #tpu.memory_space<hbm>>
    tpu.wait_dma2 semaphore(%arg10 : memref<!tpu.dma_semaphore, #tpu.memory_space<semaphore_mem>>) src(%dma_wait3A_187 : memref<64x128xf32, #tpu.memory_space<hbm>>) dst(%dma_wait3A_184 : memref<64x128xf32, #tpu.memory_space<vmem>>)
    %dma_wait3A_188 = arith.constant 1 : i32
    %dma_wait3A_189 = arith.constant 0 : i32
    %dma_wait3A_190 = arith.constant 0 : i32
    %dma_wait3A_191 = tpu.memref_slice %arg8[%dma_wait3A_188, %dma_wait3A_189, %dma_wait3A_190] : memref<7x64x128xf32, #tpu.memory_space<vmem>> -> memref<1x64x128xf32, #tpu.memory_space<vmem>>
    %dma_wait3A_192 = tpu.memref_squeeze %dma_wait3A_191 : memref<1x64x128xf32, #tpu.memory_space<vmem>> -> memref<64x128xf32, #tpu.memory_space<vmem>>
    %dma_wait3A_193 = arith.constant 0 : i32
    %dma_wait3A_194 = arith.constant 0 : i32
    %dma_wait3A_195 = tpu.memref_slice %arg3[%dma_wait3A_193, %dma_wait3A_194] : memref<64x1000000xf32, #tpu.memory_space<hbm>> -> memref<64x128xf32, #tpu.memory_space<hbm>>
    %dma_wait3A_196 = arith.constant 0 : i32
    %dma_wait3A_197 = arith.constant 0 : i32
    %dma_wait3A_198 = tpu.memref_slice %arg8[%dma_wait3A_188, %dma_wait3A_196, %dma_wait3A_197] : memref<7x64x128xf32, #tpu.memory_space<vmem>> -> memref<1x64x128xf32, #tpu.memory_space<vmem>>
    %dma_wait3A_199 = tpu.memref_squeeze %dma_wait3A_198 : memref<1x64x128xf32, #tpu.memory_space<vmem>> -> memref<64x128xf32, #tpu.memory_space<vmem>>
    %dma_wait3A_200 = arith.constant 0 : i32
    %dma_wait3A_201 = arith.constant 0 : i32
    %dma_wait3A_202 = tpu.memref_slice %arg3[%dma_wait3A_200, %dma_wait3A_201] : memref<64x1000000xf32, #tpu.memory_space<hbm>> -> memref<64x128xf32, #tpu.memory_space<hbm>>
    tpu.wait_dma2 semaphore(%arg11 : memref<!tpu.dma_semaphore, #tpu.memory_space<semaphore_mem>>) src(%dma_wait3A_202 : memref<64x128xf32, #tpu.memory_space<hbm>>) dst(%dma_wait3A_199 : memref<64x128xf32, #tpu.memory_space<vmem>>)
    %dma_wait3A_203 = arith.constant 2 : i32
    %dma_wait3A_204 = arith.constant 0 : i32
    %dma_wait3A_205 = arith.constant 0 : i32
    %dma_wait3A_206 = tpu.memref_slice %arg8[%dma_wait3A_203, %dma_wait3A_204, %dma_wait3A_205] : memref<7x64x128xf32, #tpu.memory_space<vmem>> -> memref<1x64x128xf32, #tpu.memory_space<vmem>>
    %dma_wait3A_207 = tpu.memref_squeeze %dma_wait3A_206 : memref<1x64x128xf32, #tpu.memory_space<vmem>> -> memref<64x128xf32, #tpu.memory_space<vmem>>
    %dma_wait3A_208 = arith.constant 0 : i32
    %dma_wait3A_209 = arith.constant 0 : i32
    %dma_wait3A_210 = tpu.memref_slice %arg3[%dma_wait3A_208, %dma_wait3A_209] : memref<64x1000000xf32, #tpu.memory_space<hbm>> -> memref<64x128xf32, #tpu.memory_space<hbm>>
    %dma_wait3A_211 = arith.constant 0 : i32
    %dma_wait3A_212 = arith.constant 0 : i32
    %dma_wait3A_213 = tpu.memref_slice %arg8[%dma_wait3A_203, %dma_wait3A_211, %dma_wait3A_212] : memref<7x64x128xf32, #tpu.memory_space<vmem>> -> memref<1x64x128xf32, #tpu.memory_space<vmem>>
    %dma_wait3A_214 = tpu.memref_squeeze %dma_wait3A_213 : memref<1x64x128xf32, #tpu.memory_space<vmem>> -> memref<64x128xf32, #tpu.memory_space<vmem>>
    %dma_wait3A_215 = arith.constant 0 : i32
    %dma_wait3A_216 = arith.constant 0 : i32
    %dma_wait3A_217 = tpu.memref_slice %arg3[%dma_wait3A_215, %dma_wait3A_216] : memref<64x1000000xf32, #tpu.memory_space<hbm>> -> memref<64x128xf32, #tpu.memory_space<hbm>>
    tpu.wait_dma2 semaphore(%arg12 : memref<!tpu.dma_semaphore, #tpu.memory_space<semaphore_mem>>) src(%dma_wait3A_217 : memref<64x128xf32, #tpu.memory_space<hbm>>) dst(%dma_wait3A_214 : memref<64x128xf32, #tpu.memory_space<vmem>>)
    %dma_wait3A_218 = arith.constant 3 : i32
    %dma_wait3A_219 = arith.constant 0 : i32
    %dma_wait3A_220 = arith.constant 0 : i32
    %dma_wait3A_221 = tpu.memref_slice %arg8[%dma_wait3A_218, %dma_wait3A_219, %dma_wait3A_220] : memref<7x64x128xf32, #tpu.memory_space<vmem>> -> memref<1x64x128xf32, #tpu.memory_space<vmem>>
    %dma_wait3A_222 = tpu.memref_squeeze %dma_wait3A_221 : memref<1x64x128xf32, #tpu.memory_space<vmem>> -> memref<64x128xf32, #tpu.memory_space<vmem>>
    %dma_wait3A_223 = arith.constant 0 : i32
    %dma_wait3A_224 = arith.constant 0 : i32
    %dma_wait3A_225 = tpu.memref_slice %arg3[%dma_wait3A_223, %dma_wait3A_224] : memref<64x1000000xf32, #tpu.memory_space<hbm>> -> memref<64x128xf32, #tpu.memory_space<hbm>>
    %dma_wait3A_226 = arith.constant 0 : i32
    %dma_wait3A_227 = arith.constant 0 : i32
    %dma_wait3A_228 = tpu.memref_slice %arg8[%dma_wait3A_218, %dma_wait3A_226, %dma_wait3A_227] : memref<7x64x128xf32, #tpu.memory_space<vmem>> -> memref<1x64x128xf32, #tpu.memory_space<vmem>>
    %dma_wait3A_229 = tpu.memref_squeeze %dma_wait3A_228 : memref<1x64x128xf32, #tpu.memory_space<vmem>> -> memref<64x128xf32, #tpu.memory_space<vmem>>
    %dma_wait3A_230 = arith.constant 0 : i32
    %dma_wait3A_231 = arith.constant 0 : i32
    %dma_wait3A_232 = tpu.memref_slice %arg3[%dma_wait3A_230, %dma_wait3A_231] : memref<64x1000000xf32, #tpu.memory_space<hbm>> -> memref<64x128xf32, #tpu.memory_space<hbm>>
    tpu.wait_dma2 semaphore(%arg13 : memref<!tpu.dma_semaphore, #tpu.memory_space<semaphore_mem>>) src(%dma_wait3A_232 : memref<64x128xf32, #tpu.memory_space<hbm>>) dst(%dma_wait3A_229 : memref<64x128xf32, #tpu.memory_space<vmem>>)
    %dma_wait3A_233 = arith.constant 4 : i32
    %dma_wait3A_234 = arith.constant 0 : i32
    %dma_wait3A_235 = arith.constant 0 : i32
    %dma_wait3A_236 = tpu.memref_slice %arg8[%dma_wait3A_233, %dma_wait3A_234, %dma_wait3A_235] : memref<7x64x128xf32, #tpu.memory_space<vmem>> -> memref<1x64x128xf32, #tpu.memory_space<vmem>>
    %dma_wait3A_237 = tpu.memref_squeeze %dma_wait3A_236 : memref<1x64x128xf32, #tpu.memory_space<vmem>> -> memref<64x128xf32, #tpu.memory_space<vmem>>
    %dma_wait3A_238 = arith.constant 0 : i32
    %dma_wait3A_239 = arith.constant 0 : i32
    %dma_wait3A_240 = tpu.memref_slice %arg3[%dma_wait3A_238, %dma_wait3A_239] : memref<64x1000000xf32, #tpu.memory_space<hbm>> -> memref<64x128xf32, #tpu.memory_space<hbm>>
    %dma_wait3A_241 = arith.constant 0 : i32
    %dma_wait3A_242 = arith.constant 0 : i32
    %dma_wait3A_243 = tpu.memref_slice %arg8[%dma_wait3A_233, %dma_wait3A_241, %dma_wait3A_242] : memref<7x64x128xf32, #tpu.memory_space<vmem>> -> memref<1x64x128xf32, #tpu.memory_space<vmem>>
    %dma_wait3A_244 = tpu.memref_squeeze %dma_wait3A_243 : memref<1x64x128xf32, #tpu.memory_space<vmem>> -> memref<64x128xf32, #tpu.memory_space<vmem>>
    %dma_wait3A_245 = arith.constant 0 : i32
    %dma_wait3A_246 = arith.constant 0 : i32
    %dma_wait3A_247 = tpu.memref_slice %arg3[%dma_wait3A_245, %dma_wait3A_246] : memref<64x1000000xf32, #tpu.memory_space<hbm>> -> memref<64x128xf32, #tpu.memory_space<hbm>>
    tpu.wait_dma2 semaphore(%arg14 : memref<!tpu.dma_semaphore, #tpu.memory_space<semaphore_mem>>) src(%dma_wait3A_247 : memref<64x128xf32, #tpu.memory_space<hbm>>) dst(%dma_wait3A_244 : memref<64x128xf32, #tpu.memory_space<vmem>>)
    %dma_wait3A_248 = arith.constant 5 : i32
    %dma_wait3A_249 = arith.constant 0 : i32
    %dma_wait3A_250 = arith.constant 0 : i32
    %dma_wait3A_251 = tpu.memref_slice %arg8[%dma_wait3A_248, %dma_wait3A_249, %dma_wait3A_250] : memref<7x64x128xf32, #tpu.memory_space<vmem>> -> memref<1x64x128xf32, #tpu.memory_space<vmem>>
    %dma_wait3A_252 = tpu.memref_squeeze %dma_wait3A_251 : memref<1x64x128xf32, #tpu.memory_space<vmem>> -> memref<64x128xf32, #tpu.memory_space<vmem>>
    %dma_wait3A_253 = arith.constant 0 : i32
    %dma_wait3A_254 = arith.constant 0 : i32
    %dma_wait3A_255 = tpu.memref_slice %arg3[%dma_wait3A_253, %dma_wait3A_254] : memref<64x1000000xf32, #tpu.memory_space<hbm>> -> memref<64x128xf32, #tpu.memory_space<hbm>>
    %dma_wait3A_256 = arith.constant 0 : i32
    %dma_wait3A_257 = arith.constant 0 : i32
    %dma_wait3A_258 = tpu.memref_slice %arg8[%dma_wait3A_248, %dma_wait3A_256, %dma_wait3A_257] : memref<7x64x128xf32, #tpu.memory_space<vmem>> -> memref<1x64x128xf32, #tpu.memory_space<vmem>>
    %dma_wait3A_259 = tpu.memref_squeeze %dma_wait3A_258 : memref<1x64x128xf32, #tpu.memory_space<vmem>> -> memref<64x128xf32, #tpu.memory_space<vmem>>
    %dma_wait3A_260 = arith.constant 0 : i32
    %dma_wait3A_261 = arith.constant 0 : i32
    %dma_wait3A_262 = tpu.memref_slice %arg3[%dma_wait3A_260, %dma_wait3A_261] : memref<64x1000000xf32, #tpu.memory_space<hbm>> -> memref<64x128xf32, #tpu.memory_space<hbm>>
    tpu.wait_dma2 semaphore(%arg15 : memref<!tpu.dma_semaphore, #tpu.memory_space<semaphore_mem>>) src(%dma_wait3A_262 : memref<64x128xf32, #tpu.memory_space<hbm>>) dst(%dma_wait3A_259 : memref<64x128xf32, #tpu.memory_space<vmem>>)
    %dma_wait3A_263 = arith.constant 6 : i32
    %dma_wait3A_264 = arith.constant 0 : i32
    %dma_wait3A_265 = arith.constant 0 : i32
    %dma_wait3A_266 = tpu.memref_slice %arg8[%dma_wait3A_263, %dma_wait3A_264, %dma_wait3A_265] : memref<7x64x128xf32, #tpu.memory_space<vmem>> -> memref<1x64x128xf32, #tpu.memory_space<vmem>>
    %dma_wait3A_267 = tpu.memref_squeeze %dma_wait3A_266 : memref<1x64x128xf32, #tpu.memory_space<vmem>> -> memref<64x128xf32, #tpu.memory_space<vmem>>
    %dma_wait3A_268 = arith.constant 0 : i32
    %dma_wait3A_269 = arith.constant 0 : i32
    %dma_wait3A_270 = tpu.memref_slice %arg3[%dma_wait3A_268, %dma_wait3A_269] : memref<64x1000000xf32, #tpu.memory_space<hbm>> -> memref<64x128xf32, #tpu.memory_space<hbm>>
    %dma_wait3A_271 = arith.constant 0 : i32
    %dma_wait3A_272 = arith.constant 0 : i32
    %dma_wait3A_273 = tpu.memref_slice %arg8[%dma_wait3A_263, %dma_wait3A_271, %dma_wait3A_272] : memref<7x64x128xf32, #tpu.memory_space<vmem>> -> memref<1x64x128xf32, #tpu.memory_space<vmem>>
    %dma_wait3A_274 = tpu.memref_squeeze %dma_wait3A_273 : memref<1x64x128xf32, #tpu.memory_space<vmem>> -> memref<64x128xf32, #tpu.memory_space<vmem>>
    %dma_wait3A_275 = arith.constant 0 : i32
    %dma_wait3A_276 = arith.constant 0 : i32
    %dma_wait3A_277 = tpu.memref_slice %arg3[%dma_wait3A_275, %dma_wait3A_276] : memref<64x1000000xf32, #tpu.memory_space<hbm>> -> memref<64x128xf32, #tpu.memory_space<hbm>>
    tpu.wait_dma2 semaphore(%arg16 : memref<!tpu.dma_semaphore, #tpu.memory_space<semaphore_mem>>) src(%dma_wait3A_277 : memref<64x128xf32, #tpu.memory_space<hbm>>) dst(%dma_wait3A_274 : memref<64x128xf32, #tpu.memory_space<vmem>>)
    "tpu.region"() ({
      %run_scoped3A = tpu.sem_alloc : memref<!tpu.dma_semaphore, #tpu.memory_space<semaphore_mem>>
      %dma_start3A_278 = arith.constant 0 : i32
      %dma_start3A_279 = tpu.memref_slice %arg4[%mul3A_2, %dma_start3A_278] : memref<16384x128xf32, #tpu.memory_space<hbm>> -> memref<512x128xf32, #tpu.memory_space<hbm>>
      %dma_start3A_280 = arith.constant 0 : i32
      %dma_start3A_281 = tpu.memref_slice %arg4[%mul3A_2, %dma_start3A_280] : memref<16384x128xf32, #tpu.memory_space<hbm>> -> memref<512x128xf32, #tpu.memory_space<hbm>>
      tpu.enqueue_dma source(%arg9 : memref<512x128xf32, #tpu.memory_space<vmem>>) target(%dma_start3A_281 : memref<512x128xf32, #tpu.memory_space<hbm>>) target_semaphore(%run_scoped3A : memref<!tpu.dma_semaphore, #tpu.memory_space<semaphore_mem>>)
      %dma_wait3A_282 = arith.constant 0 : i32
      %dma_wait3A_283 = tpu.memref_slice %arg4[%mul3A_2, %dma_wait3A_282] : memref<16384x128xf32, #tpu.memory_space<hbm>> -> memref<512x128xf32, #tpu.memory_space<hbm>>
      %dma_wait3A_284 = arith.constant 0 : i32
      %dma_wait3A_285 = tpu.memref_slice %arg4[%mul3A_2, %dma_wait3A_284] : memref<16384x128xf32, #tpu.memory_space<hbm>> -> memref<512x128xf32, #tpu.memory_space<hbm>>
      tpu.wait_dma2 semaphore(%run_scoped3A : memref<!tpu.dma_semaphore, #tpu.memory_space<semaphore_mem>>) src(%arg9 : memref<512x128xf32, #tpu.memory_space<vmem>>) dst(%dma_wait3A_285 : memref<512x128xf32, #tpu.memory_space<hbm>>)
      tpu.yield
    }) : () -> ()
    return
  }
}

</mosaic_0001>

<sc_bundles>
// kernel: gather_offload_async_start
scs
__scs_entry_jumppad:
0x0: {  	(pc) =	sbr.rel $0x88, $3  }
0x1: {  	(tag) =	ssettag $0x0;
	lr =	simm.s32 $0x1  }
0x2: {  	[smem:$0x3F9F] =	sst lr;
	_ =	strace $0xD0000000  }
0x3: {  	_ = 	snop  }
0x4: {  	_ = 	snop  }
0x5: {  	_ = 	snop  }
0x6: {  	_ = 	snop  }
0x7: {  	_ = 	snop  }
__scs_overlays_trampoline_lowered:
0x8: {  	[smem:$0x3FAE] =	sst s0  }
0x9: {  	[smem:$0x3FAF] =	sst s1  }
0xa: {  	[smem:$0x3FB0] =	sst s2  }
0xb: {  	[smem:$0x3FB1] =	sst s3  }
0xc: {  	[smem:$0x3FB2] =	sst s4  }
0xd: {  	[smem:$0x3FB3] =	sst s5  }
0xe: {  	[smem:$0x3FB4] =	sst s6  }
0xf: {  	[smem:$0x3FB5] =	sst s7  }
0x10: {  	[smem:$0x3FB6] =	sst s8  }
0x11: {  	[smem:$0x3FB7] =	sst s9;
	s0 =	simm.s32 @!p0 $0x0  }
0x12: {  	s1 =	sld [smem:$0x3F9D];
	s0 =	simm.s32 @p0 $0x1  }
0x13: {  	[smem:$0x3FB8] =	sst s0;
	s0 =	simm.s32 @!p1 $0x0  }
0x14: {  	s2 =	sld [smem:$0x3F9C];
	s0 =	simm.s32 @p1 $0x1  }
0x15: {  	[smem:$0x3FB9] =	sst s0;
	s0 =	simm.s32 @!p2 $0x0  }
0x16: {  	s3 =	sld [smem:$0x3FDB];
	s0 =	simm.s32 @p2 $0x1  }
0x17: {  	s4 =	simm.s32 $0x1BF5;
	[smem:$0x3FBB] =	sst s0  }
0x18: {  	s0 =	sld [smem:$0x3F9E];
	_ =	swait.ge [sflag:s4], $0x0  }
0x19: {  	s7 =	sld [smem:$0x3F9F]  }
0x1a: {  	s8 =	sadd.s32 $0xFFFFE003, lr  }
0x1b: {  	s9 =	sadd.s32 $0xFFFFFEF7, lr;
	s5 =	simm.s32 $0xFFFFFFFF;
	p2 =	slt.u32 s8, $0xFFFFF086  }
0x1c: {  	p1 =	slt.u32 s9, $0xF7A;
	s5 =	simm.s32 @!p2 $0x0  }
0x1d: {  	s5 =	simm.s32 @p1 $0x1;
	p0 =	seq.s32 s7, s2  }
0x1e: {  	s7 =	smul.u32 @!p0 $0xF7A, s2;
	p2 =	seq.s32 @!p0 s5, $0x0  }
0x1f: {  	s9 =	smul.u32 $0xF7A, s1;
	s8 =	simm.s32 @!p0 $0x1BF5;
	p2 =	por !p2, p0  }
0x20: {  	[sflag:s8] =	ssyncset.s32 @!p0 $0xFFFFF086;
	s6 =	sadd.s32 @!p0 s3, s7;
	s7 =	simm.s32 @!p0 $0x108  }
0x21: {  	s3 =	sadd.s32 s3, s9;
	s6 =	sadd.s32 @!p0 $0x88, s6;
	s7 =	simm.s32 @p2 $0x1082  }
0x22: {  	[simem:s7], [sflag:s8] =	dma.local @!p0 [hbm:s6], $0xF7A  }
0x23: {  	s9 =	sor.u32 $0xD0000000, s2;
	s6 =	simm.s32 $0x108;
	_ =	swait.ge @!p0 [sflag:s8], $0x0  }
0x24: {  	s3 =	sadd.s32 $0x88, s3;
	s6 =	simm.s32 @!p1 $0x1082;
	[sflag:s4] =	ssyncset.s32 $0xFFFFF086  }
0x25: {  	[simem:s6], [sflag:s4] =	dma.local [hbm:s3], $0xF7A  }
0x26: {  	[smem:$0x3F9F] =	sst s1;
	(tag) =	ssettag s2;
	_ =	strace s9  }
0x27: {  	s1 =	sld [smem:$0x3FAF]  }
0x28: {  	s2 =	sld [smem:$0x3FB0]  }
0x29: {  	s4 =	sld [smem:$0x3FB2]  }
0x2a: {  	p0 =	seq.s32 s5, $0x0;
	s5 =	sld [smem:$0x3FB3]  }
0x2b: {  	s6 =	sld [smem:$0x3FB4]  }
0x2c: {  	s7 =	sld [smem:$0x3FB5]  }
0x2d: {  	s3 =	simm.s32 $0x108;
	s8 =	sld [smem:$0x3FB6]  }
0x2e: {  	s3 =	simm.s32 @!p0 $0x1082;
	s9 =	sld [smem:$0x3FB7]  }
0x2f: {  	lr =	sadd.s32 s0, s3;
	s0 =	sld [smem:$0x3FAE]  }
0x30: {  	s3 =	sld [smem:$0x3FB1]  }
0x31: {  	[smem:$0x3FBA] =	sst s10  }
0x32: {  	s10 =	sld [smem:$0x3FB8];
	_ =	sdelay $0x3  }
0x33: {  	p0 =	seq.s32 s10, $0x1;
	s10 =	sld [smem:$0x3FBA];
	_ =	sdelay $0x3  }
0x34: {  	[smem:$0x3FBA] =	sst s10  }
0x35: {  	s10 =	sld [smem:$0x3FB9];
	_ =	sdelay $0x3  }
0x36: {  	p1 =	seq.s32 s10, $0x1;
	s10 =	sld [smem:$0x3FBA];
	_ =	sdelay $0x3  }
0x37: {  	[smem:$0x3FBA] =	sst s10  }
0x38: {  	s10 =	sld [smem:$0x3FBB]  }
0x39: {  	_ = 	snop;
	(pc) =	sbr.ind lr, $3  }
0x3a: {  	_ = 	snop  }
0x3b: {  	_ = 	snop  }
0x3c: {  	p2 =	seq.s32 s10, $0x1;
	s10 =	sld [smem:$0x3FBA]  }
0x3d: {  	_ =	shalt  }
0x3e: {  	_ =	shalt  }
0x3f: {  	_ =	shalt  }
0x40: {  	_ =	shalt  }
0x41: {  	_ =	shalt  }
0x42: {  	_ =	shalt  }
0x43: {  	_ =	shalt  }
0x44: {  	_ =	shalt  }
0x45: {  	_ =	shalt  }
0x46: {  	_ =	shalt  }
0x47: {  	_ =	shalt  }
0x48: {  	_ =	shalt  }
0x49: {  	_ =	shalt  }
0x4a: {  	_ =	shalt  }
0x4b: {  	_ =	shalt  }
0x4c: {  	_ =	shalt  }
0x4d: {  	_ =	shalt  }
0x4e: {  	_ =	shalt  }
0x4f: {  	_ =	shalt  }
0x50: {  	_ =	shalt  }
0x51: {  	_ =	shalt  }
0x52: {  	_ =	shalt  }
0x53: {  	_ =	shalt  }
0x54: {  	_ =	shalt  }
0x55: {  	_ =	shalt  }
0x56: {  	_ =	shalt  }
0x57: {  	_ =	shalt  }
0x58: {  	_ =	shalt  }
0x59: {  	_ =	shalt  }
0x5a: {  	_ =	shalt  }
0x5b: {  	_ =	shalt  }
0x5c: {  	_ =	shalt  }
0x5d: {  	_ =	shalt  }
0x5e: {  	_ =	shalt  }
0x5f: {  	_ =	shalt  }
0x60: {  	_ =	shalt  }
0x61: {  	_ =	shalt  }
0x62: {  	_ =	shalt  }
0x63: {  	_ =	shalt  }
0x64: {  	_ =	shalt  }
0x65: {  	_ =	shalt  }
0x66: {  	_ =	shalt  }
0x67: {  	_ =	shalt  }
0x68: {  	_ =	shalt  }
0x69: {  	_ =	shalt  }
0x6a: {  	_ =	shalt  }
0x6b: {  	_ =	shalt  }
0x6c: {  	_ =	shalt  }
0x6d: {  	_ =	shalt  }
0x6e: {  	_ =	shalt  }
0x6f: {  	_ =	shalt  }
0x70: {  	_ =	shalt  }
0x71: {  	_ =	shalt  }
0x72: {  	_ =	shalt  }
0x73: {  	_ =	shalt  }
0x74: {  	_ =	shalt  }
0x75: {  	_ =	shalt  }
0x76: {  	_ =	shalt  }
0x77: {  	_ =	shalt  }
0x78: {  	_ =	shalt  }
0x79: {  	_ =	shalt  }
0x7a: {  	_ =	shalt  }
0x7b: {  	_ =	shalt  }
0x7c: {  	_ =	shalt  }
0x7d: {  	_ =	shalt  }
0x7e: {  	_ =	shalt  }
0x7f: {  	_ =	shalt  }
0x80: {  	_ =	shalt  }
0x81: {  	_ =	shalt  }
0x82: {  	_ =	shalt  }
0x83: {  	_ =	shalt  }
0x84: {  	_ =	shalt  }
0x85: {  	_ =	shalt  }
0x86: {  	_ =	shalt  }
0x87: {  	_ =	shalt  }
.Lfunc_end0:
.L_simem_size_0:
called_computation_lowered:
.L_overlay_start_0:
0x88: {  	s2 =	sld [smem:$0x3FD9]  }
0x89: {  	s3 =	sld [smem:$0x3FFE];
	_ =	sdelay $0x1  }
0x8a: {  	s1 =	srdreg.scid  }
0x8b: {  	s0 =	sand.u32 $0x1, s1  }
0x8c: {  	s16 =	sshll.u32 s0, $0xA;
	s2 =	sadd.s32 s3, s2  }
0x8d: {  	s2 =	sadd.s32 s2, s16  }
0x8e: {  	[smem:$0x3FC6] =	sst s2  }
0x8f: {  	_ = 	snop  }
0x90: {  	(tm) =	ssettm $0x1  }
0x91: {  	s17 =	sld [smem:$0x3FFB];
	_ =	sdelay $0x3  }
0x92: {  	_ =	strace s17  }
0x93: {  	s2 =	sld [smem:$0x3FFC];
	_ =	sdelay $0x3  }
0x94: {  	_ =	strace s2  }
0x95: {  	s2 =	sld [smem:$0x3FFD];
	_ =	sdelay $0x3  }
0x96: {  	_ =	strace s2  }
0x97: {  	_ =	strace $0x8FFFFFFF  }
0x98: {  	s18 =	sld [smem:$0x3FDB];
	_ =	sdelay $0x1  }
0x99: {  	s19 =	simm.s32 $_scs_section_size  }
0x9a: {  	s4 =	simm.s32 $_size__tile_overlayer_lowered;
	s5 =	simm.s32 $_tile_overlayer_lowered  }
0x9b: {  	s22 =	simm.s32 $0x1BFF;
	s21 =	sshll.u32 s5, $0x1;
	s2 =	sadd.s32 s19, s18  }
0x9c: {  	s6 =	simm.s32 $0x0;
	s20 =	sshll.u32 s4, $0x1;
	s4 =	sadd.s32 s21, s2  }
0x9d: {  	[timem:s6], [sflag:s22] =	dma.local [hbm:s4], s20  }
0x9e: {  	_ =	swait.ge [sflag:s22], s20  }
0x9f: {  	s3 =	ssub.s32 $0x0, s20;
	[sflag:s22] =	ssyncset.done $0x0  }
0xa0: {  	[sflag:s22] =	ssyncadd.s32 s3;
	_ =	sdelay $0x1  }
0xa1: {  	s23 =	simm.s32 $0x1B8B  }
0xa2: {  	_ =	swait.ge [sflag:s23], $0x1  }
0xa3: {  	[sflag:s23] =	ssyncset.done $0x0  }
0xa4: {  	s25 =	simm.s32 $0x1B8E;
	s24 =	sld [smem:$0x3FFE];
	[sflag:s23] =	ssyncadd.s32 $0xFFFFFFFF  }
0xa5: {  	s26 =	simm.s32 $execute0_lowered;
	[smem:$0x3FD2] =	sst s25  }
0xa6: {  	s4 =	sshll.u32 s26, $0x1;
	_ =	strace $0x80000049;
	[dreg:$0x1] =	wrdreg $0xFFFFFFFF  }
0xa7: {  	s28 =	simm.s32 $_size_execute0_lowered;
	s2 =	sadd.s32 s2, s4;
	[dreg:$0x0] =	wrdreg $0x0  }
0xa8: {  	s4 =	sshll.u32 s28, $0x1;
	[dreg:$0x2] =	wrdreg s2  }
0xa9: {  	[dreg:$0x3] =	wrdreg s4  }
0xaa: {  	[dreg:$0x4] =	wrdreg $0xC0  }
0xab: {  	_ =	task [dreg:s6], $0x5FFFF  }
0xac: {  	[dreg:$0x1] =	wrdreg $0xFFFFFFFF  }
0xad: {  	[dreg:$0x0] =	wrdreg $0x60  }
0xae: {  	[dreg:$0x2] =	wrdreg s24  }
0xaf: {  	[dreg:$0x3] =	wrdreg $0x9  }
0xb0: {  	_ =	task.clear_ibuf [dreg:s6], $0x4FFFF;
	_ =	strace $0x90000049  }
0xb1: {  	s29 =	simm.s32 $0x9;
	_ =	strace $0x8000004B  }
0xb2: {  	_ =	swait.ge [sflag:s29], $0x1  }
0xb3: {  	[sflag:s29] =	ssyncadd.s32 $0xFFFFFFFF  }
0xb4: {  	_ =	strace $0x9000004B  }
0xb5: {  	_ =	sfence  }
0xb6: {  	s30 =	sld [smem:$0x0];
	_ =	sdelay $0x2  }
0xb7: {  	s31 =	sshll.u32 s1, $0xD;
	s1 =	sshrl.u32 s1, $0x2  }
0xb8: {  	s3 =	sand.u32 $0x4000, s31;
	s1 =	sadd.s32 s1, s30  }
0xb9: {  	s0 =	sor.u32 s3, s0;
	s1 =	sshll.u32 s1, $0x11  }
0xba: {  	s0 =	sor.u32 s1, s0  }
0xbb: {  	s0 =	sadd.s32 $0x8F2B, s0  }
0xbc: {  	[sflag:s0] =	ssyncadd.remote.s32 $0x1  }
0xbd: {  	_ =	sfence.sel $0xFFFF  }
0xbe: {  	[dreg:$0x0] =	wrdreg $0xFFFFFFFF;
	(pc) =	sbr.abs _section_cstart, $3  }
0xbf: {  	[dreg:$0x1] =	wrdreg $0xFFFFFFFF  }
0xc0: {  	_ =	task.clear_ibuf [dreg:s6], $0x2FFFF;
	_ =	strace $0x9FFFFFFF  }
0xc1: {  	(tm) =	ssettm $0x7FFFFFFF  }
tec
execute0_lowered:
.L_overlay_start_1:
0x0: {  	(tag) =	ssettag $0x1  }
0x1: {  	s2 =	rddreg [dreg:$0x0]  }
0x2: {  	s0 =	rddreg [dreg:$0x1]  }
0x3: {  	s1 =	srdreg.scid;
	_ =	strace $0x8000004A;
	s4 =	simm.s32 $0x1  }
0x4: {  	s9 =	simm.s32 $0x3;
	s11 =	simm.s32 $0x0;
	s5 =	sshll.u32 s1, $0x4  }
.Ltmp0:
0x5: {  	s1 =	stileid.u32;
	s5 =	sand.u32 $0x10, s5;
	(pc) =	sbr.rel .LBB2_1-.Ltmp0, $4  }
0x6: {  	p0 =	por $0x0, $0x0;
	s3 =	sadd.s32 $0x800, s2;
	s6 =	sor.u32 s1, s5  }
0x7: {  	[sflag:s4] =	ssyncpa.u1 $0x0;
	s5 =	simm.s32 $0x2;
	s6 =	sshll.u32 s6, $0x9  }
0x8: {  	s7 =	sadd.s32 $0x40800, s2;
	[sflag:s5] =	ssyncpa.u1 $0x0;
	s8 =	sadd.s32 $0x200, s6  }
0x9: {  	vm0 =	vmmov $0xff;
	vm1 =	vcmask $0x3F20;
	[sflag:s9] =	ssyncpa.u1 $0x0;
	s10 =	smov.u32 s6;
	s9 =	simm.s32 $0x0  }
.LBB2_7:
0xa: {  	p1 =	slt.u32 s9, $0x2;
	s11 =	sadd.s32 $0x100, s10  }
0xb: {  	s13 =	smov.u32 s6;
	s9 =	sadd.s32 $0x1, s9;
	p2 =	slt.s32 s11, s8  }
0xc: {  	s13 =	smov.u32 @p2 s11;
	p2 =	sne.s32 s9, $0x4  }
.Ltmp1:
0xd: {  	_ = 	snop;
	(pc) =	sbr.rel @!p2 .LBB2_8-.Ltmp1, $4  }
0xe: {  	s12 =	simm.s32 @!p1 $0x3  }
0xf: {  	_ =	swait.ge @!p1 [sflag:s12], $0x8000  }
0x10: {  	p0 =	por !p0, !p0;
	[sflag:s12] =	ssyncset.done @!p1 $0x0  }
0x11: {  	s11 =	smov.u32 s10;
	s10 =	smov.u32 s13;
	[sflag:s12] =	ssyncadd.s32 @!p1 $0xFFFF8000  }
.LBB2_1:
0x12: {  	p1 =	sgt.u32 s9, $0x1  }
0x13: {  	s12 =	sshll.u32 @!p1 s9, $0x8;
	s13 =	sshrl.u32 @!p1 s10, $0x3  }
0x14: {  	s14 =	sand.u32 @!p1 $0x7, s10;
	s12 =	sxor.u32 @!p1 $0x100, s12;
	s13 =	sadd.s32 @!p1 s2, s13  }
0x15: {  	[tilespmem:s12], [sflag:$0x2] =	stream.linear.gather @!p1 [hbm4b:s13+s14], $0x100, $0x38;
	[tilespmem:$0x10200] =	vst v63  }
0x16: {  	p1 =	seq.s32 s9, $0x0  }
0x17: {  	p2 =	seq.s32 @!p1 s9, $0x3  }
0x18: {  	p1 =	por p1, p2  }
.Ltmp2:
0x19: {  	_ = 	snop;
	(pc) =	sbr.rel @p1 .LBB2_7-.Ltmp2, $1  }
0x1a: {  	_ =	sdelay $0x3  }
0x1b: {  	s12 =	simm.s32 $0x1  }
0x1c: {  	_ =	swait.ge [sflag:s5], $0x100;
	s12 =	simm.s32 @!p0 $0x0  }
0x1d: {  	[sflag:s5] =	ssyncset.done $0x0;
	s14 =	sshll.u32 s12, $0x8  }
0x1e: {  	[sflag:s5] =	ssyncadd.s32 $0xFFFFFF00;
	s13 =	sadd.s32 $0x0, s14  }
0x1f: {  	v0 =	vld.msk [tilespmem:s13+$0x0 ss:$0x1], $0xffff;
	_ =	sdelay $0x4  }
0x20: {  	vm2 =	vgt.s32 v0, $0x0  }
0x21: {  	v0 =	vnsel vm2, $0x0, v0  }
0x22: {  	v0 =	vmin.u32 v0, $0x3FFF  }
0x23: {  	v0 =	vshll.u32 v0, $0x4;
	_ =	sdelay $0x2  }
0x24: {  	s12 =	sshll.u32 s12, $0xF  }
0x25: {  	s12 =	sor.u32 $0x200, s12  }
0x26: {  	[tilespmem:s12], [sflag:$0x1] =	stream.indirect_vreg.gather [hbm:s3], $0x80, v0, vm0, $0x38;
	[tilespmem:$0x10200] =	vst v63  }
0x27: {  	s15 =	sadd.s32 $0x10, s14;
	s13 =	sadd.s32 $0x400, s12  }
0x28: {  	[tilespmem:s13], [sflag:$0x1] =	stream.indirect_vreg.gather [hbm:s3], $0x80, v0, vm1, $0x38;
	[tilespmem:$0x10200] =	vst v63  }
0x29: {  	s16 =	simm.s32 $0x80;
	v0 =	vld.msk [tilespmem:s15+$0x0 ss:$0x1], $0xffff;
	s15 =	smov.u32 s12  }
.LBB2_3:
0x2a: {  	p1 =	sne.s32 s16, $0x3C0;
	_ =	sdelay $0x4  }
0x2b: {  	vm2 =	vgt.s32 v0, $0x0  }
0x2c: {  	v0 =	vnsel vm2, $0x0, v0  }
0x2d: {  	v0 =	vmin.u32 v0, $0x3FFF  }
0x2e: {  	v0 =	vshll.u32 v0, $0x4;
	_ =	sdelay $0x3  }
.Ltmp3:
0x2f: {  	s17 =	sshra.s32 s16, $0x2;
	s15 =	sadd.s32 $0x800, s15;
	(pc) =	sbr.rel @p1 .LBB2_3-.Ltmp3, $4  }
0x30: {  	[tilespmem:s15], [sflag:$0x1] =	stream.indirect_vreg.gather [hbm:s3], $0x80, v0, vm0, $0x38;
	[tilespmem:$0x10200] =	vst v63  }
0x31: {  	s17 =	sadd.s32 s17, s14;
	s18 =	sadd.s32 $0x400, s15  }
0x32: {  	[tilespmem:s18], [sflag:$0x1] =	stream.indirect_vreg.gather [hbm:s3], $0x80, v0, vm1, $0x38;
	[tilespmem:$0x10200] =	vst v63  }
0x33: {  	s16 =	sadd.s32 $0x40, s16;
	v0 =	vld.msk [tilespmem:s17+$0x0 ss:$0x1], $0xffff  }
0x34: {  	_ =	sdelay $0x3  }
0x35: {  	vm2 =	vgt.s32 v0, $0x0  }
0x36: {  	v0 =	vnsel vm2, $0x0, v0  }
0x37: {  	v0 =	vmin.u32 v0, $0x3FFF  }
0x38: {  	v0 =	vshll.u32 v0, $0x4;
	_ =	sdelay $0x3  }
0x39: {  	s14 =	sadd.s32 $0x800, s15  }
0x3a: {  	[tilespmem:s14], [sflag:$0x1] =	stream.indirect_vreg.gather [hbm:s3], $0x80, v0, vm0, $0x38;
	[tilespmem:$0x10200] =	vst v63  }
0x3b: {  	s14 =	sadd.s32 $0x400, s14  }
0x3c: {  	[tilespmem:s14], [sflag:$0x1] =	stream.indirect_vreg.gather [hbm:s3], $0x80, v0, vm1, $0x38;
	[tilespmem:$0x10200] =	vst v63  }
0x3d: {  	s11 =	sshll.u32 s11, $0x4;
	_ =	swait.ge [sflag:s4], $0x8000  }
0x3e: {  	s11 =	sadd.s32 s11, s7;
	[sflag:s4] =	ssyncset.done $0x0  }
0x3f: {  	s15 =	sadd.s32 $0x0, s11;
	s14 =	simm.s32 $0x80;
	[sflag:s4] =	ssyncadd.s32 $0xFFFF8000  }
.LBB2_5:
0x40: {  	[hbm:s15] =	stream.linear.scatter [tilespmem:s12], [sflag:$0x3], $0x400, $0x38;
	[tilespmem:$0x10200] =	vst v63  }
0x41: {  	s15 =	smov.u32 s14;
	s12 =	smov.u32 s13;
	p1 =	sne.s32 s14, $0xF80  }
.Ltmp4:
0x42: {  	s14 =	sadd.s32 $0x80, s14;
	(pc) =	sbr.rel @p1 .LBB2_5-.Ltmp4, $2  }
0x43: {  	_ =	sdelay $0x2  }
0x44: {  	s13 =	sadd.s32 $0x400, s13;
	s15 =	sadd.s32 s15, s11  }
.Ltmp5:
0x45: {  	(pc) =	sbr.rel .LBB2_7-.Ltmp5, $2  }
0x46: {  	_ =	sdelay $0x2  }
0x47: {  	[hbm:s15] =	stream.linear.scatter [tilespmem:s12], [sflag:$0x3], $0x400, $0x38;
	[tilespmem:$0x10200] =	vst v63  }
.LBB2_8:
0x48: {  	_ =	sfence.sel $0x180000  }
0x49: {  	s2 =	simm.s32 $0x2;
	[bflag:$0x0] =	sbarrier.arrive $0xFFFF  }
0x4a: {  	s30 =	simm.s32 $0x3;
	[sflag:s2] =	ssyncpa.u1 $0x1  }
0x4b: {  	s31 =	simm.s32 $0x1;
	[sflag:s30] =	ssyncpa.u1 $0x1  }
0x4c: {  	[sflag:s31] =	ssyncpa.u1 $0x1  }
0x4d: {  	p0 =	sne.s32 s1, $0x0;
	_ =	strace $0x9000004A  }
0x4e: {  	s0 =	sadd.s32 @!p0 $0x100000, s0;
	[bflag:$0x2] =	sbarrier.arrive $0xFFFF  }
0x4f: {  	[sflag:s0] =	ssyncadd.tile.s32 @!p0 $0x1;
	_ =	shalt  }
.Lfunc_end2:
_tile_overlayer_lowered:
.L_overlay_start_2:
0x50: {  	(tag) =	ssettag $0x2  }
0x51: {  	s0 =	rddreg [dreg:$0x0];
	s2 =	stileid.u32  }
0x52: {  	s1 =	rddreg [dreg:$0x1];
	p0 =	sne.s32 s2, $0x0  }
0x53: {  	s3 =	rddreg [dreg:$0x2];
	[bflag:$0x3] =	sbarrier.arrive $0xFFFF;
	s2 =	simm.s32 @!p0 $0x1C01  }
0x54: {  	[timem:s3], [sflag:s2] =	dma.local @!p0 [hbm:s0], s1  }
0x55: {  	s0 =	simm.s32 @!p0 $0x1  }
0x56: {  	_ =	swait.ge @!p0 [sflag:s0], s1  }
0x57: {  	s1 =	ssub.s32 @!p0 $0x0, s1;
	[sflag:s0] =	ssyncset.done @!p0 $0x0  }
0x58: {  	[sflag:s0] =	ssyncadd.s32 @!p0 s1  }
0x59: {  	[bflag:$0x3] =	sbarrier.arrive $0xFFFF  }
0x5a: {  	_ =	shalt  }

// kernel: kernel.3.cloned.1.call-start
scs
__scs_entry_jumppad:
0x0: {  	(pc) =	sbr.rel $0x88, $3  }
0x1: {  	(tag) =	ssettag $0x0;
	lr =	simm.s32 $0x1  }
0x2: {  	[smem:$0x3F9F] =	sst lr;
	_ =	strace $0xD0000000  }
0x3: {  	_ = 	snop  }
0x4: {  	_ = 	snop  }
0x5: {  	_ = 	snop  }
0x6: {  	_ = 	snop  }
0x7: {  	_ = 	snop  }
__scs_overlays_trampoline_lowered:
0x8: {  	[smem:$0x3FAE] =	sst s0  }
0x9: {  	[smem:$0x3FAF] =	sst s1  }
0xa: {  	[smem:$0x3FB0] =	sst s2  }
0xb: {  	[smem:$0x3FB1] =	sst s3  }
0xc: {  	[smem:$0x3FB2] =	sst s4  }
0xd: {  	[smem:$0x3FB3] =	sst s5  }
0xe: {  	[smem:$0x3FB4] =	sst s6  }
0xf: {  	[smem:$0x3FB5] =	sst s7  }
0x10: {  	[smem:$0x3FB6] =	sst s8  }
0x11: {  	[smem:$0x3FB7] =	sst s9;
	s0 =	simm.s32 @!p0 $0x0  }
0x12: {  	s1 =	sld [smem:$0x3F9D];
	s0 =	simm.s32 @p0 $0x1  }
0x13: {  	[smem:$0x3FB8] =	sst s0;
	s0 =	simm.s32 @!p1 $0x0  }
0x14: {  	s2 =	sld [smem:$0x3F9C];
	s0 =	simm.s32 @p1 $0x1  }
0x15: {  	[smem:$0x3FB9] =	sst s0;
	s0 =	simm.s32 @!p2 $0x0  }
0x16: {  	s3 =	sld [smem:$0x3FDB];
	s0 =	simm.s32 @p2 $0x1  }
0x17: {  	s4 =	simm.s32 $0x1BF5;
	[smem:$0x3FBB] =	sst s0  }
0x18: {  	s0 =	sld [smem:$0x3F9E];
	_ =	swait.ge [sflag:s4], $0x0  }
0x19: {  	s7 =	sld [smem:$0x3F9F]  }
0x1a: {  	s8 =	sadd.s32 $0xFFFFE003, lr  }
0x1b: {  	s9 =	sadd.s32 $0xFFFFFEF7, lr;
	s5 =	simm.s32 $0xFFFFFFFF;
	p2 =	slt.u32 s8, $0xFFFFF086  }
0x1c: {  	p1 =	slt.u32 s9, $0xF7A;
	s5 =	simm.s32 @!p2 $0x0  }
0x1d: {  	s5 =	simm.s32 @p1 $0x1;
	p0 =	seq.s32 s7, s2  }
0x1e: {  	s7 =	smul.u32 @!p0 $0xF7A, s2;
	p2 =	seq.s32 @!p0 s5, $0x0  }
0x1f: {  	s9 =	smul.u32 $0xF7A, s1;
	s8 =	simm.s32 @!p0 $0x1BF5;
	p2 =	por !p2, p0  }
0x20: {  	[sflag:s8] =	ssyncset.s32 @!p0 $0xFFFFF086;
	s6 =	sadd.s32 @!p0 s3, s7;
	s7 =	simm.s32 @!p0 $0x108  }
0x21: {  	s3 =	sadd.s32 s3, s9;
	s6 =	sadd.s32 @!p0 $0x88, s6;
	s7 =	simm.s32 @p2 $0x1082  }
0x22: {  	[simem:s7], [sflag:s8] =	dma.local @!p0 [hbm:s6], $0xF7A  }
0x23: {  	s9 =	sor.u32 $0xD0000000, s2;
	s6 =	simm.s32 $0x108;
	_ =	swait.ge @!p0 [sflag:s8], $0x0  }
0x24: {  	s3 =	sadd.s32 $0x88, s3;
	s6 =	simm.s32 @!p1 $0x1082;
	[sflag:s4] =	ssyncset.s32 $0xFFFFF086  }
0x25: {  	[simem:s6], [sflag:s4] =	dma.local [hbm:s3], $0xF7A  }
0x26: {  	[smem:$0x3F9F] =	sst s1;
	(tag) =	ssettag s2;
	_ =	strace s9  }
0x27: {  	s1 =	sld [smem:$0x3FAF]  }
0x28: {  	s2 =	sld [smem:$0x3FB0]  }
0x29: {  	s4 =	sld [smem:$0x3FB2]  }
0x2a: {  	p0 =	seq.s32 s5, $0x0;
	s5 =	sld [smem:$0x3FB3]  }
0x2b: {  	s6 =	sld [smem:$0x3FB4]  }
0x2c: {  	s7 =	sld [smem:$0x3FB5]  }
0x2d: {  	s3 =	simm.s32 $0x108;
	s8 =	sld [smem:$0x3FB6]  }
0x2e: {  	s3 =	simm.s32 @!p0 $0x1082;
	s9 =	sld [smem:$0x3FB7]  }
0x2f: {  	lr =	sadd.s32 s0, s3;
	s0 =	sld [smem:$0x3FAE]  }
0x30: {  	s3 =	sld [smem:$0x3FB1]  }
0x31: {  	[smem:$0x3FBA] =	sst s10  }
0x32: {  	s10 =	sld [smem:$0x3FB8];
	_ =	sdelay $0x3  }
0x33: {  	p0 =	seq.s32 s10, $0x1;
	s10 =	sld [smem:$0x3FBA];
	_ =	sdelay $0x3  }
0x34: {  	[smem:$0x3FBA] =	sst s10  }
0x35: {  	s10 =	sld [smem:$0x3FB9];
	_ =	sdelay $0x3  }
0x36: {  	p1 =	seq.s32 s10, $0x1;
	s10 =	sld [smem:$0x3FBA];
	_ =	sdelay $0x3  }
0x37: {  	[smem:$0x3FBA] =	sst s10  }
0x38: {  	s10 =	sld [smem:$0x3FBB]  }
0x39: {  	_ = 	snop;
	(pc) =	sbr.ind lr, $3  }
0x3a: {  	_ = 	snop  }
0x3b: {  	_ = 	snop  }
0x3c: {  	p2 =	seq.s32 s10, $0x1;
	s10 =	sld [smem:$0x3FBA]  }
0x3d: {  	_ =	shalt  }
0x3e: {  	_ =	shalt  }
0x3f: {  	_ =	shalt  }
0x40: {  	_ =	shalt  }
0x41: {  	_ =	shalt  }
0x42: {  	_ =	shalt  }
0x43: {  	_ =	shalt  }
0x44: {  	_ =	shalt  }
0x45: {  	_ =	shalt  }
0x46: {  	_ =	shalt  }
0x47: {  	_ =	shalt  }
0x48: {  	_ =	shalt  }
0x49: {  	_ =	shalt  }
0x4a: {  	_ =	shalt  }
0x4b: {  	_ =	shalt  }
0x4c: {  	_ =	shalt  }
0x4d: {  	_ =	shalt  }
0x4e: {  	_ =	shalt  }
0x4f: {  	_ =	shalt  }
0x50: {  	_ =	shalt  }
0x51: {  	_ =	shalt  }
0x52: {  	_ =	shalt  }
0x53: {  	_ =	shalt  }
0x54: {  	_ =	shalt  }
0x55: {  	_ =	shalt  }
0x56: {  	_ =	shalt  }
0x57: {  	_ =	shalt  }
0x58: {  	_ =	shalt  }
0x59: {  	_ =	shalt  }
0x5a: {  	_ =	shalt  }
0x5b: {  	_ =	shalt  }
0x5c: {  	_ =	shalt  }
0x5d: {  	_ =	shalt  }
0x5e: {  	_ =	shalt  }
0x5f: {  	_ =	shalt  }
0x60: {  	_ =	shalt  }
0x61: {  	_ =	shalt  }
0x62: {  	_ =	shalt  }
0x63: {  	_ =	shalt  }
0x64: {  	_ =	shalt  }
0x65: {  	_ =	shalt  }
0x66: {  	_ =	shalt  }
0x67: {  	_ =	shalt  }
0x68: {  	_ =	shalt  }
0x69: {  	_ =	shalt  }
0x6a: {  	_ =	shalt  }
0x6b: {  	_ =	shalt  }
0x6c: {  	_ =	shalt  }
0x6d: {  	_ =	shalt  }
0x6e: {  	_ =	shalt  }
0x6f: {  	_ =	shalt  }
0x70: {  	_ =	shalt  }
0x71: {  	_ =	shalt  }
0x72: {  	_ =	shalt  }
0x73: {  	_ =	shalt  }
0x74: {  	_ =	shalt  }
0x75: {  	_ =	shalt  }
0x76: {  	_ =	shalt  }
0x77: {  	_ =	shalt  }
0x78: {  	_ =	shalt  }
0x79: {  	_ =	shalt  }
0x7a: {  	_ =	shalt  }
0x7b: {  	_ =	shalt  }
0x7c: {  	_ =	shalt  }
0x7d: {  	_ =	shalt  }
0x7e: {  	_ =	shalt  }
0x7f: {  	_ =	shalt  }
0x80: {  	_ =	shalt  }
0x81: {  	_ =	shalt  }
0x82: {  	_ =	shalt  }
0x83: {  	_ =	shalt  }
0x84: {  	_ =	shalt  }
0x85: {  	_ =	shalt  }
0x86: {  	_ =	shalt  }
0x87: {  	_ =	shalt  }
.Lfunc_end0:
.L_simem_size_0:
called_computation.1_lowered:
.L_overlay_start_0:
0x88: {  	s2 =	sld [smem:$0x3FD9]  }
0x89: {  	s3 =	sld [smem:$0x3FFE];
	_ =	sdelay $0x1  }
0x8a: {  	s1 =	srdreg.scid  }
0x8b: {  	s0 =	sand.u32 $0x1, s1  }
0x8c: {  	s17 =	sshll.u32 s0, $0xA;
	s2 =	sadd.s32 s3, s2  }
0x8d: {  	s2 =	sadd.s32 s2, s17  }
0x8e: {  	[smem:$0x3FC6] =	sst s2  }
0x8f: {  	_ = 	snop  }
0x90: {  	s2 =	sld [smem:$0x3FC8]  }
0x91: {  	s18 =	sld [smem:$0x3FD0];
	(tm) =	ssettm $0x1  }
0x92: {  	s4 =	sld [smem:$0x3FFB];
	_ =	sdelay $0x3  }
0x93: {  	_ =	strace s4  }
0x94: {  	s4 =	sld [smem:$0x3FFC];
	_ =	sdelay $0x3  }
0x95: {  	_ =	strace s4  }
0x96: {  	s4 =	sld [smem:$0x3FFD];
	_ =	sdelay $0x3  }
0x97: {  	_ =	strace s4  }
0x98: {  	_ =	strace $0x8FFFFFFF  }
0x99: {  	s19 =	sld [smem:$0x3FDB];
	_ =	sdelay $0x1  }
0x9a: {  	s5 =	simm.s32 $_scs_section_size  }
0x9b: {  	s6 =	simm.s32 $_size__tile_overlayer_lowered;
	s7 =	simm.s32 $_tile_overlayer_lowered  }
0x9c: {  	s22 =	simm.s32 $0x1BFF;
	s21 =	sshll.u32 s7, $0x1;
	s4 =	sadd.s32 s5, s19  }
0x9d: {  	s8 =	simm.s32 $0x0;
	s20 =	sshll.u32 s6, $0x1;
	s6 =	sadd.s32 s21, s4  }
0x9e: {  	[timem:s8], [sflag:s22] =	dma.local [hbm:s6], s20  }
0x9f: {  	_ =	swait.ge [sflag:s22], s20  }
0xa0: {  	s5 =	ssub.s32 $0x0, s20;
	[sflag:s22] =	ssyncset.done $0x0  }
0xa1: {  	[sflag:s22] =	ssyncadd.s32 s5;
	_ =	sdelay $0x1  }
0xa2: {  	s23 =	simm.s32 $0x1B8B  }
0xa3: {  	_ =	swait.ge [sflag:s23], $0x1  }
0xa4: {  	[sflag:s23] =	ssyncset.done $0x0  }
0xa5: {  	s25 =	simm.s32 $0x1B8E;
	s24 =	sld [smem:$0x3FFE];
	[sflag:s23] =	ssyncadd.s32 $0xFFFFFFFF  }
0xa6: {  	s26 =	simm.s32 $execute0_lowered;
	[smem:$0x3FD2] =	sst s25  }
0xa7: {  	s6 =	sshll.u32 s26, $0x1;
	_ =	strace $0x80000046;
	[dreg:$0x1] =	wrdreg $0xFFFFFFFF  }
0xa8: {  	s28 =	simm.s32 $_size_execute0_lowered;
	s4 =	sadd.s32 s4, s6;
	[dreg:$0x0] =	wrdreg $0x0  }
0xa9: {  	s6 =	sshll.u32 s28, $0x1;
	[dreg:$0x2] =	wrdreg s4  }
0xaa: {  	[dreg:$0x3] =	wrdreg s6  }
0xab: {  	[dreg:$0x4] =	wrdreg $0xC0  }
0xac: {  	_ =	task [dreg:s8], $0x5FFFF  }
0xad: {  	[dreg:$0x1] =	wrdreg $0xFFFFFFFF  }
0xae: {  	[dreg:$0x0] =	wrdreg $0x60  }
0xaf: {  	[dreg:$0x2] =	wrdreg s18  }
0xb0: {  	[dreg:$0x3] =	wrdreg s2  }
0xb1: {  	[dreg:$0x4] =	wrdreg s24  }
0xb2: {  	[dreg:$0x5] =	wrdreg $0x9  }
0xb3: {  	_ =	task.clear_ibuf [dreg:s8], $0x6FFFF;
	_ =	strace $0x90000046  }
0xb4: {  	s29 =	simm.s32 $0x9;
	_ =	strace $0x80000048  }
0xb5: {  	_ =	swait.ge [sflag:s29], $0x1  }
0xb6: {  	[sflag:s29] =	ssyncadd.s32 $0xFFFFFFFF  }
0xb7: {  	_ =	strace $0x90000048  }
0xb8: {  	_ =	sfence  }
0xb9: {  	s30 =	sld [smem:$0x0];
	_ =	sdelay $0x2  }
0xba: {  	s31 =	sshll.u32 s1, $0xD;
	s1 =	sshrl.u32 s1, $0x2  }
0xbb: {  	s3 =	sand.u32 $0x4000, s31;
	s1 =	sadd.s32 s1, s30  }
0xbc: {  	s0 =	sor.u32 s3, s0;
	s1 =	sshll.u32 s1, $0x11  }
0xbd: {  	s0 =	sor.u32 s1, s0  }
0xbe: {  	s0 =	sadd.s32 $0x8F2B, s0  }
0xbf: {  	[sflag:s0] =	ssyncadd.remote.s32 $0x1  }
0xc0: {  	_ =	sfence.sel $0xFFFF  }
0xc1: {  	[dreg:$0x0] =	wrdreg $0xFFFFFFFF;
	(pc) =	sbr.abs _section_cstart, $3  }
0xc2: {  	[dreg:$0x1] =	wrdreg $0xFFFFFFFF  }
0xc3: {  	_ =	task.clear_ibuf [dreg:s8], $0x2FFFF;
	_ =	strace $0x9FFFFFFF  }
0xc4: {  	(tm) =	ssettm $0x7FFFFFFF  }
0xc5: {  	_ =	shalt  }
tec
execute0_lowered:
.L_overlay_start_1:
0x0: {  	(tag) =	ssettag $0x1  }
0x1: {  	s0 =	rddreg [dreg:$0x0]  }
0x2: {  	s1 =	rddreg [dreg:$0x1]  }
0x3: {  	s4 =	rddreg [dreg:$0x2];
	s5 =	srdreg.scid;
	s3 =	simm.s32 $0x0  }
0x4: {  	s2 =	stileid.u32;
	v0 =	vlaneseq.u32;
	s9 =	simm.s32 $0x7A1400;
	s10 =	simm.s32 $0x780  }
0x5: {  	s11 =	simm.s32 $0x2780;
	s12 =	simm.s32 $0x4780;
	s13 =	simm.s32 $0x6780;
	v1 =	vmul.u32 $0x80, v0  }
0x6: {  	v2 =	vimm.s32 $0x200;
	s14 =	simm.s32 $0x8780;
	s15 =	simm.s32 $0xA780;
	s16 =	simm.s32 $0xC780;
	v3 =	vadd.s32 $0xFFFFFFFF, v0  }
0x7: {  	s17 =	simm.s32 $0x1;
	s18 =	simm.s32 $0x2;
	s19 =	simm.s32 $0x3;
	v4 =	vor.u32 $0x800, v1;
	v5 =	vor.u32 $0x1000, v1;
	v6 =	vor.u32 $0x1800, v1  }
0x8: {  	s20 =	simm.s32 $0x4;
	s21 =	simm.s32 $0x5;
	s22 =	simm.s32 $0x6;
	v7 =	vor.u32 $0x2000, v1;
	v8 =	vor.u32 $0x2800, v1;
	v9 =	vor.u32 $0x3000, v1  }
0x9: {  	s23 =	simm.s32 $0x7;
	s24 =	simm.s32 $0xE780;
	s25 =	simm.s32 $0x0;
	v10 =	vor.u32 $0x3800, v1;
	v11 =	vor.u32 $0x4000, v1;
	v12 =	vor.u32 $0x4800, v1  }
0xa: {  	s5 =	sand.u32 $0x1, s5;
	[smem:$0x7FF] =	sst s3;
	s6 =	sshll.u32 s2, $0xA;
	v13 =	vor.u32 $0x5000, v1;
	v14 =	vor.u32 $0x5800, v1;
	v15 =	vor.u32 $0x6000, v1  }
.Ltmp0:
0xb: {  	s7 =	sshll.u32 s5, $0x9;
	s5 =	ssub.s32 $0x2, s5;
	v16 =	vor.u32 $0x6800, v1;
	v17 =	vor.u32 $0x7000, v1;
	v18 =	vor.u32 $0x7800, v1;
	(pc) =	sbr.rel .LBB2_1-.Ltmp0, $4  }
0xc: {  	_ =	strace $0x80000047;
	s6 =	sor.u32 s7, s6;
	s8 =	sshrl.u32 s5, $0x1;
	v19 =	vor.u32 $0x8000, v1;
	v20 =	vor.u32 $0x8800, v1;
	v21 =	vor.u32 $0x9000, v1  }
0xd: {  	v22 =	vor.u32 $0x9800, v1;
	v23 =	vor.u32 $0xA000, v1;
	v24 =	vor.u32 $0xA800, v1;
	s7 =	sshll.u32 s6, $0x4;
	s6 =	sshrl.u32 s6, $0x3;
	s8 =	ssub.s32 s5, s8  }
0xe: {  	v25 =	vor.u32 $0xB000, v1;
	v26 =	vor.u32 $0xB800, v1;
	v27 =	vor.u32 $0xC000, v1;
	s7 =	sadd.s32 s7, s4;
	s4 =	sadd.s32 s0, s6;
	s6 =	smax.u32 s8, $0x1  }
0xf: {  	v28 =	vor.u32 $0xC800, v1;
	v29 =	vor.u32 $0xD000, v1;
	v30 =	vor.u32 $0xD800, v1;
	s8 =	simm.s32 $0x8;
	s5 =	sadd.s32 $0x800, s7;
	s7 =	simm.s32 $0x400  }
.LBB2_34:
0x10: {  	_ =	swait.ge [sflag:s17], $0x2000  }
0x11: {  	[sflag:s17] =	ssyncset.done $0x0  }
0x12: {  	[sflag:s17] =	ssyncadd.s32 $0xFFFFE000  }
0x13: {  	_ =	swait.ge [sflag:s18], $0x2000  }
0x14: {  	[sflag:s18] =	ssyncset.done $0x0  }
0x15: {  	[sflag:s18] =	ssyncadd.s32 $0xFFFFE000  }
0x16: {  	_ =	swait.ge [sflag:s19], $0x2000  }
0x17: {  	[sflag:s19] =	ssyncset.done $0x0  }
0x18: {  	[sflag:s19] =	ssyncadd.s32 $0xFFFFE000  }
0x19: {  	_ =	swait.ge [sflag:s20], $0x2000  }
0x1a: {  	[sflag:s20] =	ssyncset.done $0x0  }
0x1b: {  	[sflag:s20] =	ssyncadd.s32 $0xFFFFE000  }
0x1c: {  	_ =	swait.ge [sflag:s21], $0x2000  }
0x1d: {  	[sflag:s21] =	ssyncset.done $0x0  }
0x1e: {  	[sflag:s21] =	ssyncadd.s32 $0xFFFFE000  }
0x1f: {  	_ =	swait.ge [sflag:s22], $0x2000  }
0x20: {  	[sflag:s22] =	ssyncset.done $0x0  }
0x21: {  	[sflag:s22] =	ssyncadd.s32 $0xFFFFE000  }
0x22: {  	s25 =	sadd.s32 $0x1, s25;
	_ =	swait.ge [sflag:s23], $0x2000  }
0x23: {  	p0 =	sne.s32 s25, s6;
	[sflag:s23] =	ssyncset.done $0x0  }
.Ltmp1:
0x24: {  	[sflag:s23] =	ssyncadd.s32 $0xFFFFE000;
	(pc) =	sbr.rel @!p0 .LBB2_35-.Ltmp1, $4  }
0x25: {  	[hbm4b:s5+s3] =	stream.linear.scatter [tilespmem:s24], [sflag:$0x8], $0x10000, $0x38;
	[tilespmem:$0x1E780] =	vst v63  }
0x26: {  	_ =	swait.ge [sflag:s8], $0x10000  }
0x27: {  	[sflag:s8] =	ssyncset.done $0x0  }
0x28: {  	[sflag:s8] =	ssyncadd.s32 $0xFFFF0000  }
.LBB2_1:
0x29: {  	[tilespmem:s3], [sflag:$0x8] =	stream.linear.gather [hbm4b:s4+s3], $0x200, $0x38;
	[tilespmem:$0x1E780] =	vst v63  }
0x2a: {  	_ =	swait.ge [sflag:s8], $0x200  }
0x2b: {  	[sflag:s8] =	ssyncset.done $0x0  }
0x2c: {  	[sflag:s8] =	ssyncadd.s32 $0xFFFFFE00  }
0x2d: {  	[tilespmem:$0x500] =	vst v2  }
0x2e: {  	[tilespmem:$0x510] =	vst v2  }
0x2f: {  	[tilespmem:$0x520] =	vst v2  }
0x30: {  	[tilespmem:$0x530] =	vst v2  }
0x31: {  	[tilespmem:$0x540] =	vst v2  }
0x32: {  	[tilespmem:$0x550] =	vst v2  }
0x33: {  	[tilespmem:$0x560] =	vst v2  }
0x34: {  	[tilespmem:$0x570] =	vst v2  }
0x35: {  	[tilespmem:$0x580] =	vst v2  }
0x36: {  	[tilespmem:$0x590] =	vst v2  }
0x37: {  	[tilespmem:$0x5A0] =	vst v2  }
0x38: {  	[tilespmem:$0x5B0] =	vst v2  }
0x39: {  	[tilespmem:$0x5C0] =	vst v2  }
0x3a: {  	[tilespmem:$0x5D0] =	vst v2  }
0x3b: {  	[tilespmem:$0x5E0] =	vst v2  }
0x3c: {  	[tilespmem:$0x5F0] =	vst v2  }
0x3d: {  	[tilespmem:$0x600] =	vst v2  }
0x3e: {  	[tilespmem:$0x610] =	vst v2  }
0x3f: {  	[tilespmem:$0x620] =	vst v2  }
0x40: {  	[tilespmem:$0x630] =	vst v2  }
0x41: {  	[tilespmem:$0x640] =	vst v2  }
0x42: {  	[tilespmem:$0x650] =	vst v2  }
0x43: {  	[tilespmem:$0x660] =	vst v2  }
0x44: {  	[tilespmem:$0x670] =	vst v2  }
0x45: {  	[tilespmem:$0x680] =	vst v2  }
0x46: {  	[tilespmem:$0x690] =	vst v2  }
0x47: {  	[tilespmem:$0x6A0] =	vst v2  }
0x48: {  	[tilespmem:$0x6B0] =	vst v2  }
0x49: {  	v31 =	vadd.s32 s3, v3;
	[tilespmem:$0x6C0] =	vst v2  }
0x4a: {  	vm0 =	vgt.s32 v31, $0x0;
	[tilespmem:$0x6D0] =	vst v2  }
0x4b: {  	v31 =	vnsel vm0, $0x0, v31;
	[tilespmem:$0x6E0] =	vst v2  }
0x4c: {  	[tilespmem:$0x6F0] =	vst v2  }
0x4d: {  	[tilespmem:$0x700] =	vst v2  }
0x4e: {  	[tilespmem:$0x710] =	vst v2  }
0x4f: {  	v32 =	vld [tilespmem:s3+$0x0]  }
0x50: {  	v31 =	vld.idx.msk [tilespmem:v31+s3+$0x0], $0xffff;
	_ =	sdelay $0x2  }
0x51: {  	s0 =	simm.s32 $0x10  }
0x52: {  	v34 =	vmov s3;
	v33 =	vadd.s32 s0, v3  }
0x53: {  	vm0 =	vgt.s32 v33, $0x0;
	v32 =	vshrl.u32 v32, $0x7;
	v31 =	vshrl.u32 v31, $0x7  }
0x54: {  	vm1 =	veq.s32 v34, v0;
	v33 =	vnsel vm0, $0x0, v33;
	vm0 =	vne.s32 v32, v31  }
0x55: {  	vm0 =	vmor vm1, vm0  }
0x56: {  	v63 =	vmpcnt.ones.xlane vm0;
	_ =	sdelay $0x1  }
0x57: {  	(v2sf) =	vpush v63, $0x0;
	_ =	sdelay $0x2  }
0x58: {  	v31 =	vor.u32 s3, v0;
	[tilespmem:s3+$0x280] =	vst.msk vm0, v32  }
0x59: {  	[tilespmem:s3+$0x500] =	vst.msk vm0, v31  }
0x5a: {  	v32 =	vld.idx.msk [tilespmem:v33+s3+$0x0], $0xffff  }
0x5b: {  	v31 =	vld [tilespmem:s0+$0x0];
	_ =	sdelay $0x4  }
0x5c: {  	v62 =	vmov s0;
	v31 =	vshrl.u32 v31, $0x7;
	v32 =	vshrl.u32 v32, $0x7  }
0x5d: {  	vm0 =	veq.s32 v62, v0;
	vm1 =	vne.s32 v31, v32  }
0x5e: {  	s26 =	simm.s32 $0x20;
	vm0 =	vmor vm0, vm1  }
0x5f: {  	s30 =	simm.s32 $0x30;
	s29 =	simm.s32 $0x0;
	s28 =	simm.s32 $0x10;
	v32 =	vadd.s32 s26, v3;
	v33 =	vmpcnt.ones.xlane vm0  }
.LBB2_2:
0x60: {  	p0 =	sne.s32 s30, $0x1F0;
	vm1 =	vgt.s32 v32, $0x0;
	s31 =	spop (v2sf)  }
0x61: {  	v32 =	vnsel vm1, $0x0, v32;
	(v2sf) =	vpush v33, $0x0;
	s29 =	sadd.s32 s29, s31  }
0x62: {  	v33 =	vor.u32 s0, v0;
	s0 =	smov.u32 s26;
	s26 =	smov.u32 s30;
	[tilespmem:s29+$0x280] =	vst.msk vm0, v31  }
0x63: {  	[tilespmem:s29+$0x500] =	vst.msk vm0, v33;
	_ =	sdelay $0x2  }
0x64: {  	s28 =	sadd.s32 $0x10, s28;
	v32 =	vld.idx.msk [tilespmem:v32+s3+$0x0], $0xffff  }
0x65: {  	v31 =	vld [tilespmem:s28+$0x0];
	_ =	sdelay $0x3  }
.Ltmp2:
0x66: {  	(pc) =	sbr.rel @p0 .LBB2_2-.Ltmp2, $4  }
0x67: {  	v33 =	vmov s0;
	v32 =	vshrl.u32 v32, $0x7;
	v31 =	vshrl.u32 v31, $0x7  }
0x68: {  	vm1 =	veq.s32 v33, v0;
	vm0 =	vne.s32 v31, v32  }
0x69: {  	vm0 =	vmor vm1, vm0  }
0x6a: {  	s30 =	sadd.s32 $0x10, s30;
	v32 =	vadd.s32 s26, v3;
	v33 =	vmpcnt.ones.xlane vm0  }
0x6b: {  	_ = 	snop  }
0x6c: {  	(v2sf) =	vpush v33, $0x0;
	_ =	sdelay $0x2  }
0x6d: {  	vm1 =	vgt.s32 v32, $0x0  }
0x6e: {  	s30 =	spop (v2sf);
	v32 =	vnsel vm1, $0x0, v32  }
0x6f: {  	s29 =	sadd.s32 s29, s30  }
0x70: {  	v60 =	vor.u32 s0, v0;
	[tilespmem:s29+$0x280] =	vst.msk vm0, v31  }
0x71: {  	s30 =	sadd.s32 $0x10, s28;
	[tilespmem:s29+$0x500] =	vst.msk vm0, v60  }
0x72: {  	v61 =	vld [tilespmem:s30+$0x0]  }
0x73: {  	v31 =	vld.idx.msk [tilespmem:v32+s3+$0x0], $0xffff;
	_ =	sdelay $0x4  }
0x74: {  	v62 =	vmov s26;
	v32 =	vshrl.u32 v61, $0x7;
	v31 =	vshrl.u32 v31, $0x7  }
0x75: {  	vm15 =	veq.s32 v62, v0;
	vm14 =	vne.s32 v32, v31;
	s31 =	spop (v2sf)  }
0x76: {  	vm0 =	vmor vm15, vm14;
	s0 =	sadd.s32 s29, s31  }
0x77: {  	v31 =	vor.u32 s26, v0;
	[tilespmem:s0+$0x280] =	vst.msk vm0, v32  }
0x78: {  	[tilespmem:s0+$0x500] =	vst.msk vm0, v31  }
0x79: {  	v31 =	vld [tilespmem:$0x280];
	_ =	sdelay $0x1  }
0x7a: {  	v63 =	vmpcnt.ones.xlane vm0;
	_ =	sdelay $0x1  }
0x7b: {  	(v2sf) =	vpush v63, $0x0  }
0x7c: {  	(v2sf) =	vpush v31, $0x0;
	_ =	sdelay $0x6  }
0x7d: {  	(v2sf) =	vpush v31, $0x1;
	_ =	sdelay $0x6  }
0x7e: {  	s2 =	spop (v2sf);
	(v2sf) =	vpush v31, $0x2  }
0x7f: {  	s28 =	spop (v2sf)  }
0x80: {  	p0 =	sgt.s32 s28, $0x0  }
0x81: {  	s28 =	simm.s32 @!p0 $0x0  }
0x82: {  	s28 =	smin.u32 s28, $0x1E84  }
0x83: {  	s28 =	sshll.u32 s28, $0x7  }
0x84: {  	s28 =	sadd.s32 s1, s28  }
0x85: {  	(v2sf) =	vpush v31, $0x3;
	[tilespmem:s10], [sflag:$0x1] =	stream.strided.gather [hbm4b:s28+s7], $0x2000, s9, s7, $0x38;
	[tilespmem:$0x1E780] =	vst v63  }
0x86: {  	s28 =	spop (v2sf)  }
0x87: {  	p0 =	sgt.s32 s28, $0x0  }
0x88: {  	(v2sf) =	vpush v31, $0x4;
	s28 =	simm.s32 @!p0 $0x0  }
0x89: {  	s28 =	smin.u32 s28, $0x1E84  }
0x8a: {  	s28 =	sshll.u32 s28, $0x7  }
0x8b: {  	s28 =	sadd.s32 s1, s28  }
0x8c: {  	[tilespmem:s11], [sflag:$0x2] =	stream.strided.gather [hbm4b:s28+s7], $0x2000, s9, s7, $0x38;
	[tilespmem:$0x1E780] =	vst v63  }
0x8d: {  	s28 =	spop (v2sf)  }
0x8e: {  	(v2sf) =	vpush v31, $0x5;
	p0 =	sgt.s32 s28, $0x0  }
0x8f: {  	s28 =	simm.s32 @!p0 $0x0  }
0x90: {  	s28 =	smin.u32 s28, $0x1E84  }
0x91: {  	s28 =	sshll.u32 s28, $0x7  }
0x92: {  	s28 =	sadd.s32 s1, s28  }
0x93: {  	[tilespmem:s12], [sflag:$0x3] =	stream.strided.gather [hbm4b:s28+s7], $0x2000, s9, s7, $0x38;
	[tilespmem:$0x1E780] =	vst v63  }
0x94: {  	s28 =	spop (v2sf)  }
0x95: {  	p0 =	sgt.s32 s28, $0x0  }
0x96: {  	(v2sf) =	vpush v31, $0x6;
	s28 =	simm.s32 @!p0 $0x0  }
0x97: {  	s28 =	smin.u32 s28, $0x1E84;
	s29 =	spop (v2sf)  }
0x98: {  	s28 =	sshll.u32 s28, $0x7;
	p0 =	sgt.s32 s29, $0x0  }
0x99: {  	s28 =	sadd.s32 s1, s28;
	s29 =	simm.s32 @!p0 $0x0  }
0x9a: {  	[tilespmem:s13], [sflag:$0x4] =	stream.strided.gather [hbm4b:s28+s7], $0x2000, s9, s7, $0x38;
	[tilespmem:$0x1E780] =	vst v63  }
0x9b: {  	s30 =	smin.u32 s29, $0x1E84  }
0x9c: {  	s28 =	sshll.u32 s30, $0x7  }
0x9d: {  	s28 =	sadd.s32 s1, s28;
	s29 =	spop (v2sf)  }
0x9e: {  	[tilespmem:s14], [sflag:$0x5] =	stream.strided.gather [hbm4b:s28+s7], $0x2000, s9, s7, $0x38;
	[tilespmem:$0x1E780] =	vst v63  }
0x9f: {  	p0 =	sgt.s32 s29, $0x0  }
0xa0: {  	s29 =	simm.s32 @!p0 $0x0  }
0xa1: {  	s31 =	smin.u32 s29, $0x1E84  }
0xa2: {  	s28 =	sshll.u32 s31, $0x7  }
0xa3: {  	s28 =	sadd.s32 s1, s28  }
0xa4: {  	[tilespmem:s15], [sflag:$0x6] =	stream.strided.gather [hbm4b:s28+s7], $0x2000, s9, s7, $0x38;
	[tilespmem:$0x1E780] =	vst v63  }
0xa5: {  	s26 =	sadd.s32 s0, s2;
	s28 =	spop (v2sf)  }
0xa6: {  	s0 =	sadd.s32 $0x6, s26;
	p0 =	sgt.s32 s28, $0x0  }
0xa7: {  	s28 =	simm.s32 @!p0 $0x0;
	p0 =	slt.s32 s0, $0x7  }
.Ltmp3:
0xa8: {  	_ = 	snop;
	(pc) =	sbr.rel @p0 .LBB2_34-.Ltmp3, $4  }
0xa9: {  	s28 =	smin.u32 s28, $0x1E84  }
0xaa: {  	s28 =	sshll.u32 s28, $0x7  }
0xab: {  	s28 =	sadd.s32 s1, s28  }
0xac: {  	[tilespmem:s16], [sflag:$0x7] =	stream.strided.gather [hbm4b:s28+s7], $0x2000, s9, s7, $0x38;
	[tilespmem:$0x1E780] =	vst v63  }
0xad: {  	s28 =	smulhi.u32 $0x92492493, s0;
	s29 =	sshra.s32 s0, $0x1F  }
0xae: {  	s29 =	smul.u32 $0x92492493, s29  }
0xaf: {  	s26 =	ssub.s32 s28, s26  }
.Ltmp4:
0xb0: {  	s26 =	sadd.s32 s29, s26;
	(pc) =	sbr.rel .LBB2_5-.Ltmp4, $4  }
0xb1: {  	s30 =	sadd.s32 s0, s26  }
0xb2: {  	s0 =	sadd.s32 $0xFFFFFFFA, s30  }
0xb3: {  	s31 =	sshrl.u32 s0, $0x1F;
	s0 =	sshra.s32 s0, $0x2  }
0xb4: {  	s28 =	simm.s32 $0x0;
	s26 =	sadd.s32 s31, s0  }
.LBB2_32:
0xb5: {  	[tilespmem:s0+$0x10] =	vst v32  }
.LBB2_33:
0xb6: {  	(v2sf) =	vpush v31, $0x6;
	_ =	sdelay $0xe  }
0xb7: {  	s0 =	spop (v2sf)  }
0xb8: {  	s28 =	sadd.s32 $0x1, s28;
	p0 =	sgt.s32 s0, $0x0  }
0xb9: {  	s0 =	simm.s32 @!p0 $0x0;
	p0 =	sne.s32 s28, s26  }
.Ltmp5:
0xba: {  	_ = 	snop;
	(pc) =	sbr.rel @!p0 .LBB2_34-.Ltmp5, $4  }
0xbb: {  	s0 =	smin.u32 s0, $0x1E84  }
0xbc: {  	s0 =	sshll.u32 s0, $0x7  }
0xbd: {  	s0 =	sadd.s32 s1, s0  }
0xbe: {  	[tilespmem:s16], [sflag:$0x7] =	stream.strided.gather [hbm4b:s0+s7], $0x2000, s9, s7, $0x38;
	[tilespmem:$0x1E780] =	vst v63  }
.LBB2_5:
0xbf: {  	s0 =	smul.u32 $0x1C, s28;
	_ =	sdelay $0x1  }
0xc0: {  	s29 =	sshra.s32 s0, $0x2  }
0xc1: {  	v32 =	vld [tilespmem:s29+$0x500];
	_ =	sdelay $0x1  }
0xc2: {  	s0 =	sadd.s32 $0x1C, s0  }
0xc3: {  	s0 =	sshra.s32 s0, $0x2  }
0xc4: {  	v31 =	vld [tilespmem:s0+$0x280];
	_ =	swait.ge [sflag:s17], $0x2000  }
0xc5: {  	(v2sf) =	vpush v32, $0x0  }
0xc6: {  	(v2sf) =	vpush v32, $0x1;
	_ =	sdelay $0xd  }
0xc7: {  	s0 =	spop (v2sf)  }
0xc8: {  	s29 =	spop (v2sf)  }
0xc9: {  	p0 =	sle.s32 s29, s0  }
.Ltmp6:
0xca: {  	_ = 	snop;
	(pc) =	sbr.rel @p0 .LBB2_9-.Ltmp6, $3  }
0xcb: {  	_ =	sdelay $0x1  }
0xcc: {  	[sflag:s17] =	ssyncset.done $0x0  }
0xcd: {  	[sflag:s17] =	ssyncadd.s32 $0xFFFFE000  }
0xce: {  	s30 =	sshll.u32 s0, $0x2  }
0xcf: {  	s30 =	sshra.s32 s30, $0x2  }
0xd0: {  	v33 =	vld [tilespmem:s30+$0x0];
	_ =	sdelay $0x4  }
0xd1: {  	(v2sf) =	vpush v33, $0x0;
	_ =	sdelay $0xe  }
0xd2: {  	s31 =	spop (v2sf)  }
0xd3: {  	s2 =	sand.u32 $0x7F, s31  }
0xd4: {  	v61 =	vor.u32 s2, v1;
	_ =	sdelay $0x4  }
0xd5: {  	v33 =	vld.idx.msk [tilespmem:v61+s10+$0x0], $0xffff  }
0xd6: {  	v34 =	vor.u32 s2, v4  }
0xd7: {  	s31 =	sshll.u32 s0, $0x9  }
0xd8: {  	s31 =	sshra.s32 s31, $0x2  }
0xd9: {  	s31 =	sadd.s32 $0xE7A0, s31  }
0xda: {  	[tilespmem:s31+$0xFFFFFFE0] =	vst v33  }
0xdb: {  	v33 =	vld.idx.msk [tilespmem:v34+s10+$0x0], $0xffff  }
0xdc: {  	v62 =	vor.u32 s2, v5;
	_ =	sdelay $0x3  }
0xdd: {  	[tilespmem:s31+$0xFFFFFFF0] =	vst v33  }
0xde: {  	v63 =	vor.u32 s2, v6;
	s2 =	ssub.s32 s29, s0;
	v33 =	vld.idx.msk [tilespmem:v62+s10+$0x0], $0xffff  }
0xdf: {  	p0 =	sne.s32 s2, $0x1  }
.Ltmp7:
0xe0: {  	_ = 	snop;
	(pc) =	sbr.rel @!p0 .LBB2_8-.Ltmp7, $3  }
0xe1: {  	_ =	sdelay $0x1  }
0xe2: {  	[tilespmem:s31+$0x0] =	vst v33  }
0xe3: {  	s0 =	sadd.s32 $0xFFFFFFFF, s2;
	v33 =	vld.idx.msk [tilespmem:v63+s10+$0x0], $0xffff  }
.LBB2_7:
0xe4: {  	_ =	sdelay $0x3  }
0xe5: {  	p0 =	sne.s32 s0, $0x1;
	s30 =	sadd.s32 $0x1, s30;
	[tilespmem:s31+$0x10] =	vst v33;
	s31 =	sadd.s32 $0x80, s31  }
0xe6: {  	s0 =	sadd.s32 $0xFFFFFFFF, s0;
	v33 =	vld [tilespmem:s30+$0x0];
	_ =	sdelay $0x4  }
0xe7: {  	(v2sf) =	vpush v33, $0x0;
	_ =	sdelay $0xe  }
0xe8: {  	s2 =	spop (v2sf)  }
0xe9: {  	s2 =	sand.u32 $0x7F, s2  }
0xea: {  	v33 =	vor.u32 s2, v1;
	_ =	sdelay $0x4  }
0xeb: {  	v33 =	vld.idx.msk [tilespmem:v33+s10+$0x0], $0xffff;
	_ =	sdelay $0x1  }
0xec: {  	v34 =	vor.u32 s2, v4;
	_ =	sdelay $0x3  }
0xed: {  	[tilespmem:s31+$0xFFFFFFE0] =	vst v33  }
0xee: {  	v33 =	vld.idx.msk [tilespmem:v34+s10+$0x0], $0xffff;
	_ =	sdelay $0x1  }
0xef: {  	v34 =	vor.u32 s2, v5;
	_ =	sdelay $0x3  }
0xf0: {  	[tilespmem:s31+$0xFFFFFFF0] =	vst v33  }
0xf1: {  	v33 =	vld.idx.msk [tilespmem:v34+s10+$0x0], $0xffff;
	_ =	sdelay $0x1  }
0xf2: {  	v34 =	vor.u32 s2, v6  }
.Ltmp8:
0xf3: {  	(pc) =	sbr.rel @p0 .LBB2_7-.Ltmp8, $3  }
0xf4: {  	_ =	sdelay $0x1  }
0xf5: {  	[tilespmem:s31+$0x0] =	vst v33  }
0xf6: {  	v33 =	vld.idx.msk [tilespmem:v34+s10+$0x0], $0xffff  }
.LBB2_8:
0xf7: {  	_ =	sdelay $0x3  }
0xf8: {  	[tilespmem:s31+$0x10] =	vst v33  }
.LBB2_9:
0xf9: {  	(v2sf) =	vpush v31, $0x0;
	_ =	sdelay $0xe  }
0xfa: {  	s0 =	spop (v2sf)  }
0xfb: {  	p0 =	sgt.s32 s0, $0x0  }
0xfc: {  	s0 =	simm.s32 @!p0 $0x0  }
0xfd: {  	s0 =	smin.u32 s0, $0x1E84  }
0xfe: {  	s0 =	sshll.u32 s0, $0x7  }
0xff: {  	s0 =	sadd.s32 s1, s0  }
0x100: {  	[tilespmem:s10], [sflag:$0x1] =	stream.strided.gather [hbm4b:s0+s7], $0x2000, s9, s7, $0x38;
	[tilespmem:$0x1E780] =	vst v63  }
0x101: {  	_ =	swait.ge [sflag:s18], $0x2000  }
0x102: {  	(v2sf) =	vpush v32, $0x2;
	_ =	sdelay $0xe  }
0x103: {  	s30 =	spop (v2sf)  }
0x104: {  	p0 =	sle.s32 s30, s29  }
.Ltmp9:
0x105: {  	_ = 	snop;
	(pc) =	sbr.rel @p0 .LBB2_13-.Ltmp9, $3  }
0x106: {  	_ =	sdelay $0x1  }
0x107: {  	[sflag:s18] =	ssyncset.done $0x0  }
0x108: {  	[sflag:s18] =	ssyncadd.s32 $0xFFFFE000  }
0x109: {  	s0 =	sshll.u32 s29, $0x2  }
0x10a: {  	s31 =	sshra.s32 s0, $0x2  }
0x10b: {  	v33 =	vld [tilespmem:s31+$0x0];
	_ =	sdelay $0x4  }
0x10c: {  	(v2sf) =	vpush v33, $0x0;
	_ =	sdelay $0xe  }
0x10d: {  	s2 =	spop (v2sf)  }
0x10e: {  	s2 =	sand.u32 $0x7F, s2  }
0x10f: {  	v61 =	vor.u32 s2, v7;
	_ =	sdelay $0x4  }
0x110: {  	v33 =	vld.idx.msk [tilespmem:v61+s10+$0x0], $0xffff  }
0x111: {  	v34 =	vor.u32 s2, v8  }
0x112: {  	s0 =	sshll.u32 s29, $0x9  }
0x113: {  	s0 =	sshra.s32 s0, $0x2  }
0x114: {  	s0 =	sadd.s32 $0xE7A0, s0  }
0x115: {  	[tilespmem:s0+$0xFFFFFFE0] =	vst v33  }
0x116: {  	v33 =	vld.idx.msk [tilespmem:v34+s10+$0x0], $0xffff  }
0x117: {  	v62 =	vor.u32 s2, v9;
	_ =	sdelay $0x3  }
0x118: {  	[tilespmem:s0+$0xFFFFFFF0] =	vst v33  }
0x119: {  	v63 =	vor.u32 s2, v10;
	s2 =	ssub.s32 s30, s29;
	v33 =	vld.idx.msk [tilespmem:v62+s10+$0x0], $0xffff  }
0x11a: {  	p0 =	sne.s32 s2, $0x1  }
.Ltmp10:
0x11b: {  	_ = 	snop;
	(pc) =	sbr.rel @!p0 .LBB2_12-.Ltmp10, $3  }
0x11c: {  	_ =	sdelay $0x1  }
0x11d: {  	[tilespmem:s0+$0x0] =	vst v33  }
0x11e: {  	s29 =	sadd.s32 $0xFFFFFFFF, s2;
	v33 =	vld.idx.msk [tilespmem:v63+s10+$0x0], $0xffff  }
.LBB2_11:
0x11f: {  	_ =	sdelay $0x3  }
0x120: {  	p0 =	sne.s32 s29, $0x1;
	s31 =	sadd.s32 $0x1, s31;
	[tilespmem:s0+$0x10] =	vst v33;
	s0 =	sadd.s32 $0x80, s0  }
0x121: {  	s29 =	sadd.s32 $0xFFFFFFFF, s29;
	v33 =	vld [tilespmem:s31+$0x0];
	_ =	sdelay $0x4  }
0x122: {  	(v2sf) =	vpush v33, $0x0;
	_ =	sdelay $0xe  }
0x123: {  	s2 =	spop (v2sf)  }
0x124: {  	s2 =	sand.u32 $0x7F, s2  }
0x125: {  	v33 =	vor.u32 s2, v7;
	_ =	sdelay $0x4  }
0x126: {  	v33 =	vld.idx.msk [tilespmem:v33+s10+$0x0], $0xffff;
	_ =	sdelay $0x1  }
0x127: {  	v34 =	vor.u32 s2, v8;
	_ =	sdelay $0x3  }
0x128: {  	[tilespmem:s0+$0xFFFFFFE0] =	vst v33  }
0x129: {  	v33 =	vld.idx.msk [tilespmem:v34+s10+$0x0], $0xffff;
	_ =	sdelay $0x1  }
0x12a: {  	v34 =	vor.u32 s2, v9;
	_ =	sdelay $0x3  }
0x12b: {  	[tilespmem:s0+$0xFFFFFFF0] =	vst v33  }
0x12c: {  	v33 =	vld.idx.msk [tilespmem:v34+s10+$0x0], $0xffff;
	_ =	sdelay $0x1  }
0x12d: {  	v34 =	vor.u32 s2, v10  }
.Ltmp11:
0x12e: {  	(pc) =	sbr.rel @p0 .LBB2_11-.Ltmp11, $3  }
0x12f: {  	_ =	sdelay $0x1  }
0x130: {  	[tilespmem:s0+$0x0] =	vst v33  }
0x131: {  	v33 =	vld.idx.msk [tilespmem:v34+s10+$0x0], $0xffff  }
.LBB2_12:
0x132: {  	_ =	sdelay $0x3  }
0x133: {  	[tilespmem:s0+$0x10] =	vst v33  }
.LBB2_13:
0x134: {  	(v2sf) =	vpush v31, $0x1;
	_ =	sdelay $0xe  }
0x135: {  	s0 =	spop (v2sf)  }
0x136: {  	p0 =	sgt.s32 s0, $0x0  }
0x137: {  	s0 =	simm.s32 @!p0 $0x0  }
0x138: {  	s0 =	smin.u32 s0, $0x1E84  }
0x139: {  	s0 =	sshll.u32 s0, $0x7  }
0x13a: {  	s0 =	sadd.s32 s1, s0  }
0x13b: {  	[tilespmem:s11], [sflag:$0x2] =	stream.strided.gather [hbm4b:s0+s7], $0x2000, s9, s7, $0x38;
	[tilespmem:$0x1E780] =	vst v63  }
0x13c: {  	_ =	swait.ge [sflag:s19], $0x2000  }
0x13d: {  	(v2sf) =	vpush v32, $0x3;
	_ =	sdelay $0xe  }
0x13e: {  	s29 =	spop (v2sf)  }
0x13f: {  	p0 =	sle.s32 s29, s30  }
.Ltmp12:
0x140: {  	_ = 	snop;
	(pc) =	sbr.rel @p0 .LBB2_17-.Ltmp12, $3  }
0x141: {  	_ =	sdelay $0x1  }
0x142: {  	[sflag:s19] =	ssyncset.done $0x0  }
0x143: {  	[sflag:s19] =	ssyncadd.s32 $0xFFFFE000  }
0x144: {  	s0 =	sshll.u32 s30, $0x2  }
0x145: {  	s31 =	sshra.s32 s0, $0x2  }
0x146: {  	v33 =	vld [tilespmem:s31+$0x0];
	_ =	sdelay $0x4  }
0x147: {  	(v2sf) =	vpush v33, $0x0;
	_ =	sdelay $0xe  }
0x148: {  	s2 =	spop (v2sf)  }
0x149: {  	s2 =	sand.u32 $0x7F, s2  }
0x14a: {  	v61 =	vor.u32 s2, v11;
	_ =	sdelay $0x4  }
0x14b: {  	v33 =	vld.idx.msk [tilespmem:v61+s10+$0x0], $0xffff  }
0x14c: {  	v34 =	vor.u32 s2, v12  }
0x14d: {  	s0 =	sshll.u32 s30, $0x9  }
0x14e: {  	s0 =	sshra.s32 s0, $0x2  }
0x14f: {  	s0 =	sadd.s32 $0xE7A0, s0  }
0x150: {  	[tilespmem:s0+$0xFFFFFFE0] =	vst v33  }
0x151: {  	v33 =	vld.idx.msk [tilespmem:v34+s10+$0x0], $0xffff  }
0x152: {  	v62 =	vor.u32 s2, v13;
	_ =	sdelay $0x3  }
0x153: {  	[tilespmem:s0+$0xFFFFFFF0] =	vst v33  }
0x154: {  	v63 =	vor.u32 s2, v14;
	s2 =	ssub.s32 s29, s30;
	v33 =	vld.idx.msk [tilespmem:v62+s10+$0x0], $0xffff  }
0x155: {  	p0 =	sne.s32 s2, $0x1  }
.Ltmp13:
0x156: {  	_ = 	snop;
	(pc) =	sbr.rel @!p0 .LBB2_16-.Ltmp13, $3  }
0x157: {  	_ =	sdelay $0x1  }
0x158: {  	[tilespmem:s0+$0x0] =	vst v33  }
0x159: {  	s30 =	sadd.s32 $0xFFFFFFFF, s2;
	v33 =	vld.idx.msk [tilespmem:v63+s10+$0x0], $0xffff  }
.LBB2_15:
0x15a: {  	_ =	sdelay $0x3  }
0x15b: {  	p0 =	sne.s32 s30, $0x1;
	s31 =	sadd.s32 $0x1, s31;
	[tilespmem:s0+$0x10] =	vst v33;
	s0 =	sadd.s32 $0x80, s0  }
0x15c: {  	s30 =	sadd.s32 $0xFFFFFFFF, s30;
	v33 =	vld [tilespmem:s31+$0x0];
	_ =	sdelay $0x4  }
0x15d: {  	(v2sf) =	vpush v33, $0x0;
	_ =	sdelay $0xe  }
0x15e: {  	s2 =	spop (v2sf)  }
0x15f: {  	s2 =	sand.u32 $0x7F, s2  }
0x160: {  	v33 =	vor.u32 s2, v11;
	_ =	sdelay $0x4  }
0x161: {  	v33 =	vld.idx.msk [tilespmem:v33+s10+$0x0], $0xffff;
	_ =	sdelay $0x1  }
0x162: {  	v34 =	vor.u32 s2, v12;
	_ =	sdelay $0x3  }
0x163: {  	[tilespmem:s0+$0xFFFFFFE0] =	vst v33  }
0x164: {  	v33 =	vld.idx.msk [tilespmem:v34+s10+$0x0], $0xffff;
	_ =	sdelay $0x1  }
0x165: {  	v34 =	vor.u32 s2, v13;
	_ =	sdelay $0x3  }
0x166: {  	[tilespmem:s0+$0xFFFFFFF0] =	vst v33  }
0x167: {  	v33 =	vld.idx.msk [tilespmem:v34+s10+$0x0], $0xffff;
	_ =	sdelay $0x1  }
0x168: {  	v34 =	vor.u32 s2, v14  }
.Ltmp14:
0x169: {  	(pc) =	sbr.rel @p0 .LBB2_15-.Ltmp14, $3  }
0x16a: {  	_ =	sdelay $0x1  }
0x16b: {  	[tilespmem:s0+$0x0] =	vst v33  }
0x16c: {  	v33 =	vld.idx.msk [tilespmem:v34+s10+$0x0], $0xffff  }
.LBB2_16:
0x16d: {  	_ =	sdelay $0x3  }
0x16e: {  	[tilespmem:s0+$0x10] =	vst v33  }
.LBB2_17:
0x16f: {  	(v2sf) =	vpush v31, $0x2;
	_ =	sdelay $0xe  }
0x170: {  	s0 =	spop (v2sf)  }
0x171: {  	p0 =	sgt.s32 s0, $0x0  }
0x172: {  	s0 =	simm.s32 @!p0 $0x0  }
0x173: {  	s0 =	smin.u32 s0, $0x1E84  }
0x174: {  	s0 =	sshll.u32 s0, $0x7  }
0x175: {  	s0 =	sadd.s32 s1, s0  }
0x176: {  	[tilespmem:s12], [sflag:$0x3] =	stream.strided.gather [hbm4b:s0+s7], $0x2000, s9, s7, $0x38;
	[tilespmem:$0x1E780] =	vst v63  }
0x177: {  	_ =	swait.ge [sflag:s20], $0x2000  }
0x178: {  	(v2sf) =	vpush v32, $0x4;
	_ =	sdelay $0xe  }
0x179: {  	s30 =	spop (v2sf)  }
0x17a: {  	p0 =	sle.s32 s30, s29  }
.Ltmp15:
0x17b: {  	_ = 	snop;
	(pc) =	sbr.rel @p0 .LBB2_21-.Ltmp15, $3  }
0x17c: {  	_ =	sdelay $0x1  }
0x17d: {  	[sflag:s20] =	ssyncset.done $0x0  }
0x17e: {  	[sflag:s20] =	ssyncadd.s32 $0xFFFFE000  }
0x17f: {  	s0 =	sshll.u32 s29, $0x2  }
0x180: {  	s31 =	sshra.s32 s0, $0x2  }
0x181: {  	v33 =	vld [tilespmem:s31+$0x0];
	_ =	sdelay $0x4  }
0x182: {  	(v2sf) =	vpush v33, $0x0;
	_ =	sdelay $0xe  }
0x183: {  	s2 =	spop (v2sf)  }
0x184: {  	s2 =	sand.u32 $0x7F, s2  }
0x185: {  	v61 =	vor.u32 s2, v15;
	_ =	sdelay $0x4  }
0x186: {  	v33 =	vld.idx.msk [tilespmem:v61+s10+$0x0], $0xffff  }
0x187: {  	v34 =	vor.u32 s2, v16  }
0x188: {  	s0 =	sshll.u32 s29, $0x9  }
0x189: {  	s0 =	sshra.s32 s0, $0x2  }
0x18a: {  	s0 =	sadd.s32 $0xE7A0, s0  }
0x18b: {  	[tilespmem:s0+$0xFFFFFFE0] =	vst v33  }
0x18c: {  	v33 =	vld.idx.msk [tilespmem:v34+s10+$0x0], $0xffff  }
0x18d: {  	v62 =	vor.u32 s2, v17;
	_ =	sdelay $0x3  }
0x18e: {  	[tilespmem:s0+$0xFFFFFFF0] =	vst v33  }
0x18f: {  	v63 =	vor.u32 s2, v18;
	s2 =	ssub.s32 s30, s29;
	v33 =	vld.idx.msk [tilespmem:v62+s10+$0x0], $0xffff  }
0x190: {  	p0 =	sne.s32 s2, $0x1  }
.Ltmp16:
0x191: {  	_ = 	snop;
	(pc) =	sbr.rel @!p0 .LBB2_20-.Ltmp16, $3  }
0x192: {  	_ =	sdelay $0x1  }
0x193: {  	[tilespmem:s0+$0x0] =	vst v33  }
0x194: {  	s29 =	sadd.s32 $0xFFFFFFFF, s2;
	v33 =	vld.idx.msk [tilespmem:v63+s10+$0x0], $0xffff  }
.LBB2_19:
0x195: {  	_ =	sdelay $0x3  }
0x196: {  	p0 =	sne.s32 s29, $0x1;
	s31 =	sadd.s32 $0x1, s31;
	[tilespmem:s0+$0x10] =	vst v33;
	s0 =	sadd.s32 $0x80, s0  }
0x197: {  	s29 =	sadd.s32 $0xFFFFFFFF, s29;
	v33 =	vld [tilespmem:s31+$0x0];
	_ =	sdelay $0x4  }
0x198: {  	(v2sf) =	vpush v33, $0x0;
	_ =	sdelay $0xe  }
0x199: {  	s2 =	spop (v2sf)  }
0x19a: {  	s2 =	sand.u32 $0x7F, s2  }
0x19b: {  	v33 =	vor.u32 s2, v15;
	_ =	sdelay $0x4  }
0x19c: {  	v33 =	vld.idx.msk [tilespmem:v33+s10+$0x0], $0xffff;
	_ =	sdelay $0x1  }
0x19d: {  	v34 =	vor.u32 s2, v16;
	_ =	sdelay $0x3  }
0x19e: {  	[tilespmem:s0+$0xFFFFFFE0] =	vst v33  }
0x19f: {  	v33 =	vld.idx.msk [tilespmem:v34+s10+$0x0], $0xffff;
	_ =	sdelay $0x1  }
0x1a0: {  	v34 =	vor.u32 s2, v17;
	_ =	sdelay $0x3  }
0x1a1: {  	[tilespmem:s0+$0xFFFFFFF0] =	vst v33  }
0x1a2: {  	v33 =	vld.idx.msk [tilespmem:v34+s10+$0x0], $0xffff;
	_ =	sdelay $0x1  }
0x1a3: {  	v34 =	vor.u32 s2, v18  }
.Ltmp17:
0x1a4: {  	(pc) =	sbr.rel @p0 .LBB2_19-.Ltmp17, $3  }
0x1a5: {  	_ =	sdelay $0x1  }
0x1a6: {  	[tilespmem:s0+$0x0] =	vst v33  }
0x1a7: {  	v33 =	vld.idx.msk [tilespmem:v34+s10+$0x0], $0xffff  }
.LBB2_20:
0x1a8: {  	_ =	sdelay $0x3  }
0x1a9: {  	[tilespmem:s0+$0x10] =	vst v33  }
.LBB2_21:
0x1aa: {  	(v2sf) =	vpush v31, $0x3;
	_ =	sdelay $0xe  }
0x1ab: {  	s0 =	spop (v2sf)  }
0x1ac: {  	p0 =	sgt.s32 s0, $0x0  }
0x1ad: {  	s0 =	simm.s32 @!p0 $0x0  }
0x1ae: {  	s0 =	smin.u32 s0, $0x1E84  }
0x1af: {  	s0 =	sshll.u32 s0, $0x7  }
0x1b0: {  	s0 =	sadd.s32 s1, s0  }
0x1b1: {  	[tilespmem:s13], [sflag:$0x4] =	stream.strided.gather [hbm4b:s0+s7], $0x2000, s9, s7, $0x38;
	[tilespmem:$0x1E780] =	vst v63  }
0x1b2: {  	_ =	swait.ge [sflag:s21], $0x2000  }
0x1b3: {  	(v2sf) =	vpush v32, $0x5;
	_ =	sdelay $0xe  }
0x1b4: {  	s29 =	spop (v2sf)  }
0x1b5: {  	p0 =	sle.s32 s29, s30  }
.Ltmp18:
0x1b6: {  	_ = 	snop;
	(pc) =	sbr.rel @p0 .LBB2_25-.Ltmp18, $3  }
0x1b7: {  	_ =	sdelay $0x1  }
0x1b8: {  	[sflag:s21] =	ssyncset.done $0x0  }
0x1b9: {  	[sflag:s21] =	ssyncadd.s32 $0xFFFFE000  }
0x1ba: {  	s0 =	sshll.u32 s30, $0x2  }
0x1bb: {  	s31 =	sshra.s32 s0, $0x2  }
0x1bc: {  	v33 =	vld [tilespmem:s31+$0x0];
	_ =	sdelay $0x4  }
0x1bd: {  	(v2sf) =	vpush v33, $0x0;
	_ =	sdelay $0xe  }
0x1be: {  	s2 =	spop (v2sf)  }
0x1bf: {  	s2 =	sand.u32 $0x7F, s2  }
0x1c0: {  	v61 =	vor.u32 s2, v19;
	_ =	sdelay $0x4  }
0x1c1: {  	v33 =	vld.idx.msk [tilespmem:v61+s10+$0x0], $0xffff  }
0x1c2: {  	v34 =	vor.u32 s2, v20  }
0x1c3: {  	s0 =	sshll.u32 s30, $0x9  }
0x1c4: {  	s0 =	sshra.s32 s0, $0x2  }
0x1c5: {  	s0 =	sadd.s32 $0xE7A0, s0  }
0x1c6: {  	[tilespmem:s0+$0xFFFFFFE0] =	vst v33  }
0x1c7: {  	v33 =	vld.idx.msk [tilespmem:v34+s10+$0x0], $0xffff  }
0x1c8: {  	v62 =	vor.u32 s2, v21;
	_ =	sdelay $0x3  }
0x1c9: {  	[tilespmem:s0+$0xFFFFFFF0] =	vst v33  }
0x1ca: {  	v63 =	vor.u32 s2, v22;
	s2 =	ssub.s32 s29, s30;
	v33 =	vld.idx.msk [tilespmem:v62+s10+$0x0], $0xffff  }
0x1cb: {  	p0 =	sne.s32 s2, $0x1  }
.Ltmp19:
0x1cc: {  	_ = 	snop;
	(pc) =	sbr.rel @!p0 .LBB2_24-.Ltmp19, $3  }
0x1cd: {  	_ =	sdelay $0x1  }
0x1ce: {  	[tilespmem:s0+$0x0] =	vst v33  }
0x1cf: {  	s30 =	sadd.s32 $0xFFFFFFFF, s2;
	v33 =	vld.idx.msk [tilespmem:v63+s10+$0x0], $0xffff  }
.LBB2_23:
0x1d0: {  	_ =	sdelay $0x3  }
0x1d1: {  	p0 =	sne.s32 s30, $0x1;
	s31 =	sadd.s32 $0x1, s31;
	[tilespmem:s0+$0x10] =	vst v33;
	s0 =	sadd.s32 $0x80, s0  }
0x1d2: {  	s30 =	sadd.s32 $0xFFFFFFFF, s30;
	v33 =	vld [tilespmem:s31+$0x0];
	_ =	sdelay $0x4  }
0x1d3: {  	(v2sf) =	vpush v33, $0x0;
	_ =	sdelay $0xe  }
0x1d4: {  	s2 =	spop (v2sf)  }
0x1d5: {  	s2 =	sand.u32 $0x7F, s2  }
0x1d6: {  	v33 =	vor.u32 s2, v19;
	_ =	sdelay $0x4  }
0x1d7: {  	v33 =	vld.idx.msk [tilespmem:v33+s10+$0x0], $0xffff;
	_ =	sdelay $0x1  }
0x1d8: {  	v34 =	vor.u32 s2, v20;
	_ =	sdelay $0x3  }
0x1d9: {  	[tilespmem:s0+$0xFFFFFFE0] =	vst v33  }
0x1da: {  	v33 =	vld.idx.msk [tilespmem:v34+s10+$0x0], $0xffff;
	_ =	sdelay $0x1  }
0x1db: {  	v34 =	vor.u32 s2, v21;
	_ =	sdelay $0x3  }
0x1dc: {  	[tilespmem:s0+$0xFFFFFFF0] =	vst v33  }
0x1dd: {  	v33 =	vld.idx.msk [tilespmem:v34+s10+$0x0], $0xffff;
	_ =	sdelay $0x1  }
0x1de: {  	v34 =	vor.u32 s2, v22  }
.Ltmp20:
0x1df: {  	(pc) =	sbr.rel @p0 .LBB2_23-.Ltmp20, $3  }
0x1e0: {  	_ =	sdelay $0x1  }
0x1e1: {  	[tilespmem:s0+$0x0] =	vst v33  }
0x1e2: {  	v33 =	vld.idx.msk [tilespmem:v34+s10+$0x0], $0xffff  }
.LBB2_24:
0x1e3: {  	_ =	sdelay $0x3  }
0x1e4: {  	[tilespmem:s0+$0x10] =	vst v33  }
.LBB2_25:
0x1e5: {  	(v2sf) =	vpush v31, $0x4;
	_ =	sdelay $0xe  }
0x1e6: {  	s0 =	spop (v2sf)  }
0x1e7: {  	p0 =	sgt.s32 s0, $0x0  }
0x1e8: {  	s0 =	simm.s32 @!p0 $0x0  }
0x1e9: {  	s0 =	smin.u32 s0, $0x1E84  }
0x1ea: {  	s0 =	sshll.u32 s0, $0x7  }
0x1eb: {  	s0 =	sadd.s32 s1, s0  }
0x1ec: {  	[tilespmem:s14], [sflag:$0x5] =	stream.strided.gather [hbm4b:s0+s7], $0x2000, s9, s7, $0x38;
	[tilespmem:$0x1E780] =	vst v63  }
0x1ed: {  	_ =	swait.ge [sflag:s22], $0x2000  }
0x1ee: {  	(v2sf) =	vpush v32, $0x6;
	_ =	sdelay $0xe  }
0x1ef: {  	s30 =	spop (v2sf)  }
0x1f0: {  	p0 =	sle.s32 s30, s29  }
.Ltmp21:
0x1f1: {  	_ = 	snop;
	(pc) =	sbr.rel @p0 .LBB2_29-.Ltmp21, $3  }
0x1f2: {  	_ =	sdelay $0x1  }
0x1f3: {  	[sflag:s22] =	ssyncset.done $0x0  }
0x1f4: {  	[sflag:s22] =	ssyncadd.s32 $0xFFFFE000  }
0x1f5: {  	s0 =	sshll.u32 s29, $0x2  }
0x1f6: {  	s31 =	sshra.s32 s0, $0x2  }
0x1f7: {  	v33 =	vld [tilespmem:s31+$0x0];
	_ =	sdelay $0x4  }
0x1f8: {  	(v2sf) =	vpush v33, $0x0;
	_ =	sdelay $0xe  }
0x1f9: {  	s2 =	spop (v2sf)  }
0x1fa: {  	s2 =	sand.u32 $0x7F, s2  }
0x1fb: {  	v61 =	vor.u32 s2, v23;
	_ =	sdelay $0x4  }
0x1fc: {  	v33 =	vld.idx.msk [tilespmem:v61+s10+$0x0], $0xffff  }
0x1fd: {  	v34 =	vor.u32 s2, v24  }
0x1fe: {  	s0 =	sshll.u32 s29, $0x9  }
0x1ff: {  	s0 =	sshra.s32 s0, $0x2  }
0x200: {  	s0 =	sadd.s32 $0xE7A0, s0  }
0x201: {  	[tilespmem:s0+$0xFFFFFFE0] =	vst v33  }
0x202: {  	v33 =	vld.idx.msk [tilespmem:v34+s10+$0x0], $0xffff  }
0x203: {  	v62 =	vor.u32 s2, v25;
	_ =	sdelay $0x3  }
0x204: {  	[tilespmem:s0+$0xFFFFFFF0] =	vst v33  }
0x205: {  	v63 =	vor.u32 s2, v26;
	s2 =	ssub.s32 s30, s29;
	v33 =	vld.idx.msk [tilespmem:v62+s10+$0x0], $0xffff  }
0x206: {  	p0 =	sne.s32 s2, $0x1  }
.Ltmp22:
0x207: {  	_ = 	snop;
	(pc) =	sbr.rel @!p0 .LBB2_28-.Ltmp22, $3  }
0x208: {  	_ =	sdelay $0x1  }
0x209: {  	[tilespmem:s0+$0x0] =	vst v33  }
0x20a: {  	s29 =	sadd.s32 $0xFFFFFFFF, s2;
	v33 =	vld.idx.msk [tilespmem:v63+s10+$0x0], $0xffff  }
.LBB2_27:
0x20b: {  	_ =	sdelay $0x3  }
0x20c: {  	p0 =	sne.s32 s29, $0x1;
	s31 =	sadd.s32 $0x1, s31;
	[tilespmem:s0+$0x10] =	vst v33;
	s0 =	sadd.s32 $0x80, s0  }
0x20d: {  	s29 =	sadd.s32 $0xFFFFFFFF, s29;
	v33 =	vld [tilespmem:s31+$0x0];
	_ =	sdelay $0x4  }
0x20e: {  	(v2sf) =	vpush v33, $0x0;
	_ =	sdelay $0xe  }
0x20f: {  	s2 =	spop (v2sf)  }
0x210: {  	s2 =	sand.u32 $0x7F, s2  }
0x211: {  	v33 =	vor.u32 s2, v23;
	_ =	sdelay $0x4  }
0x212: {  	v33 =	vld.idx.msk [tilespmem:v33+s10+$0x0], $0xffff;
	_ =	sdelay $0x1  }
0x213: {  	v34 =	vor.u32 s2, v24;
	_ =	sdelay $0x3  }
0x214: {  	[tilespmem:s0+$0xFFFFFFE0] =	vst v33  }
0x215: {  	v33 =	vld.idx.msk [tilespmem:v34+s10+$0x0], $0xffff;
	_ =	sdelay $0x1  }
0x216: {  	v34 =	vor.u32 s2, v25;
	_ =	sdelay $0x3  }
0x217: {  	[tilespmem:s0+$0xFFFFFFF0] =	vst v33  }
0x218: {  	v33 =	vld.idx.msk [tilespmem:v34+s10+$0x0], $0xffff;
	_ =	sdelay $0x1  }
0x219: {  	v34 =	vor.u32 s2, v26  }
.Ltmp23:
0x21a: {  	(pc) =	sbr.rel @p0 .LBB2_27-.Ltmp23, $3  }
0x21b: {  	_ =	sdelay $0x1  }
0x21c: {  	[tilespmem:s0+$0x0] =	vst v33  }
0x21d: {  	v33 =	vld.idx.msk [tilespmem:v34+s10+$0x0], $0xffff  }
.LBB2_28:
0x21e: {  	_ =	sdelay $0x3  }
0x21f: {  	[tilespmem:s0+$0x10] =	vst v33  }
.LBB2_29:
0x220: {  	(v2sf) =	vpush v31, $0x5;
	_ =	sdelay $0xe  }
0x221: {  	s0 =	spop (v2sf)  }
0x222: {  	p0 =	sgt.s32 s0, $0x0  }
0x223: {  	s0 =	simm.s32 @!p0 $0x0  }
0x224: {  	s0 =	smin.u32 s0, $0x1E84  }
0x225: {  	s0 =	sshll.u32 s0, $0x7  }
0x226: {  	s0 =	sadd.s32 s1, s0  }
0x227: {  	[tilespmem:s15], [sflag:$0x6] =	stream.strided.gather [hbm4b:s0+s7], $0x2000, s9, s7, $0x38;
	[tilespmem:$0x1E780] =	vst v63  }
0x228: {  	_ =	swait.ge [sflag:s23], $0x2000  }
0x229: {  	(v2sf) =	vpush v32, $0x7;
	_ =	sdelay $0xe  }
0x22a: {  	s31 =	spop (v2sf)  }
0x22b: {  	p0 =	sle.s32 s31, s30  }
.Ltmp24:
0x22c: {  	_ = 	snop;
	(pc) =	sbr.rel @p0 .LBB2_33-.Ltmp24, $3  }
0x22d: {  	_ =	sdelay $0x1  }
0x22e: {  	[sflag:s23] =	ssyncset.done $0x0  }
0x22f: {  	[sflag:s23] =	ssyncadd.s32 $0xFFFFE000  }
0x230: {  	s0 =	sshll.u32 s30, $0x2  }
0x231: {  	s29 =	sshra.s32 s0, $0x2  }
0x232: {  	v32 =	vld [tilespmem:s29+$0x0];
	_ =	sdelay $0x4  }
0x233: {  	(v2sf) =	vpush v32, $0x0;
	_ =	sdelay $0xe  }
0x234: {  	s2 =	spop (v2sf)  }
0x235: {  	s2 =	sand.u32 $0x7F, s2  }
0x236: {  	v61 =	vor.u32 s2, v27;
	_ =	sdelay $0x4  }
0x237: {  	v32 =	vld.idx.msk [tilespmem:v61+s10+$0x0], $0xffff  }
0x238: {  	v33 =	vor.u32 s2, v28  }
0x239: {  	s0 =	sshll.u32 s30, $0x9  }
0x23a: {  	s0 =	sshra.s32 s0, $0x2  }
0x23b: {  	s0 =	sadd.s32 $0xE7A0, s0  }
0x23c: {  	[tilespmem:s0+$0xFFFFFFE0] =	vst v32  }
0x23d: {  	v32 =	vld.idx.msk [tilespmem:v33+s10+$0x0], $0xffff  }
0x23e: {  	v62 =	vor.u32 s2, v29;
	_ =	sdelay $0x3  }
0x23f: {  	[tilespmem:s0+$0xFFFFFFF0] =	vst v32  }
0x240: {  	v32 =	vld.idx.msk [tilespmem:v62+s10+$0x0], $0xffff  }
0x241: {  	v63 =	vor.u32 s2, v30;
	_ =	sdelay $0x2  }
0x242: {  	s31 =	ssub.s32 s31, s30  }
0x243: {  	p0 =	sne.s32 s31, $0x1;
	[tilespmem:s0+$0x0] =	vst v32  }
.Ltmp25:
0x244: {  	v32 =	vld.idx.msk [tilespmem:v63+s10+$0x0], $0xffff;
	(pc) =	sbr.rel @!p0 .LBB2_32-.Ltmp25, $2  }
0x245: {  	_ =	sdelay $0x2  }
0x246: {  	s30 =	sadd.s32 $0xFFFFFFFF, s31  }
.LBB2_31:
0x247: {  	p0 =	sne.s32 s30, $0x1;
	[tilespmem:s0+$0x10] =	vst v32;
	s29 =	sadd.s32 $0x1, s29;
	s0 =	sadd.s32 $0x80, s0  }
0x248: {  	s30 =	sadd.s32 $0xFFFFFFFF, s30;
	v32 =	vld [tilespmem:s29+$0x0];
	_ =	sdelay $0x4  }
0x249: {  	(v2sf) =	vpush v32, $0x0;
	_ =	sdelay $0xe  }
0x24a: {  	s2 =	spop (v2sf)  }
0x24b: {  	s2 =	sand.u32 $0x7F, s2  }
0x24c: {  	v32 =	vor.u32 s2, v27;
	_ =	sdelay $0x4  }
0x24d: {  	v32 =	vld.idx.msk [tilespmem:v32+s10+$0x0], $0xffff;
	_ =	sdelay $0x1  }
0x24e: {  	v33 =	vor.u32 s2, v28;
	_ =	sdelay $0x3  }
0x24f: {  	[tilespmem:s0+$0xFFFFFFE0] =	vst v32  }
0x250: {  	v32 =	vld.idx.msk [tilespmem:v33+s10+$0x0], $0xffff;
	_ =	sdelay $0x1  }
0x251: {  	v33 =	vor.u32 s2, v29;
	_ =	sdelay $0x3  }
0x252: {  	[tilespmem:s0+$0xFFFFFFF0] =	vst v32  }
0x253: {  	v32 =	vld.idx.msk [tilespmem:v33+s10+$0x0], $0xffff;
	_ =	sdelay $0x1  }
0x254: {  	v33 =	vor.u32 s2, v30  }
.Ltmp26:
0x255: {  	(pc) =	sbr.rel @p0 .LBB2_31-.Ltmp26, $3  }
0x256: {  	_ =	sdelay $0x1  }
0x257: {  	[tilespmem:s0+$0x0] =	vst v32  }
0x258: {  	v32 =	vld.idx.msk [tilespmem:v33+s10+$0x0], $0xffff  }
.Ltmp27:
0x259: {  	_ = 	snop;
	(pc) =	sbr.rel .LBB2_32-.Ltmp27, $1  }
0x25a: {  	_ =	sdelay $0x3  }
.LBB2_35:
0x25b: {  	_ =	sfence.sel $0x180000  }
0x25c: {  	[bflag:$0x0] =	sbarrier.arrive $0xFFFF  }
0x25d: {  	_ =	strace $0x90000047  }
0x25e: {  	s0 =	stileid.u32;
	[bflag:$0x2] =	sbarrier.arrive $0xFFFF  }
0x25f: {  	p0 =	sne.s32 s0, $0x0;
	s0 =	rddreg [dreg:$0x3]  }
0x260: {  	s0 =	sadd.s32 @!p0 $0x100000, s0  }
0x261: {  	[sflag:s0] =	ssyncadd.tile.s32 @!p0 $0x1;
	_ =	shalt  }
.Lfunc_end2:
_tile_overlayer_lowered:
.L_overlay_start_2:
0x262: {  	(tag) =	ssettag $0x2  }
0x263: {  	s0 =	rddreg [dreg:$0x0];
	s2 =	stileid.u32  }
0x264: {  	s1 =	rddreg [dreg:$0x1];
	p0 =	sne.s32 s2, $0x0  }
0x265: {  	s3 =	rddreg [dreg:$0x2];
	[bflag:$0x3] =	sbarrier.arrive $0xFFFF;
	s2 =	simm.s32 @!p0 $0x1C08  }
0x266: {  	[timem:s3], [sflag:s2] =	dma.local @!p0 [hbm:s0], s1  }
0x267: {  	s0 =	simm.s32 @!p0 $0x8  }
0x268: {  	_ =	swait.ge @!p0 [sflag:s0], s1  }
0x269: {  	s1 =	ssub.s32 @!p0 $0x0, s1;
	[sflag:s0] =	ssyncset.done @!p0 $0x0  }
0x26a: {  	[sflag:s0] =	ssyncadd.s32 @!p0 s1  }
0x26b: {  	[bflag:$0x3] =	sbarrier.arrive $0xFFFF  }
0x26c: {  	_ =	shalt  }

</sc_bundles>
